<compile_context>
chip_gen: v7x
topology: tpu7x:2x2x1
jax: 0.10.2.dev20260603
libtpu: 0.0.44.dev20260713+nightly
codegen_flags: <defaults>
</compile_context>

<pallas_src>
import functools

import jax
import jax.numpy as jnp
from jax import lax
from jax.experimental import pallas as pl
from jax.experimental.pallas import tpu as pltpu
from jax.experimental.pallas import tpu_sc as plsc

_SIDE = 7
_NB = 2
_NC = 20
_L = _SIDE * _SIDE
_NOOBJ = 0.5
_OBJ = 0.5
_CLS = 0.5
_COORD = 2.5

_N = 256
_NW = 32
_ROWS_PER_W = _N // _NW
_CELLS_PER_W = _ROWS_PER_W * _L
_CHUNKS = (_CELLS_PER_W + 15) // 16
_IN_COLS = _L * (_NC + 5 * _NB)
_LAB_COLS = _L * (1 + _NC + 4)
_CONF0 = _L * _NC
_BOX0 = _L * (_NC + _NB)


def _sqrt16(a):
    i = lax.bitcast_convert_type(a, jnp.int32)
    g = lax.bitcast_convert_type((i >> 1) + 0x1FBD1DF5, jnp.float32)
    g = 0.5 * (g + a / g)
    g = 0.5 * (g + a / g)
    return g


def _nz(x):
    return jnp.where(x != x, 0.0, x)


_INV_SIDE = 1.0 / _SIDE


def _cell_chunk_loss(ld_cls, ld_conf, ld_box, ld_lab, valid):
    lab0 = ld_lab(0)
    obj = lab0 != 0.0
    tx = ld_lab(21) * _INV_SIDE
    ty = ld_lab(22) * _INV_SIDE
    tw = ld_lab(23)
    th = ld_lab(24)

    ious = []
    r2s = []
    boxes = []
    for b in range(_NB):
        bx = ld_box(b, 0)
        by = ld_box(b, 1)
        bw = ld_box(b, 2)
        bh = ld_box(b, 3)
        boxes.append((bx, by, bw, bh))
        ox = bx * _INV_SIDE
        oy = by * _INV_SIDE
        ow = bw * bw
        oh = bh * bh
        left = jnp.maximum(tx - 0.5 * tw, ox - 0.5 * ow)
        right = jnp.minimum(tx + 0.5 * tw, ox + 0.5 * ow)
        top = jnp.maximum(ty - 0.5 * th, oy - 0.5 * oh)
        bottom = jnp.minimum(ty + 0.5 * th, oy + 0.5 * oh)
        w = right - left
        h = bottom - top
        inter = w * h
        union = tw * th + ow * oh - inter
        ious.append(jnp.where((w < 0) | (h < 0), 0.0, inter / union))
        dx = tx - ox
        dy = ty - oy
        dw = tw - ow
        dh = th - oh
        r2s.append(dx * dx + dy * dy + dw * dw + dh * dh)

    iou0, iou1 = ious
    r20, r21 = r2s
    upd_iou0 = iou0 > 0
    upd_rmse0 = (~upd_iou0) & (r20 < 400.0)
    best_iou = jnp.where(upd_iou0, iou0, 0.0)
    best_r2 = jnp.where(upd_rmse0, r20, 400.0)
    cond1 = (best_iou > 0) | (iou1 > 0)
    take1 = (cond1 & (iou1 > best_iou)) | ((~cond1) & (r21 < best_r2))
    iou_best = jnp.where(take1, iou1, iou0)

    acc = jnp.zeros((16,), jnp.float32)
    for b in range(_NB):
        cf = ld_conf(b)
        sel = (take1 if b == 1 else ~take1) & obj
        dc = iou_best - cf
        acc = acc + _nz(jnp.where(sel, dc * dc, cf * cf))
    csums = [jnp.zeros((16,), jnp.float32) for _ in range(4)]
    for c in range(_NC):
        d = ld_lab(1 + c) - ld_cls(c)
        csums[c % 4] = csums[c % 4] + d * d
    csum = (csums[0] + csums[1]) + (csums[2] + csums[3])
    acc = acc + jnp.where(obj, csum, 0.0)
    tg = [ld_lab(21), ld_lab(22), _sqrt16(tw), _sqrt16(th)]
    for b in range(_NB):
        sel = (take1 if b == 1 else ~take1) & obj
        d0 = tg[0] - boxes[b][0]
        d1 = tg[1] - boxes[b][1]
        d2 = tg[2] - boxes[b][2]
        d3 = tg[3] - boxes[b][3]
        s = (d0 * d0 + d1 * d1) + (d2 * d2 + d3 * d3)
        acc = acc + jnp.where(sel, 5.0 * s, 0.0)
    return jnp.where(valid, acc, 0.0)


def _sc_body(in_hbm, lab_hbm, out_hbm, ibuf, lbuf, accv):
    wid = lax.axis_index("s") * 2 + lax.axis_index("c")
    row0 = wid * _ROWS_PER_W
    pltpu.sync_copy(in_hbm.at[pl.ds(row0, _ROWS_PER_W)], ibuf)
    pltpu.sync_copy(lab_hbm.at[pl.ds(row0, _ROWS_PER_W)], lbuf)

    def body(j, acc):
        t = j * 16 + lax.iota(jnp.int32, 16)
        valid = t < _CELLS_PER_W
        tc = jnp.minimum(t, _CELLS_PER_W - 1)
        n = tc // _L
        l = tc - n * _L
        l20 = l * _NC
        l2 = l + l
        l8 = l * (4 * _NB)
        l25 = l * (1 + _NC + 4)

        ld_cls = lambda c: plsc.load_gather(ibuf, [n, l20 + c])
        ld_conf = lambda b: plsc.load_gather(ibuf, [n, l2 + (_CONF0 + b)])
        ld_box = lambda b, k: plsc.load_gather(ibuf, [n, l8 + (_BOX0 + 4 * b + k)])
        ld_lab = lambda m: plsc.load_gather(lbuf, [n, l25 + m] if m else [n, l25])

        return acc + _cell_chunk_loss(ld_cls, ld_conf, ld_box, ld_lab, valid)

    acc = lax.fori_loop(0, _CHUNKS, body, jnp.zeros((16,), jnp.float32), unroll=2)
    accv[...] = acc
    pltpu.sync_copy(accv, out_hbm.at[wid])


_sc_loss = functools.partial(
    pl.kernel,
    out_type=jax.ShapeDtypeStruct((_NW, 16), jnp.float32),
    mesh=plsc.VectorSubcoreMesh(core_axis_name="c", subcore_axis_name="s"),
    compiler_params=pltpu.CompilerParams(needs_layout_passes=False),
    scratch_types=[
        pltpu.VMEM((_ROWS_PER_W, _IN_COLS), jnp.float32),
        pltpu.VMEM((_ROWS_PER_W, _LAB_COLS), jnp.float32),
        pltpu.VMEM((16,), jnp.float32),
    ],
)(_sc_body)


def _reduce_body(x_ref, o_ref):
    o_ref[0, 0] = 0.5 * jnp.sum(x_ref[...])


def kernel(input, labels):
    partials = _sc_loss(input, labels)
    out = pl.pallas_call(
        _reduce_body,
        out_shape=jax.ShapeDtypeStruct((1, 1), jnp.float32),
        out_specs=pl.BlockSpec(memory_space=pltpu.SMEM),
    )(partials)
    return out[0, 0]

# --- scband reference (transcript-rebuilt; emitter-appended) ---
"""Pipeline reference for scband-loss-50500225466792 (READ-ONLY COPY).

The authoritative reference and input builder live on the scoring server;
editing this copy changes nothing except your own understanding.
"""

import jax, jax.numpy as jnp
import numpy as np

SIDE = 7
NB = 2
NC = 20
NOOBJ = 0.5 * 1.0
OBJ = 0.5 * 1.0
CLS = 0.5 * 1.0
COORD = 0.5 * 5.0
BATCH = 256


def setup_inputs(seed: int = 0) -> dict:
    key = jax.random.key(seed)
    k1, k2 = jax.random.split(key)
    L = SIDE * SIDE
    inp = jax.random.uniform(k1, (BATCH, L * (NC + 5 * NB)), dtype=jnp.float32)
    labels = jax.random.uniform(k2, (BATCH, L * (1 + NC + 4)), dtype=jnp.float32)
    return {"input": inp, "labels": labels}


def reference(input, labels):
    N = input.shape[0]
    L = SIDE * SIDE
    pred_class = input[:, : L * NC].reshape(N, L, NC)
    pred_conf = input[:, L * NC : L * NC + L * NB].reshape(N, L, NB)
    pred_box = input[:, L * NC + L * NB :].reshape(N, L, NB, 4)

    lab = labels.reshape(N, L, 1 + NC + 4)
    obj = lab[:, :, 0] != 0
    lab_class = lab[:, :, 1 : 1 + NC]
    lab_box = lab[:, :, 1 + NC :]

    # truth box, x/y scaled by 1/side (detached in original)
    tx = lab_box[..., 0] / SIDE
    ty = lab_box[..., 1] / SIDE
    tw = lab_box[..., 2]
    th = lab_box[..., 3]

    # predicted boxes for IoU/RMSE are detached in the original
    pb = jax.lax.stop_gradient(pred_box)
    ox = pb[..., 0] / SIDE
    oy = pb[..., 1] / SIDE
    ow = pb[..., 2] * pb[..., 2]
    oh = pb[..., 3] * pb[..., 3]

    txb = tx[..., None]
    tyb = ty[..., None]
    twb = tw[..., None]
    thb = th[..., None]

    left = jnp.maximum(txb - 0.5 * twb, ox - 0.5 * ow)
    right = jnp.minimum(txb + 0.5 * twb, ox + 0.5 * ow)
    top = jnp.maximum(tyb - 0.5 * thb, oy - 0.5 * oh)
    bottom = jnp.minimum(tyb + 0.5 * thb, oy + 0.5 * oh)
    w = right - left
    h = bottom - top
    inter = w * h
    union = twb * thb + ow * oh - inter
    iou = jnp.where((w < 0) | (h < 0), 0.0, inter / union)  # (N, L, NB)
    rmse = jnp.sqrt((txb - ox) ** 2 + (tyb - oy) ** 2 + (twb - ow) ** 2 + (thb - oh) ** 2)

    # sequential best-box selection, faithful to the python loop
    best_index = jnp.full((N, L), -1, dtype=jnp.int32)
    best_iou = jnp.zeros((N, L), dtype=jnp.float32)
    best_rmse = jnp.full((N, L), 20.0, dtype=jnp.float32)
    for b in range(NB):
        ci = iou[:, :, b]
        cr = rmse[:, :, b]
        cond1 = (best_iou > 0) | (ci > 0)
        upd_iou = cond1 & (ci > best_iou)
        upd_rmse = (~cond1) & (cr < best_rmse)
        best_iou = jnp.where(upd_iou, ci, best_iou)
        best_rmse = jnp.where(upd_rmse, cr, best_rmse)
        best_index = jnp.where(upd_iou | upd_rmse, b, best_index)
    best_index = jnp.maximum(best_index, 0)

    iou_best = jnp.take_along_axis(iou, best_index[..., None], axis=2)[..., 0]
    iou_best = jax.lax.stop_gradient(iou_best)

    onehot = jnp.arange(NB)[None, None, :] == best_index[..., None]
    sel = onehot & obj[..., None]  # (N, L, NB)

    # conf delta: noobject everywhere, overwritten by object term at best box of obj cells
    conf_delta = jnp.where(
        sel,
        OBJ * (iou_best[..., None] - pred_conf) ** 2,
        NOOBJ * (0.0 - pred_conf) ** 2,
    )

    # class delta only at obj cells
    class_delta = jnp.where(obj[..., None], CLS * (lab_class - pred_class) ** 2, 0.0)

    # coord delta at best box of obj cells; targets: raw x, raw y, sqrt(w), sqrt(h)
    tgt = jnp.stack(
        [lab_box[..., 0], lab_box[..., 1], jnp.sqrt(lab_box[..., 2]), jnp.sqrt(lab_box[..., 3])],
        axis=-1,
    )  # (N, L, 4)
    coord_all = COORD * (tgt[:, :, None, :] - pred_box) ** 2  # (N, L, NB, 4)
    coord_delta = jnp.where(sel[..., None], coord_all, 0.0)

    return jnp.nansum(class_delta) + jnp.nansum(conf_delta) + jnp.nansum(coord_delta)

if __name__ == "__main__":
    import jax
    _d = setup_inputs()
    print(jax.jit(kernel)(*tuple(_d.values())))

</pallas_src>

<mosaic_0001>
#map = affine_map<(d0, d1) -> (0, 0)>
module attributes {stable_mosaic.version = 14 : i64} {
  func.func @_sc_body(%arg0: i32, %arg1: i32, %arg2: memref<256x1470xf32, #tpu.memory_space<hbm>>, %arg3: memref<256x1225xf32, #tpu.memory_space<hbm>>, %arg4: memref<32x16xf32, #tpu.memory_space<hbm>>, %arg5: memref<8x1470xf32, #tpu.memory_space<vmem>>, %arg6: memref<8x1225xf32, #tpu.memory_space<vmem>>, %arg7: memref<16xf32, #tpu.memory_space<vmem>>) attributes {dimension_semantics = [#tpu.dimension_semantics<core_parallel>, #tpu.dimension_semantics<subcore_parallel>], iteration_bounds = array<i64: 2, 16>, scalar_prefetch = 0 : i64, scratch_operands = 3 : i64, tpu.core_type = #tpu.core_type<sc_vector_subcore>, window_params = [{transform_indices = #map}, {transform_indices = #map}, {transform_indices = #map}]} {
    %mul3A = arith.constant 2 : i32
    %mul3A_0 = arith.muli %arg1, %mul3A : i32
    %add3A = arith.addi %mul3A_0, %arg0 : i32
    %mul3A_1 = arith.constant 8 : i32
    %mul3A_2 = arith.muli %add3A, %mul3A_1 : i32
    "tpu.region"() ({
      %run_scoped3A = tpu.sem_alloc : memref<!tpu.dma_semaphore, #tpu.memory_space<semaphore_mem>>
      %dma_start3A = arith.constant 0 : i32
      %dma_start3A_639 = tpu.memref_slice %arg2[%mul3A_2, %dma_start3A] : memref<256x1470xf32, #tpu.memory_space<hbm>> -> memref<8x1470xf32, #tpu.memory_space<hbm>>
      %dma_start3A_640 = arith.constant 0 : i32
      %dma_start3A_641 = tpu.memref_slice %arg2[%mul3A_2, %dma_start3A_640] : memref<256x1470xf32, #tpu.memory_space<hbm>> -> memref<8x1470xf32, #tpu.memory_space<hbm>>
      tpu.enqueue_dma source(%dma_start3A_641 : memref<8x1470xf32, #tpu.memory_space<hbm>>) target(%arg5 : memref<8x1470xf32, #tpu.memory_space<vmem>>) target_semaphore(%run_scoped3A : memref<!tpu.dma_semaphore, #tpu.memory_space<semaphore_mem>>)
      %dma_wait3A = arith.constant 0 : i32
      %dma_wait3A_642 = tpu.memref_slice %arg2[%mul3A_2, %dma_wait3A] : memref<256x1470xf32, #tpu.memory_space<hbm>> -> memref<8x1470xf32, #tpu.memory_space<hbm>>
      %dma_wait3A_643 = arith.constant 0 : i32
      %dma_wait3A_644 = tpu.memref_slice %arg2[%mul3A_2, %dma_wait3A_643] : memref<256x1470xf32, #tpu.memory_space<hbm>> -> memref<8x1470xf32, #tpu.memory_space<hbm>>
      tpu.wait_dma2 semaphore(%run_scoped3A : memref<!tpu.dma_semaphore, #tpu.memory_space<semaphore_mem>>) src(%dma_wait3A_644 : memref<8x1470xf32, #tpu.memory_space<hbm>>) dst(%arg5 : memref<8x1470xf32, #tpu.memory_space<vmem>>)
      tpu.yield
    }) : () -> ()
    "tpu.region"() ({
      %run_scoped3A = tpu.sem_alloc : memref<!tpu.dma_semaphore, #tpu.memory_space<semaphore_mem>>
      %dma_start3A = arith.constant 0 : i32
      %dma_start3A_639 = tpu.memref_slice %arg3[%mul3A_2, %dma_start3A] : memref<256x1225xf32, #tpu.memory_space<hbm>> -> memref<8x1225xf32, #tpu.memory_space<hbm>>
      %dma_start3A_640 = arith.constant 0 : i32
      %dma_start3A_641 = tpu.memref_slice %arg3[%mul3A_2, %dma_start3A_640] : memref<256x1225xf32, #tpu.memory_space<hbm>> -> memref<8x1225xf32, #tpu.memory_space<hbm>>
      tpu.enqueue_dma source(%dma_start3A_641 : memref<8x1225xf32, #tpu.memory_space<hbm>>) target(%arg6 : memref<8x1225xf32, #tpu.memory_space<vmem>>) target_semaphore(%run_scoped3A : memref<!tpu.dma_semaphore, #tpu.memory_space<semaphore_mem>>)
      %dma_wait3A = arith.constant 0 : i32
      %dma_wait3A_642 = tpu.memref_slice %arg3[%mul3A_2, %dma_wait3A] : memref<256x1225xf32, #tpu.memory_space<hbm>> -> memref<8x1225xf32, #tpu.memory_space<hbm>>
      %dma_wait3A_643 = arith.constant 0 : i32
      %dma_wait3A_644 = tpu.memref_slice %arg3[%mul3A_2, %dma_wait3A_643] : memref<256x1225xf32, #tpu.memory_space<hbm>> -> memref<8x1225xf32, #tpu.memory_space<hbm>>
      tpu.wait_dma2 semaphore(%run_scoped3A : memref<!tpu.dma_semaphore, #tpu.memory_space<semaphore_mem>>) src(%dma_wait3A_644 : memref<8x1225xf32, #tpu.memory_space<hbm>>) dst(%arg6 : memref<8x1225xf32, #tpu.memory_space<vmem>>)
      tpu.yield
    }) : () -> ()
    %broadcast_in_dim3A = arith.constant 0.000000e+00 : f32
    %broadcast_in_dim3A_3 = vector.broadcast %broadcast_in_dim3A : f32 to vector<16xf32>
    %scan3A = arith.constant 0 : i32
    %scan3A_4 = arith.constant 24 : i32
    %scan3A_5 = arith.addi %scan3A, %scan3A_4 : i32
    %scan3A_6 = arith.constant 2 : i32
    %scan3A_7 = scf.for %scan3A_639 = %scan3A to %scan3A_5 step %scan3A_6 iter_args(%scan3A_640 = %broadcast_in_dim3A_3) -> (vector<16xf32>)  : i32 {
      %mul3A_641 = arith.constant 16 : i32
      %mul3A_642 = arith.muli %scan3A_639, %mul3A_641 : i32
      %iota3A_643 = tpu.iota {dimensions = array<i32: 0>} : vector<16xi32>
      %add3A_644 = vector.broadcast %mul3A_642 : i32 to vector<16xi32>
      %add3A_645 = arith.addi %add3A_644, %iota3A_643 : vector<16xi32>
      %lt3A_646 = arith.constant 392 : i32
      %lt3A_647 = vector.broadcast %lt3A_646 : i32 to vector<16xi32>
      %lt3A_648 = arith.cmpi slt, %add3A_645, %lt3A_647 : vector<16xi32>
      %min3A_649 = arith.constant 391 : i32
      %min3A_650 = vector.broadcast %min3A_649 : i32 to vector<16xi32>
      %min3A_651 = arith.minsi %add3A_645, %min3A_650 : vector<16xi32>
      %jit3A_652 = arith.constant 49 : i32
      %div3A_653 = vector.broadcast %jit3A_652 : i32 to vector<16xi32>
      %div3A_654 = arith.divsi %min3A_651, %div3A_653 : vector<16xi32>
      %sign3A_655 = arith.constant 0 : i32
      %sign3A_656 = vector.broadcast %sign3A_655 : i32 to vector<16xi32>
      %sign3A_657 = arith.cmpi sgt, %min3A_651, %sign3A_656 : vector<16xi32>
      %sign3A_658 = arith.extui %sign3A_657 : vector<16xi1> to vector<16xi32>
      %sign3A_659 = arith.constant 0 : i32
      %sign3A_660 = vector.broadcast %sign3A_659 : i32 to vector<16xi32>
      %sign3A_661 = arith.cmpi slt, %min3A_651, %sign3A_660 : vector<16xi32>
      %sign3A_662 = arith.extui %sign3A_661 : vector<16xi1> to vector<16xi32>
      %sign3A_663 = arith.subi %sign3A_658, %sign3A_662 : vector<16xi32>
      %sign3A_664 = arith.constant 0 : i32
      %sign3A_665 = arith.cmpi sgt, %jit3A_652, %sign3A_664 : i32
      %sign3A_666 = arith.extui %sign3A_665 : i1 to i32
      %sign3A_667 = arith.constant 0 : i32
      %sign3A_668 = arith.cmpi slt, %jit3A_652, %sign3A_667 : i32
      %sign3A_669 = arith.extui %sign3A_668 : i1 to i32
      %sign3A_670 = arith.subi %sign3A_666, %sign3A_669 : i32
      %ne3A_671 = vector.broadcast %sign3A_670 : i32 to vector<16xi32>
      %ne3A_672 = arith.cmpi ne, %sign3A_663, %ne3A_671 : vector<16xi32>
      %rem3A_673 = vector.broadcast %jit3A_652 : i32 to vector<16xi32>
      %rem3A_674 = arith.remsi %min3A_651, %rem3A_673 : vector<16xi32>
      %ne3A_675 = arith.constant 0 : i32
      %ne3A_676 = vector.broadcast %ne3A_675 : i32 to vector<16xi32>
      %ne3A_677 = arith.cmpi ne, %rem3A_674, %ne3A_676 : vector<16xi32>
      %and3A_678 = arith.andi %ne3A_672, %ne3A_677 : vector<16xi1>
      %sub3A_679 = arith.constant 1 : i32
      %sub3A_680 = vector.broadcast %sub3A_679 : i32 to vector<16xi32>
      %sub3A_681 = arith.subi %div3A_654, %sub3A_680 : vector<16xi32>
      %select_n3A_682 = arith.select %and3A_678, %sub3A_681, %div3A_654 : vector<16xi1>, vector<16xi32>
      %mul3A_683 = arith.constant 49 : i32
      %mul3A_684 = vector.broadcast %mul3A_683 : i32 to vector<16xi32>
      %mul3A_685 = arith.muli %select_n3A_682, %mul3A_684 : vector<16xi32>
      %sub3A_686 = arith.subi %min3A_651, %mul3A_685 : vector<16xi32>
      %mul3A_687 = arith.constant 20 : i32
      %mul3A_688 = vector.broadcast %mul3A_687 : i32 to vector<16xi32>
      %mul3A_689 = arith.muli %sub3A_686, %mul3A_688 : vector<16xi32>
      %add3A_690 = arith.addi %sub3A_686, %sub3A_686 : vector<16xi32>
      %mul3A_691 = arith.constant 8 : i32
      %mul3A_692 = vector.broadcast %mul3A_691 : i32 to vector<16xi32>
      %mul3A_693 = arith.muli %sub3A_686, %mul3A_692 : vector<16xi32>
      %mul3A_694 = arith.constant 25 : i32
      %mul3A_695 = vector.broadcast %mul3A_694 : i32 to vector<16xi32>
      %mul3A_696 = arith.muli %sub3A_686, %mul3A_695 : vector<16xi32>
      %gather3A_697 = tpu.vector_load_idx %arg6[%select_n3A_682, %mul3A_696] : memref<8x1225xf32, #tpu.memory_space<vmem>>[vector<16xi32>, vector<16xi32>], vector<16xf32>,
      %ne3A_698 = arith.constant 0.000000e+00 : f32
      %ne3A_699 = vector.broadcast %ne3A_698 : f32 to vector<16xf32>
      %ne3A_700 = arith.cmpf one, %gather3A_697, %ne3A_699 : vector<16xf32>
      %add3A_701 = arith.constant 21 : i32
      %add3A_702 = vector.broadcast %add3A_701 : i32 to vector<16xi32>
      %add3A_703 = arith.addi %mul3A_696, %add3A_702 : vector<16xi32>
      %gather3A_704 = tpu.vector_load_idx %arg6[%select_n3A_682, %add3A_703] : memref<8x1225xf32, #tpu.memory_space<vmem>>[vector<16xi32>, vector<16xi32>], vector<16xf32>,
      %mul3A_705 = arith.constant 0.142857149 : f32
      %mul3A_706 = vector.broadcast %mul3A_705 : f32 to vector<16xf32>
      %mul3A_707 = arith.mulf %gather3A_704, %mul3A_706 : vector<16xf32>
      %add3A_708 = arith.constant 22 : i32
      %add3A_709 = vector.broadcast %add3A_708 : i32 to vector<16xi32>
      %add3A_710 = arith.addi %mul3A_696, %add3A_709 : vector<16xi32>
      %gather3A_711 = tpu.vector_load_idx %arg6[%select_n3A_682, %add3A_710] : memref<8x1225xf32, #tpu.memory_space<vmem>>[vector<16xi32>, vector<16xi32>], vector<16xf32>,
      %mul3A_712 = arith.constant 0.142857149 : f32
      %mul3A_713 = vector.broadcast %mul3A_712 : f32 to vector<16xf32>
      %mul3A_714 = arith.mulf %gather3A_711, %mul3A_713 : vector<16xf32>
      %add3A_715 = arith.constant 23 : i32
      %add3A_716 = vector.broadcast %add3A_715 : i32 to vector<16xi32>
      %add3A_717 = arith.addi %mul3A_696, %add3A_716 : vector<16xi32>
      %gather3A_718 = tpu.vector_load_idx %arg6[%select_n3A_682, %add3A_717] : memref<8x1225xf32, #tpu.memory_space<vmem>>[vector<16xi32>, vector<16xi32>], vector<16xf32>,
      %add3A_719 = arith.constant 24 : i32
      %add3A_720 = vector.broadcast %add3A_719 : i32 to vector<16xi32>
      %add3A_721 = arith.addi %mul3A_696, %add3A_720 : vector<16xi32>
      %gather3A_722 = tpu.vector_load_idx %arg6[%select_n3A_682, %add3A_721] : memref<8x1225xf32, #tpu.memory_space<vmem>>[vector<16xi32>, vector<16xi32>], vector<16xf32>,
      %add3A_723 = arith.constant 1078 : i32
      %add3A_724 = vector.broadcast %add3A_723 : i32 to vector<16xi32>
      %add3A_725 = arith.addi %mul3A_693, %add3A_724 : vector<16xi32>
      %gather3A_726 = tpu.vector_load_idx %arg5[%select_n3A_682, %add3A_725] : memref<8x1470xf32, #tpu.memory_space<vmem>>[vector<16xi32>, vector<16xi32>], vector<16xf32>,
      %add3A_727 = arith.constant 1079 : i32
      %add3A_728 = vector.broadcast %add3A_727 : i32 to vector<16xi32>
      %add3A_729 = arith.addi %mul3A_693, %add3A_728 : vector<16xi32>
      %gather3A_730 = tpu.vector_load_idx %arg5[%select_n3A_682, %add3A_729] : memref<8x1470xf32, #tpu.memory_space<vmem>>[vector<16xi32>, vector<16xi32>], vector<16xf32>,
      %add3A_731 = arith.constant 1080 : i32
      %add3A_732 = vector.broadcast %add3A_731 : i32 to vector<16xi32>
      %add3A_733 = arith.addi %mul3A_693, %add3A_732 : vector<16xi32>
      %gather3A_734 = tpu.vector_load_idx %arg5[%select_n3A_682, %add3A_733] : memref<8x1470xf32, #tpu.memory_space<vmem>>[vector<16xi32>, vector<16xi32>], vector<16xf32>,
      %add3A_735 = arith.constant 1081 : i32
      %add3A_736 = vector.broadcast %add3A_735 : i32 to vector<16xi32>
      %add3A_737 = arith.addi %mul3A_693, %add3A_736 : vector<16xi32>
      %gather3A_738 = tpu.vector_load_idx %arg5[%select_n3A_682, %add3A_737] : memref<8x1470xf32, #tpu.memory_space<vmem>>[vector<16xi32>, vector<16xi32>], vector<16xf32>,
      %mul3A_739 = arith.constant 0.142857149 : f32
      %mul3A_740 = vector.broadcast %mul3A_739 : f32 to vector<16xf32>
      %mul3A_741 = arith.mulf %gather3A_726, %mul3A_740 : vector<16xf32>
      %mul3A_742 = arith.constant 0.142857149 : f32
      %mul3A_743 = vector.broadcast %mul3A_742 : f32 to vector<16xf32>
      %mul3A_744 = arith.mulf %gather3A_730, %mul3A_743 : vector<16xf32>
      %mul3A_745 = arith.mulf %gather3A_734, %gather3A_734 : vector<16xf32>
      %mul3A_746 = arith.mulf %gather3A_738, %gather3A_738 : vector<16xf32>
      %mul3A_747 = arith.constant 5.000000e-01 : f32
      %mul3A_748 = vector.broadcast %mul3A_747 : f32 to vector<16xf32>
      %mul3A_749 = arith.mulf %mul3A_748, %gather3A_718 : vector<16xf32>
      %sub3A_750 = arith.subf %mul3A_707, %mul3A_749 : vector<16xf32>
      %mul3A_751 = arith.constant 5.000000e-01 : f32
      %mul3A_752 = vector.broadcast %mul3A_751 : f32 to vector<16xf32>
      %mul3A_753 = arith.mulf %mul3A_752, %mul3A_745 : vector<16xf32>
      %sub3A_754 = arith.subf %mul3A_741, %mul3A_753 : vector<16xf32>
      %max3A_755 = arith.maximumf %sub3A_750, %sub3A_754 : vector<16xf32>
      %mul3A_756 = arith.constant 5.000000e-01 : f32
      %mul3A_757 = vector.broadcast %mul3A_756 : f32 to vector<16xf32>
      %mul3A_758 = arith.mulf %mul3A_757, %gather3A_718 : vector<16xf32>
      %add3A_759 = arith.addf %mul3A_707, %mul3A_758 : vector<16xf32>
      %mul3A_760 = arith.constant 5.000000e-01 : f32
      %mul3A_761 = vector.broadcast %mul3A_760 : f32 to vector<16xf32>
      %mul3A_762 = arith.mulf %mul3A_761, %mul3A_745 : vector<16xf32>
      %add3A_763 = arith.addf %mul3A_741, %mul3A_762 : vector<16xf32>
      %min3A_764 = arith.minimumf %add3A_759, %add3A_763 : vector<16xf32>
      %mul3A_765 = arith.constant 5.000000e-01 : f32
      %mul3A_766 = vector.broadcast %mul3A_765 : f32 to vector<16xf32>
      %mul3A_767 = arith.mulf %mul3A_766, %gather3A_722 : vector<16xf32>
      %sub3A_768 = arith.subf %mul3A_714, %mul3A_767 : vector<16xf32>
      %mul3A_769 = arith.constant 5.000000e-01 : f32
      %mul3A_770 = vector.broadcast %mul3A_769 : f32 to vector<16xf32>
      %mul3A_771 = arith.mulf %mul3A_770, %mul3A_746 : vector<16xf32>
      %sub3A_772 = arith.subf %mul3A_744, %mul3A_771 : vector<16xf32>
      %max3A_773 = arith.maximumf %sub3A_768, %sub3A_772 : vector<16xf32>
      %mul3A_774 = arith.constant 5.000000e-01 : f32
      %mul3A_775 = vector.broadcast %mul3A_774 : f32 to vector<16xf32>
      %mul3A_776 = arith.mulf %mul3A_775, %gather3A_722 : vector<16xf32>
      %add3A_777 = arith.addf %mul3A_714, %mul3A_776 : vector<16xf32>
      %mul3A_778 = arith.constant 5.000000e-01 : f32
      %mul3A_779 = vector.broadcast %mul3A_778 : f32 to vector<16xf32>
      %mul3A_780 = arith.mulf %mul3A_779, %mul3A_746 : vector<16xf32>
      %add3A_781 = arith.addf %mul3A_744, %mul3A_780 : vector<16xf32>
      %min3A_782 = arith.minimumf %add3A_777, %add3A_781 : vector<16xf32>
      %sub3A_783 = arith.subf %min3A_764, %max3A_755 : vector<16xf32>
      %sub3A_784 = arith.subf %min3A_782, %max3A_773 : vector<16xf32>
      %mul3A_785 = arith.mulf %sub3A_783, %sub3A_784 : vector<16xf32>
      %mul3A_786 = arith.mulf %gather3A_718, %gather3A_722 : vector<16xf32>
      %mul3A_787 = arith.mulf %mul3A_745, %mul3A_746 : vector<16xf32>
      %add3A_788 = arith.addf %mul3A_786, %mul3A_787 : vector<16xf32>
      %sub3A_789 = arith.subf %add3A_788, %mul3A_785 : vector<16xf32>
      %lt3A_790 = arith.constant 0.000000e+00 : f32
      %lt3A_791 = vector.broadcast %lt3A_790 : f32 to vector<16xf32>
      %lt3A_792 = arith.cmpf olt, %sub3A_783, %lt3A_791 : vector<16xf32>
      %lt3A_793 = arith.constant 0.000000e+00 : f32
      %lt3A_794 = vector.broadcast %lt3A_793 : f32 to vector<16xf32>
      %lt3A_795 = arith.cmpf olt, %sub3A_784, %lt3A_794 : vector<16xf32>
      %or3A_796 = arith.ori %lt3A_792, %lt3A_795 : vector<16xi1>
      %div3A_797 = arith.divf %mul3A_785, %sub3A_789 : vector<16xf32>
      %jit3A_798 = arith.constant 0.000000e+00 : f32
      %broadcast_in_dim3A_799 = vector.broadcast %jit3A_798 : f32 to vector<16xf32>
      %select_n3A_800 = arith.select %or3A_796, %broadcast_in_dim3A_799, %div3A_797 : vector<16xi1>, vector<16xf32>
      %sub3A_801 = arith.subf %mul3A_707, %mul3A_741 : vector<16xf32>
      %sub3A_802 = arith.subf %mul3A_714, %mul3A_744 : vector<16xf32>
      %sub3A_803 = arith.subf %gather3A_718, %mul3A_745 : vector<16xf32>
      %sub3A_804 = arith.subf %gather3A_722, %mul3A_746 : vector<16xf32>
      %mul3A_805 = arith.mulf %sub3A_801, %sub3A_801 : vector<16xf32>
      %mul3A_806 = arith.mulf %sub3A_802, %sub3A_802 : vector<16xf32>
      %add3A_807 = arith.addf %mul3A_805, %mul3A_806 : vector<16xf32>
      %mul3A_808 = arith.mulf %sub3A_803, %sub3A_803 : vector<16xf32>
      %add3A_809 = arith.addf %add3A_807, %mul3A_808 : vector<16xf32>
      %mul3A_810 = arith.mulf %sub3A_804, %sub3A_804 : vector<16xf32>
      %add3A_811 = arith.addf %add3A_809, %mul3A_810 : vector<16xf32>
      %add3A_812 = arith.constant 1082 : i32
      %add3A_813 = vector.broadcast %add3A_812 : i32 to vector<16xi32>
      %add3A_814 = arith.addi %mul3A_693, %add3A_813 : vector<16xi32>
      %gather3A_815 = tpu.vector_load_idx %arg5[%select_n3A_682, %add3A_814] : memref<8x1470xf32, #tpu.memory_space<vmem>>[vector<16xi32>, vector<16xi32>], vector<16xf32>,
      %add3A_816 = arith.constant 1083 : i32
      %add3A_817 = vector.broadcast %add3A_816 : i32 to vector<16xi32>
      %add3A_818 = arith.addi %mul3A_693, %add3A_817 : vector<16xi32>
      %gather3A_819 = tpu.vector_load_idx %arg5[%select_n3A_682, %add3A_818] : memref<8x1470xf32, #tpu.memory_space<vmem>>[vector<16xi32>, vector<16xi32>], vector<16xf32>,
      %add3A_820 = arith.constant 1084 : i32
      %add3A_821 = vector.broadcast %add3A_820 : i32 to vector<16xi32>
      %add3A_822 = arith.addi %mul3A_693, %add3A_821 : vector<16xi32>
      %gather3A_823 = tpu.vector_load_idx %arg5[%select_n3A_682, %add3A_822] : memref<8x1470xf32, #tpu.memory_space<vmem>>[vector<16xi32>, vector<16xi32>], vector<16xf32>,
      %add3A_824 = arith.constant 1085 : i32
      %add3A_825 = vector.broadcast %add3A_824 : i32 to vector<16xi32>
      %add3A_826 = arith.addi %mul3A_693, %add3A_825 : vector<16xi32>
      %gather3A_827 = tpu.vector_load_idx %arg5[%select_n3A_682, %add3A_826] : memref<8x1470xf32, #tpu.memory_space<vmem>>[vector<16xi32>, vector<16xi32>], vector<16xf32>,
      %mul3A_828 = arith.constant 0.142857149 : f32
      %mul3A_829 = vector.broadcast %mul3A_828 : f32 to vector<16xf32>
      %mul3A_830 = arith.mulf %gather3A_815, %mul3A_829 : vector<16xf32>
      %mul3A_831 = arith.constant 0.142857149 : f32
      %mul3A_832 = vector.broadcast %mul3A_831 : f32 to vector<16xf32>
      %mul3A_833 = arith.mulf %gather3A_819, %mul3A_832 : vector<16xf32>
      %mul3A_834 = arith.mulf %gather3A_823, %gather3A_823 : vector<16xf32>
      %mul3A_835 = arith.mulf %gather3A_827, %gather3A_827 : vector<16xf32>
      %mul3A_836 = arith.constant 5.000000e-01 : f32
      %mul3A_837 = vector.broadcast %mul3A_836 : f32 to vector<16xf32>
      %mul3A_838 = arith.mulf %mul3A_837, %gather3A_718 : vector<16xf32>
      %sub3A_839 = arith.subf %mul3A_707, %mul3A_838 : vector<16xf32>
      %mul3A_840 = arith.constant 5.000000e-01 : f32
      %mul3A_841 = vector.broadcast %mul3A_840 : f32 to vector<16xf32>
      %mul3A_842 = arith.mulf %mul3A_841, %mul3A_834 : vector<16xf32>
      %sub3A_843 = arith.subf %mul3A_830, %mul3A_842 : vector<16xf32>
      %max3A_844 = arith.maximumf %sub3A_839, %sub3A_843 : vector<16xf32>
      %mul3A_845 = arith.constant 5.000000e-01 : f32
      %mul3A_846 = vector.broadcast %mul3A_845 : f32 to vector<16xf32>
      %mul3A_847 = arith.mulf %mul3A_846, %gather3A_718 : vector<16xf32>
      %add3A_848 = arith.addf %mul3A_707, %mul3A_847 : vector<16xf32>
      %mul3A_849 = arith.constant 5.000000e-01 : f32
      %mul3A_850 = vector.broadcast %mul3A_849 : f32 to vector<16xf32>
      %mul3A_851 = arith.mulf %mul3A_850, %mul3A_834 : vector<16xf32>
      %add3A_852 = arith.addf %mul3A_830, %mul3A_851 : vector<16xf32>
      %min3A_853 = arith.minimumf %add3A_848, %add3A_852 : vector<16xf32>
      %mul3A_854 = arith.constant 5.000000e-01 : f32
      %mul3A_855 = vector.broadcast %mul3A_854 : f32 to vector<16xf32>
      %mul3A_856 = arith.mulf %mul3A_855, %gather3A_722 : vector<16xf32>
      %sub3A_857 = arith.subf %mul3A_714, %mul3A_856 : vector<16xf32>
      %mul3A_858 = arith.constant 5.000000e-01 : f32
      %mul3A_859 = vector.broadcast %mul3A_858 : f32 to vector<16xf32>
      %mul3A_860 = arith.mulf %mul3A_859, %mul3A_835 : vector<16xf32>
      %sub3A_861 = arith.subf %mul3A_833, %mul3A_860 : vector<16xf32>
      %max3A_862 = arith.maximumf %sub3A_857, %sub3A_861 : vector<16xf32>
      %mul3A_863 = arith.constant 5.000000e-01 : f32
      %mul3A_864 = vector.broadcast %mul3A_863 : f32 to vector<16xf32>
      %mul3A_865 = arith.mulf %mul3A_864, %gather3A_722 : vector<16xf32>
      %add3A_866 = arith.addf %mul3A_714, %mul3A_865 : vector<16xf32>
      %mul3A_867 = arith.constant 5.000000e-01 : f32
      %mul3A_868 = vector.broadcast %mul3A_867 : f32 to vector<16xf32>
      %mul3A_869 = arith.mulf %mul3A_868, %mul3A_835 : vector<16xf32>
      %add3A_870 = arith.addf %mul3A_833, %mul3A_869 : vector<16xf32>
      %min3A_871 = arith.minimumf %add3A_866, %add3A_870 : vector<16xf32>
      %sub3A_872 = arith.subf %min3A_853, %max3A_844 : vector<16xf32>
      %sub3A_873 = arith.subf %min3A_871, %max3A_862 : vector<16xf32>
      %mul3A_874 = arith.mulf %sub3A_872, %sub3A_873 : vector<16xf32>
      %mul3A_875 = arith.mulf %gather3A_718, %gather3A_722 : vector<16xf32>
      %mul3A_876 = arith.mulf %mul3A_834, %mul3A_835 : vector<16xf32>
      %add3A_877 = arith.addf %mul3A_875, %mul3A_876 : vector<16xf32>
      %sub3A_878 = arith.subf %add3A_877, %mul3A_874 : vector<16xf32>
      %lt3A_879 = arith.constant 0.000000e+00 : f32
      %lt3A_880 = vector.broadcast %lt3A_879 : f32 to vector<16xf32>
      %lt3A_881 = arith.cmpf olt, %sub3A_872, %lt3A_880 : vector<16xf32>
      %lt3A_882 = arith.constant 0.000000e+00 : f32
      %lt3A_883 = vector.broadcast %lt3A_882 : f32 to vector<16xf32>
      %lt3A_884 = arith.cmpf olt, %sub3A_873, %lt3A_883 : vector<16xf32>
      %or3A_885 = arith.ori %lt3A_881, %lt3A_884 : vector<16xi1>
      %div3A_886 = arith.divf %mul3A_874, %sub3A_878 : vector<16xf32>
      %jit3A_887 = arith.constant 0.000000e+00 : f32
      %broadcast_in_dim3A_888 = vector.broadcast %jit3A_887 : f32 to vector<16xf32>
      %select_n3A_889 = arith.select %or3A_885, %broadcast_in_dim3A_888, %div3A_886 : vector<16xi1>, vector<16xf32>
      %sub3A_890 = arith.subf %mul3A_707, %mul3A_830 : vector<16xf32>
      %sub3A_891 = arith.subf %mul3A_714, %mul3A_833 : vector<16xf32>
      %sub3A_892 = arith.subf %gather3A_718, %mul3A_834 : vector<16xf32>
      %sub3A_893 = arith.subf %gather3A_722, %mul3A_835 : vector<16xf32>
      %mul3A_894 = arith.mulf %sub3A_890, %sub3A_890 : vector<16xf32>
      %mul3A_895 = arith.mulf %sub3A_891, %sub3A_891 : vector<16xf32>
      %add3A_896 = arith.addf %mul3A_894, %mul3A_895 : vector<16xf32>
      %mul3A_897 = arith.mulf %sub3A_892, %sub3A_892 : vector<16xf32>
      %add3A_898 = arith.addf %add3A_896, %mul3A_897 : vector<16xf32>
      %mul3A_899 = arith.mulf %sub3A_893, %sub3A_893 : vector<16xf32>
      %add3A_900 = arith.addf %add3A_898, %mul3A_899 : vector<16xf32>
      %gt3A_901 = arith.constant 0.000000e+00 : f32
      %gt3A_902 = vector.broadcast %gt3A_901 : f32 to vector<16xf32>
      %gt3A_903 = arith.cmpf ogt, %select_n3A_800, %gt3A_902 : vector<16xf32>
      %not3A_904 = arith.constant dense<true> : vector<16xi1>
      %not3A_905 = arith.xori %gt3A_903, %not3A_904 : vector<16xi1>
      %lt3A_906 = arith.constant 4.000000e+02 : f32
      %lt3A_907 = vector.broadcast %lt3A_906 : f32 to vector<16xf32>
      %lt3A_908 = arith.cmpf olt, %add3A_811, %lt3A_907 : vector<16xf32>
      %and3A_909 = arith.andi %not3A_905, %lt3A_908 : vector<16xi1>
      %jit3A_910 = arith.constant 0.000000e+00 : f32
      %broadcast_in_dim3A_911 = vector.broadcast %jit3A_910 : f32 to vector<16xf32>
      %select_n3A_912 = arith.select %gt3A_903, %select_n3A_800, %broadcast_in_dim3A_911 : vector<16xi1>, vector<16xf32>
      %jit3A_913 = arith.constant 4.000000e+02 : f32
      %broadcast_in_dim3A_914 = vector.broadcast %jit3A_913 : f32 to vector<16xf32>
      %select_n3A_915 = arith.select %and3A_909, %add3A_811, %broadcast_in_dim3A_914 : vector<16xi1>, vector<16xf32>
      %gt3A_916 = arith.constant 0.000000e+00 : f32
      %gt3A_917 = vector.broadcast %gt3A_916 : f32 to vector<16xf32>
      %gt3A_918 = arith.cmpf ogt, %select_n3A_912, %gt3A_917 : vector<16xf32>
      %gt3A_919 = arith.constant 0.000000e+00 : f32
      %gt3A_920 = vector.broadcast %gt3A_919 : f32 to vector<16xf32>
      %gt3A_921 = arith.cmpf ogt, %select_n3A_889, %gt3A_920 : vector<16xf32>
      %or3A_922 = arith.ori %gt3A_918, %gt3A_921 : vector<16xi1>
      %gt3A_923 = arith.cmpf ogt, %select_n3A_889, %select_n3A_912 : vector<16xf32>
      %and3A_924 = arith.andi %or3A_922, %gt3A_923 : vector<16xi1>
      %not3A_925 = arith.constant dense<true> : vector<16xi1>
      %not3A_926 = arith.xori %or3A_922, %not3A_925 : vector<16xi1>
      %lt3A_927 = arith.cmpf olt, %add3A_900, %select_n3A_915 : vector<16xf32>
      %and3A_928 = arith.andi %not3A_926, %lt3A_927 : vector<16xi1>
      %or3A_929 = arith.ori %and3A_924, %and3A_928 : vector<16xi1>
      %select_n3A_930 = arith.select %or3A_929, %select_n3A_889, %select_n3A_800 : vector<16xi1>, vector<16xf32>
      %broadcast_in_dim3A_931 = arith.constant 0.000000e+00 : f32
      %broadcast_in_dim3A_932 = vector.broadcast %broadcast_in_dim3A_931 : f32 to vector<16xf32>
      %add3A_933 = arith.constant 980 : i32
      %add3A_934 = vector.broadcast %add3A_933 : i32 to vector<16xi32>
      %add3A_935 = arith.addi %add3A_690, %add3A_934 : vector<16xi32>
      %gather3A_936 = tpu.vector_load_idx %arg5[%select_n3A_682, %add3A_935] : memref<8x1470xf32, #tpu.memory_space<vmem>>[vector<16xi32>, vector<16xi32>], vector<16xf32>,
      %not3A_937 = arith.constant dense<true> : vector<16xi1>
      %not3A_938 = arith.xori %or3A_929, %not3A_937 : vector<16xi1>
      %and3A_939 = arith.andi %not3A_938, %ne3A_700 : vector<16xi1>
      %sub3A_940 = arith.subf %select_n3A_930, %gather3A_936 : vector<16xf32>
      %mul3A_941 = arith.mulf %sub3A_940, %sub3A_940 : vector<16xf32>
      %mul3A_942 = arith.mulf %gather3A_936, %gather3A_936 : vector<16xf32>
      %select_n3A_943 = arith.select %and3A_939, %mul3A_941, %mul3A_942 : vector<16xi1>, vector<16xf32>
      %ne3A_944 = arith.cmpf one, %select_n3A_943, %select_n3A_943 : vector<16xf32>
      %jit3A_945 = arith.constant 0.000000e+00 : f32
      %broadcast_in_dim3A_946 = vector.broadcast %jit3A_945 : f32 to vector<16xf32>
      %select_n3A_947 = arith.select %ne3A_944, %broadcast_in_dim3A_946, %select_n3A_943 : vector<16xi1>, vector<16xf32>
      %add3A_948 = arith.addf %broadcast_in_dim3A_932, %select_n3A_947 : vector<16xf32>
      %add3A_949 = arith.constant 981 : i32
      %add3A_950 = vector.broadcast %add3A_949 : i32 to vector<16xi32>
      %add3A_951 = arith.addi %add3A_690, %add3A_950 : vector<16xi32>
      %gather3A_952 = tpu.vector_load_idx %arg5[%select_n3A_682, %add3A_951] : memref<8x1470xf32, #tpu.memory_space<vmem>>[vector<16xi32>, vector<16xi32>], vector<16xf32>,
      %and3A_953 = arith.andi %or3A_929, %ne3A_700 : vector<16xi1>
      %sub3A_954 = arith.subf %select_n3A_930, %gather3A_952 : vector<16xf32>
      %mul3A_955 = arith.mulf %sub3A_954, %sub3A_954 : vector<16xf32>
      %mul3A_956 = arith.mulf %gather3A_952, %gather3A_952 : vector<16xf32>
      %select_n3A_957 = arith.select %and3A_953, %mul3A_955, %mul3A_956 : vector<16xi1>, vector<16xf32>
      %ne3A_958 = arith.cmpf one, %select_n3A_957, %select_n3A_957 : vector<16xf32>
      %jit3A_959 = arith.constant 0.000000e+00 : f32
      %broadcast_in_dim3A_960 = vector.broadcast %jit3A_959 : f32 to vector<16xf32>
      %select_n3A_961 = arith.select %ne3A_958, %broadcast_in_dim3A_960, %select_n3A_957 : vector<16xi1>, vector<16xf32>
      %add3A_962 = arith.addf %add3A_948, %select_n3A_961 : vector<16xf32>
      %broadcast_in_dim3A_963 = arith.constant 0.000000e+00 : f32
      %broadcast_in_dim3A_964 = vector.broadcast %broadcast_in_dim3A_963 : f32 to vector<16xf32>
      %broadcast_in_dim3A_965 = arith.constant 0.000000e+00 : f32
      %broadcast_in_dim3A_966 = vector.broadcast %broadcast_in_dim3A_965 : f32 to vector<16xf32>
      %broadcast_in_dim3A_967 = arith.constant 0.000000e+00 : f32
      %broadcast_in_dim3A_968 = vector.broadcast %broadcast_in_dim3A_967 : f32 to vector<16xf32>
      %broadcast_in_dim3A_969 = arith.constant 0.000000e+00 : f32
      %broadcast_in_dim3A_970 = vector.broadcast %broadcast_in_dim3A_969 : f32 to vector<16xf32>
      %add3A_971 = arith.constant 1 : i32
      %add3A_972 = vector.broadcast %add3A_971 : i32 to vector<16xi32>
      %add3A_973 = arith.addi %mul3A_696, %add3A_972 : vector<16xi32>
      %gather3A_974 = tpu.vector_load_idx %arg6[%select_n3A_682, %add3A_973] : memref<8x1225xf32, #tpu.memory_space<vmem>>[vector<16xi32>, vector<16xi32>], vector<16xf32>,
      %add3A_975 = arith.constant 0 : i32
      %add3A_976 = vector.broadcast %add3A_975 : i32 to vector<16xi32>
      %add3A_977 = arith.addi %mul3A_689, %add3A_976 : vector<16xi32>
      %gather3A_978 = tpu.vector_load_idx %arg5[%select_n3A_682, %add3A_977] : memref<8x1470xf32, #tpu.memory_space<vmem>>[vector<16xi32>, vector<16xi32>], vector<16xf32>,
      %sub3A_979 = arith.subf %gather3A_974, %gather3A_978 : vector<16xf32>
      %mul3A_980 = arith.mulf %sub3A_979, %sub3A_979 : vector<16xf32>
      %add3A_981 = arith.addf %broadcast_in_dim3A_964, %mul3A_980 : vector<16xf32>
      %add3A_982 = arith.constant 2 : i32
      %add3A_983 = vector.broadcast %add3A_982 : i32 to vector<16xi32>
      %add3A_984 = arith.addi %mul3A_696, %add3A_983 : vector<16xi32>
      %gather3A_985 = tpu.vector_load_idx %arg6[%select_n3A_682, %add3A_984] : memref<8x1225xf32, #tpu.memory_space<vmem>>[vector<16xi32>, vector<16xi32>], vector<16xf32>,
      %add3A_986 = arith.constant 1 : i32
      %add3A_987 = vector.broadcast %add3A_986 : i32 to vector<16xi32>
      %add3A_988 = arith.addi %mul3A_689, %add3A_987 : vector<16xi32>
      %gather3A_989 = tpu.vector_load_idx %arg5[%select_n3A_682, %add3A_988] : memref<8x1470xf32, #tpu.memory_space<vmem>>[vector<16xi32>, vector<16xi32>], vector<16xf32>,
      %sub3A_990 = arith.subf %gather3A_985, %gather3A_989 : vector<16xf32>
      %mul3A_991 = arith.mulf %sub3A_990, %sub3A_990 : vector<16xf32>
      %add3A_992 = arith.addf %broadcast_in_dim3A_966, %mul3A_991 : vector<16xf32>
      %add3A_993 = arith.constant 3 : i32
      %add3A_994 = vector.broadcast %add3A_993 : i32 to vector<16xi32>
      %add3A_995 = arith.addi %mul3A_696, %add3A_994 : vector<16xi32>
      %gather3A_996 = tpu.vector_load_idx %arg6[%select_n3A_682, %add3A_995] : memref<8x1225xf32, #tpu.memory_space<vmem>>[vector<16xi32>, vector<16xi32>], vector<16xf32>,
      %add3A_997 = arith.constant 2 : i32
      %add3A_998 = vector.broadcast %add3A_997 : i32 to vector<16xi32>
      %add3A_999 = arith.addi %mul3A_689, %add3A_998 : vector<16xi32>
      %gather3A_1000 = tpu.vector_load_idx %arg5[%select_n3A_682, %add3A_999] : memref<8x1470xf32, #tpu.memory_space<vmem>>[vector<16xi32>, vector<16xi32>], vector<16xf32>,
      %sub3A_1001 = arith.subf %gather3A_996, %gather3A_1000 : vector<16xf32>
      %mul3A_1002 = arith.mulf %sub3A_1001, %sub3A_1001 : vector<16xf32>
      %add3A_1003 = arith.addf %broadcast_in_dim3A_968, %mul3A_1002 : vector<16xf32>
      %add3A_1004 = arith.constant 4 : i32
      %add3A_1005 = vector.broadcast %add3A_1004 : i32 to vector<16xi32>
      %add3A_1006 = arith.addi %mul3A_696, %add3A_1005 : vector<16xi32>
      %gather3A_1007 = tpu.vector_load_idx %arg6[%select_n3A_682, %add3A_1006] : memref<8x1225xf32, #tpu.memory_space<vmem>>[vector<16xi32>, vector<16xi32>], vector<16xf32>,
      %add3A_1008 = arith.constant 3 : i32
      %add3A_1009 = vector.broadcast %add3A_1008 : i32 to vector<16xi32>
      %add3A_1010 = arith.addi %mul3A_689, %add3A_1009 : vector<16xi32>
      %gather3A_1011 = tpu.vector_load_idx %arg5[%select_n3A_682, %add3A_1010] : memref<8x1470xf32, #tpu.memory_space<vmem>>[vector<16xi32>, vector<16xi32>], vector<16xf32>,
      %sub3A_1012 = arith.subf %gather3A_1007, %gather3A_1011 : vector<16xf32>
      %mul3A_1013 = arith.mulf %sub3A_1012, %sub3A_1012 : vector<16xf32>
      %add3A_1014 = arith.addf %broadcast_in_dim3A_970, %mul3A_1013 : vector<16xf32>
      %add3A_1015 = arith.constant 5 : i32
      %add3A_1016 = vector.broadcast %add3A_1015 : i32 to vector<16xi32>
      %add3A_1017 = arith.addi %mul3A_696, %add3A_1016 : vector<16xi32>
      %gather3A_1018 = tpu.vector_load_idx %arg6[%select_n3A_682, %add3A_1017] : memref<8x1225xf32, #tpu.memory_space<vmem>>[vector<16xi32>, vector<16xi32>], vector<16xf32>,
      %add3A_1019 = arith.constant 4 : i32
      %add3A_1020 = vector.broadcast %add3A_1019 : i32 to vector<16xi32>
      %add3A_1021 = arith.addi %mul3A_689, %add3A_1020 : vector<16xi32>
      %gather3A_1022 = tpu.vector_load_idx %arg5[%select_n3A_682, %add3A_1021] : memref<8x1470xf32, #tpu.memory_space<vmem>>[vector<16xi32>, vector<16xi32>], vector<16xf32>,
      %sub3A_1023 = arith.subf %gather3A_1018, %gather3A_1022 : vector<16xf32>
      %mul3A_1024 = arith.mulf %sub3A_1023, %sub3A_1023 : vector<16xf32>
      %add3A_1025 = arith.addf %add3A_981, %mul3A_1024 : vector<16xf32>
      %add3A_1026 = arith.constant 6 : i32
      %add3A_1027 = vector.broadcast %add3A_1026 : i32 to vector<16xi32>
      %add3A_1028 = arith.addi %mul3A_696, %add3A_1027 : vector<16xi32>
      %gather3A_1029 = tpu.vector_load_idx %arg6[%select_n3A_682, %add3A_1028] : memref<8x1225xf32, #tpu.memory_space<vmem>>[vector<16xi32>, vector<16xi32>], vector<16xf32>,
      %add3A_1030 = arith.constant 5 : i32
      %add3A_1031 = vector.broadcast %add3A_1030 : i32 to vector<16xi32>
      %add3A_1032 = arith.addi %mul3A_689, %add3A_1031 : vector<16xi32>
      %gather3A_1033 = tpu.vector_load_idx %arg5[%select_n3A_682, %add3A_1032] : memref<8x1470xf32, #tpu.memory_space<vmem>>[vector<16xi32>, vector<16xi32>], vector<16xf32>,
      %sub3A_1034 = arith.subf %gather3A_1029, %gather3A_1033 : vector<16xf32>
      %mul3A_1035 = arith.mulf %sub3A_1034, %sub3A_1034 : vector<16xf32>
      %add3A_1036 = arith.addf %add3A_992, %mul3A_1035 : vector<16xf32>
      %add3A_1037 = arith.constant 7 : i32
      %add3A_1038 = vector.broadcast %add3A_1037 : i32 to vector<16xi32>
      %add3A_1039 = arith.addi %mul3A_696, %add3A_1038 : vector<16xi32>
      %gather3A_1040 = tpu.vector_load_idx %arg6[%select_n3A_682, %add3A_1039] : memref<8x1225xf32, #tpu.memory_space<vmem>>[vector<16xi32>, vector<16xi32>], vector<16xf32>,
      %add3A_1041 = arith.constant 6 : i32
      %add3A_1042 = vector.broadcast %add3A_1041 : i32 to vector<16xi32>
      %add3A_1043 = arith.addi %mul3A_689, %add3A_1042 : vector<16xi32>
      %gather3A_1044 = tpu.vector_load_idx %arg5[%select_n3A_682, %add3A_1043] : memref<8x1470xf32, #tpu.memory_space<vmem>>[vector<16xi32>, vector<16xi32>], vector<16xf32>,
      %sub3A_1045 = arith.subf %gather3A_1040, %gather3A_1044 : vector<16xf32>
      %mul3A_1046 = arith.mulf %sub3A_1045, %sub3A_1045 : vector<16xf32>
      %add3A_1047 = arith.addf %add3A_1003, %mul3A_1046 : vector<16xf32>
      %add3A_1048 = arith.constant 8 : i32
      %add3A_1049 = vector.broadcast %add3A_1048 : i32 to vector<16xi32>
      %add3A_1050 = arith.addi %mul3A_696, %add3A_1049 : vector<16xi32>
      %gather3A_1051 = tpu.vector_load_idx %arg6[%select_n3A_682, %add3A_1050] : memref<8x1225xf32, #tpu.memory_space<vmem>>[vector<16xi32>, vector<16xi32>], vector<16xf32>,
      %add3A_1052 = arith.constant 7 : i32
      %add3A_1053 = vector.broadcast %add3A_1052 : i32 to vector<16xi32>
      %add3A_1054 = arith.addi %mul3A_689, %add3A_1053 : vector<16xi32>
      %gather3A_1055 = tpu.vector_load_idx %arg5[%select_n3A_682, %add3A_1054] : memref<8x1470xf32, #tpu.memory_space<vmem>>[vector<16xi32>, vector<16xi32>], vector<16xf32>,
      %sub3A_1056 = arith.subf %gather3A_1051, %gather3A_1055 : vector<16xf32>
      %mul3A_1057 = arith.mulf %sub3A_1056, %sub3A_1056 : vector<16xf32>
      %add3A_1058 = arith.addf %add3A_1014, %mul3A_1057 : vector<16xf32>
      %add3A_1059 = arith.constant 9 : i32
      %add3A_1060 = vector.broadcast %add3A_1059 : i32 to vector<16xi32>
      %add3A_1061 = arith.addi %mul3A_696, %add3A_1060 : vector<16xi32>
      %gather3A_1062 = tpu.vector_load_idx %arg6[%select_n3A_682, %add3A_1061] : memref<8x1225xf32, #tpu.memory_space<vmem>>[vector<16xi32>, vector<16xi32>], vector<16xf32>,
      %add3A_1063 = arith.constant 8 : i32
      %add3A_1064 = vector.broadcast %add3A_1063 : i32 to vector<16xi32>
      %add3A_1065 = arith.addi %mul3A_689, %add3A_1064 : vector<16xi32>
      %gather3A_1066 = tpu.vector_load_idx %arg5[%select_n3A_682, %add3A_1065] : memref<8x1470xf32, #tpu.memory_space<vmem>>[vector<16xi32>, vector<16xi32>], vector<16xf32>,
      %sub3A_1067 = arith.subf %gather3A_1062, %gather3A_1066 : vector<16xf32>
      %mul3A_1068 = arith.mulf %sub3A_1067, %sub3A_1067 : vector<16xf32>
      %add3A_1069 = arith.addf %add3A_1025, %mul3A_1068 : vector<16xf32>
      %add3A_1070 = arith.constant 10 : i32
      %add3A_1071 = vector.broadcast %add3A_1070 : i32 to vector<16xi32>
      %add3A_1072 = arith.addi %mul3A_696, %add3A_1071 : vector<16xi32>
      %gather3A_1073 = tpu.vector_load_idx %arg6[%select_n3A_682, %add3A_1072] : memref<8x1225xf32, #tpu.memory_space<vmem>>[vector<16xi32>, vector<16xi32>], vector<16xf32>,
      %add3A_1074 = arith.constant 9 : i32
      %add3A_1075 = vector.broadcast %add3A_1074 : i32 to vector<16xi32>
      %add3A_1076 = arith.addi %mul3A_689, %add3A_1075 : vector<16xi32>
      %gather3A_1077 = tpu.vector_load_idx %arg5[%select_n3A_682, %add3A_1076] : memref<8x1470xf32, #tpu.memory_space<vmem>>[vector<16xi32>, vector<16xi32>], vector<16xf32>,
      %sub3A_1078 = arith.subf %gather3A_1073, %gather3A_1077 : vector<16xf32>
      %mul3A_1079 = arith.mulf %sub3A_1078, %sub3A_1078 : vector<16xf32>
      %add3A_1080 = arith.addf %add3A_1036, %mul3A_1079 : vector<16xf32>
      %add3A_1081 = arith.constant 11 : i32
      %add3A_1082 = vector.broadcast %add3A_1081 : i32 to vector<16xi32>
      %add3A_1083 = arith.addi %mul3A_696, %add3A_1082 : vector<16xi32>
      %gather3A_1084 = tpu.vector_load_idx %arg6[%select_n3A_682, %add3A_1083] : memref<8x1225xf32, #tpu.memory_space<vmem>>[vector<16xi32>, vector<16xi32>], vector<16xf32>,
      %add3A_1085 = arith.constant 10 : i32
      %add3A_1086 = vector.broadcast %add3A_1085 : i32 to vector<16xi32>
      %add3A_1087 = arith.addi %mul3A_689, %add3A_1086 : vector<16xi32>
      %gather3A_1088 = tpu.vector_load_idx %arg5[%select_n3A_682, %add3A_1087] : memref<8x1470xf32, #tpu.memory_space<vmem>>[vector<16xi32>, vector<16xi32>], vector<16xf32>,
      %sub3A_1089 = arith.subf %gather3A_1084, %gather3A_1088 : vector<16xf32>
      %mul3A_1090 = arith.mulf %sub3A_1089, %sub3A_1089 : vector<16xf32>
      %add3A_1091 = arith.addf %add3A_1047, %mul3A_1090 : vector<16xf32>
      %add3A_1092 = arith.constant 12 : i32
      %add3A_1093 = vector.broadcast %add3A_1092 : i32 to vector<16xi32>
      %add3A_1094 = arith.addi %mul3A_696, %add3A_1093 : vector<16xi32>
      %gather3A_1095 = tpu.vector_load_idx %arg6[%select_n3A_682, %add3A_1094] : memref<8x1225xf32, #tpu.memory_space<vmem>>[vector<16xi32>, vector<16xi32>], vector<16xf32>,
      %add3A_1096 = arith.constant 11 : i32
      %add3A_1097 = vector.broadcast %add3A_1096 : i32 to vector<16xi32>
      %add3A_1098 = arith.addi %mul3A_689, %add3A_1097 : vector<16xi32>
      %gather3A_1099 = tpu.vector_load_idx %arg5[%select_n3A_682, %add3A_1098] : memref<8x1470xf32, #tpu.memory_space<vmem>>[vector<16xi32>, vector<16xi32>], vector<16xf32>,
      %sub3A_1100 = arith.subf %gather3A_1095, %gather3A_1099 : vector<16xf32>
      %mul3A_1101 = arith.mulf %sub3A_1100, %sub3A_1100 : vector<16xf32>
      %add3A_1102 = arith.addf %add3A_1058, %mul3A_1101 : vector<16xf32>
      %add3A_1103 = arith.constant 13 : i32
      %add3A_1104 = vector.broadcast %add3A_1103 : i32 to vector<16xi32>
      %add3A_1105 = arith.addi %mul3A_696, %add3A_1104 : vector<16xi32>
      %gather3A_1106 = tpu.vector_load_idx %arg6[%select_n3A_682, %add3A_1105] : memref<8x1225xf32, #tpu.memory_space<vmem>>[vector<16xi32>, vector<16xi32>], vector<16xf32>,
      %add3A_1107 = arith.constant 12 : i32
      %add3A_1108 = vector.broadcast %add3A_1107 : i32 to vector<16xi32>
      %add3A_1109 = arith.addi %mul3A_689, %add3A_1108 : vector<16xi32>
      %gather3A_1110 = tpu.vector_load_idx %arg5[%select_n3A_682, %add3A_1109] : memref<8x1470xf32, #tpu.memory_space<vmem>>[vector<16xi32>, vector<16xi32>], vector<16xf32>,
      %sub3A_1111 = arith.subf %gather3A_1106, %gather3A_1110 : vector<16xf32>
      %mul3A_1112 = arith.mulf %sub3A_1111, %sub3A_1111 : vector<16xf32>
      %add3A_1113 = arith.addf %add3A_1069, %mul3A_1112 : vector<16xf32>
      %add3A_1114 = arith.constant 14 : i32
      %add3A_1115 = vector.broadcast %add3A_1114 : i32 to vector<16xi32>
      %add3A_1116 = arith.addi %mul3A_696, %add3A_1115 : vector<16xi32>
      %gather3A_1117 = tpu.vector_load_idx %arg6[%select_n3A_682, %add3A_1116] : memref<8x1225xf32, #tpu.memory_space<vmem>>[vector<16xi32>, vector<16xi32>], vector<16xf32>,
      %add3A_1118 = arith.constant 13 : i32
      %add3A_1119 = vector.broadcast %add3A_1118 : i32 to vector<16xi32>
      %add3A_1120 = arith.addi %mul3A_689, %add3A_1119 : vector<16xi32>
      %gather3A_1121 = tpu.vector_load_idx %arg5[%select_n3A_682, %add3A_1120] : memref<8x1470xf32, #tpu.memory_space<vmem>>[vector<16xi32>, vector<16xi32>], vector<16xf32>,
      %sub3A_1122 = arith.subf %gather3A_1117, %gather3A_1121 : vector<16xf32>
      %mul3A_1123 = arith.mulf %sub3A_1122, %sub3A_1122 : vector<16xf32>
      %add3A_1124 = arith.addf %add3A_1080, %mul3A_1123 : vector<16xf32>
      %add3A_1125 = arith.constant 15 : i32
      %add3A_1126 = vector.broadcast %add3A_1125 : i32 to vector<16xi32>
      %add3A_1127 = arith.addi %mul3A_696, %add3A_1126 : vector<16xi32>
      %gather3A_1128 = tpu.vector_load_idx %arg6[%select_n3A_682, %add3A_1127] : memref<8x1225xf32, #tpu.memory_space<vmem>>[vector<16xi32>, vector<16xi32>], vector<16xf32>,
      %add3A_1129 = arith.constant 14 : i32
      %add3A_1130 = vector.broadcast %add3A_1129 : i32 to vector<16xi32>
      %add3A_1131 = arith.addi %mul3A_689, %add3A_1130 : vector<16xi32>
      %gather3A_1132 = tpu.vector_load_idx %arg5[%select_n3A_682, %add3A_1131] : memref<8x1470xf32, #tpu.memory_space<vmem>>[vector<16xi32>, vector<16xi32>], vector<16xf32>,
      %sub3A_1133 = arith.subf %gather3A_1128, %gather3A_1132 : vector<16xf32>
      %mul3A_1134 = arith.mulf %sub3A_1133, %sub3A_1133 : vector<16xf32>
      %add3A_1135 = arith.addf %add3A_1091, %mul3A_1134 : vector<16xf32>
      %add3A_1136 = arith.constant 16 : i32
      %add3A_1137 = vector.broadcast %add3A_1136 : i32 to vector<16xi32>
      %add3A_1138 = arith.addi %mul3A_696, %add3A_1137 : vector<16xi32>
      %gather3A_1139 = tpu.vector_load_idx %arg6[%select_n3A_682, %add3A_1138] : memref<8x1225xf32, #tpu.memory_space<vmem>>[vector<16xi32>, vector<16xi32>], vector<16xf32>,
      %add3A_1140 = arith.constant 15 : i32
      %add3A_1141 = vector.broadcast %add3A_1140 : i32 to vector<16xi32>
      %add3A_1142 = arith.addi %mul3A_689, %add3A_1141 : vector<16xi32>
      %gather3A_1143 = tpu.vector_load_idx %arg5[%select_n3A_682, %add3A_1142] : memref<8x1470xf32, #tpu.memory_space<vmem>>[vector<16xi32>, vector<16xi32>], vector<16xf32>,
      %sub3A_1144 = arith.subf %gather3A_1139, %gather3A_1143 : vector<16xf32>
      %mul3A_1145 = arith.mulf %sub3A_1144, %sub3A_1144 : vector<16xf32>
      %add3A_1146 = arith.addf %add3A_1102, %mul3A_1145 : vector<16xf32>
      %add3A_1147 = arith.constant 17 : i32
      %add3A_1148 = vector.broadcast %add3A_1147 : i32 to vector<16xi32>
      %add3A_1149 = arith.addi %mul3A_696, %add3A_1148 : vector<16xi32>
      %gather3A_1150 = tpu.vector_load_idx %arg6[%select_n3A_682, %add3A_1149] : memref<8x1225xf32, #tpu.memory_space<vmem>>[vector<16xi32>, vector<16xi32>], vector<16xf32>,
      %add3A_1151 = arith.constant 16 : i32
      %add3A_1152 = vector.broadcast %add3A_1151 : i32 to vector<16xi32>
      %add3A_1153 = arith.addi %mul3A_689, %add3A_1152 : vector<16xi32>
      %gather3A_1154 = tpu.vector_load_idx %arg5[%select_n3A_682, %add3A_1153] : memref<8x1470xf32, #tpu.memory_space<vmem>>[vector<16xi32>, vector<16xi32>], vector<16xf32>,
      %sub3A_1155 = arith.subf %gather3A_1150, %gather3A_1154 : vector<16xf32>
      %mul3A_1156 = arith.mulf %sub3A_1155, %sub3A_1155 : vector<16xf32>
      %add3A_1157 = arith.addf %add3A_1113, %mul3A_1156 : vector<16xf32>
      %add3A_1158 = arith.constant 18 : i32
      %add3A_1159 = vector.broadcast %add3A_1158 : i32 to vector<16xi32>
      %add3A_1160 = arith.addi %mul3A_696, %add3A_1159 : vector<16xi32>
      %gather3A_1161 = tpu.vector_load_idx %arg6[%select_n3A_682, %add3A_1160] : memref<8x1225xf32, #tpu.memory_space<vmem>>[vector<16xi32>, vector<16xi32>], vector<16xf32>,
      %add3A_1162 = arith.constant 17 : i32
      %add3A_1163 = vector.broadcast %add3A_1162 : i32 to vector<16xi32>
      %add3A_1164 = arith.addi %mul3A_689, %add3A_1163 : vector<16xi32>
      %gather3A_1165 = tpu.vector_load_idx %arg5[%select_n3A_682, %add3A_1164] : memref<8x1470xf32, #tpu.memory_space<vmem>>[vector<16xi32>, vector<16xi32>], vector<16xf32>,
      %sub3A_1166 = arith.subf %gather3A_1161, %gather3A_1165 : vector<16xf32>
      %mul3A_1167 = arith.mulf %sub3A_1166, %sub3A_1166 : vector<16xf32>
      %add3A_1168 = arith.addf %add3A_1124, %mul3A_1167 : vector<16xf32>
      %add3A_1169 = arith.constant 19 : i32
      %add3A_1170 = vector.broadcast %add3A_1169 : i32 to vector<16xi32>
      %add3A_1171 = arith.addi %mul3A_696, %add3A_1170 : vector<16xi32>
      %gather3A_1172 = tpu.vector_load_idx %arg6[%select_n3A_682, %add3A_1171] : memref<8x1225xf32, #tpu.memory_space<vmem>>[vector<16xi32>, vector<16xi32>], vector<16xf32>,
      %add3A_1173 = arith.constant 18 : i32
      %add3A_1174 = vector.broadcast %add3A_1173 : i32 to vector<16xi32>
      %add3A_1175 = arith.addi %mul3A_689, %add3A_1174 : vector<16xi32>
      %gather3A_1176 = tpu.vector_load_idx %arg5[%select_n3A_682, %add3A_1175] : memref<8x1470xf32, #tpu.memory_space<vmem>>[vector<16xi32>, vector<16xi32>], vector<16xf32>,
      %sub3A_1177 = arith.subf %gather3A_1172, %gather3A_1176 : vector<16xf32>
      %mul3A_1178 = arith.mulf %sub3A_1177, %sub3A_1177 : vector<16xf32>
      %add3A_1179 = arith.addf %add3A_1135, %mul3A_1178 : vector<16xf32>
      %add3A_1180 = arith.constant 20 : i32
      %add3A_1181 = vector.broadcast %add3A_1180 : i32 to vector<16xi32>
      %add3A_1182 = arith.addi %mul3A_696, %add3A_1181 : vector<16xi32>
      %gather3A_1183 = tpu.vector_load_idx %arg6[%select_n3A_682, %add3A_1182] : memref<8x1225xf32, #tpu.memory_space<vmem>>[vector<16xi32>, vector<16xi32>], vector<16xf32>,
      %add3A_1184 = arith.constant 19 : i32
      %add3A_1185 = vector.broadcast %add3A_1184 : i32 to vector<16xi32>
      %add3A_1186 = arith.addi %mul3A_689, %add3A_1185 : vector<16xi32>
      %gather3A_1187 = tpu.vector_load_idx %arg5[%select_n3A_682, %add3A_1186] : memref<8x1470xf32, #tpu.memory_space<vmem>>[vector<16xi32>, vector<16xi32>], vector<16xf32>,
      %sub3A_1188 = arith.subf %gather3A_1183, %gather3A_1187 : vector<16xf32>
      %mul3A_1189 = arith.mulf %sub3A_1188, %sub3A_1188 : vector<16xf32>
      %add3A_1190 = arith.addf %add3A_1146, %mul3A_1189 : vector<16xf32>
      %add3A_1191 = arith.addf %add3A_1157, %add3A_1168 : vector<16xf32>
      %add3A_1192 = arith.addf %add3A_1179, %add3A_1190 : vector<16xf32>
      %add3A_1193 = arith.addf %add3A_1191, %add3A_1192 : vector<16xf32>
      %jit3A_1194 = arith.constant 0.000000e+00 : f32
      %broadcast_in_dim3A_1195 = vector.broadcast %jit3A_1194 : f32 to vector<16xf32>
      %select_n3A_1196 = arith.select %ne3A_700, %add3A_1193, %broadcast_in_dim3A_1195 : vector<16xi1>, vector<16xf32>
      %add3A_1197 = arith.addf %add3A_962, %select_n3A_1196 : vector<16xf32>
      %add3A_1198 = arith.constant 21 : i32
      %add3A_1199 = vector.broadcast %add3A_1198 : i32 to vector<16xi32>
      %add3A_1200 = arith.addi %mul3A_696, %add3A_1199 : vector<16xi32>
      %gather3A_1201 = tpu.vector_load_idx %arg6[%select_n3A_682, %add3A_1200] : memref<8x1225xf32, #tpu.memory_space<vmem>>[vector<16xi32>, vector<16xi32>], vector<16xf32>,
      %add3A_1202 = arith.constant 22 : i32
      %add3A_1203 = vector.broadcast %add3A_1202 : i32 to vector<16xi32>
      %add3A_1204 = arith.addi %mul3A_696, %add3A_1203 : vector<16xi32>
      %gather3A_1205 = tpu.vector_load_idx %arg6[%select_n3A_682, %add3A_1204] : memref<8x1225xf32, #tpu.memory_space<vmem>>[vector<16xi32>, vector<16xi32>], vector<16xf32>,
      %bitcast_convert_type3A_1206 = tpu.bitcast %gather3A_718 : vector<16xf32> -> vector<16xi32>
      %shift_right_arithmetic3A_1207 = arith.constant 1 : i32
      %shift_right_arithmetic3A_1208 = vector.broadcast %shift_right_arithmetic3A_1207 : i32 to vector<16xi32>
      %shift_right_arithmetic3A_1209 = arith.shrsi %bitcast_convert_type3A_1206, %shift_right_arithmetic3A_1208 : vector<16xi32>
      %add3A_1210 = arith.constant 532487669 : i32
      %add3A_1211 = vector.broadcast %add3A_1210 : i32 to vector<16xi32>
      %add3A_1212 = arith.addi %shift_right_arithmetic3A_1209, %add3A_1211 : vector<16xi32>
      %bitcast_convert_type3A_1213 = tpu.bitcast %add3A_1212 : vector<16xi32> -> vector<16xf32>
      %div3A_1214 = arith.divf %gather3A_718, %bitcast_convert_type3A_1213 : vector<16xf32>
      %add3A_1215 = arith.addf %bitcast_convert_type3A_1213, %div3A_1214 : vector<16xf32>
      %mul3A_1216 = arith.constant 5.000000e-01 : f32
      %mul3A_1217 = vector.broadcast %mul3A_1216 : f32 to vector<16xf32>
      %mul3A_1218 = arith.mulf %mul3A_1217, %add3A_1215 : vector<16xf32>
      %div3A_1219 = arith.divf %gather3A_718, %mul3A_1218 : vector<16xf32>
      %add3A_1220 = arith.addf %mul3A_1218, %div3A_1219 : vector<16xf32>
      %mul3A_1221 = arith.constant 5.000000e-01 : f32
      %mul3A_1222 = vector.broadcast %mul3A_1221 : f32 to vector<16xf32>
      %mul3A_1223 = arith.mulf %mul3A_1222, %add3A_1220 : vector<16xf32>
      %bitcast_convert_type3A_1224 = tpu.bitcast %gather3A_722 : vector<16xf32> -> vector<16xi32>
      %shift_right_arithmetic3A_1225 = arith.constant 1 : i32
      %shift_right_arithmetic3A_1226 = vector.broadcast %shift_right_arithmetic3A_1225 : i32 to vector<16xi32>
      %shift_right_arithmetic3A_1227 = arith.shrsi %bitcast_convert_type3A_1224, %shift_right_arithmetic3A_1226 : vector<16xi32>
      %add3A_1228 = arith.constant 532487669 : i32
      %add3A_1229 = vector.broadcast %add3A_1228 : i32 to vector<16xi32>
      %add3A_1230 = arith.addi %shift_right_arithmetic3A_1227, %add3A_1229 : vector<16xi32>
      %bitcast_convert_type3A_1231 = tpu.bitcast %add3A_1230 : vector<16xi32> -> vector<16xf32>
      %div3A_1232 = arith.divf %gather3A_722, %bitcast_convert_type3A_1231 : vector<16xf32>
      %add3A_1233 = arith.addf %bitcast_convert_type3A_1231, %div3A_1232 : vector<16xf32>
      %mul3A_1234 = arith.constant 5.000000e-01 : f32
      %mul3A_1235 = vector.broadcast %mul3A_1234 : f32 to vector<16xf32>
      %mul3A_1236 = arith.mulf %mul3A_1235, %add3A_1233 : vector<16xf32>
      %div3A_1237 = arith.divf %gather3A_722, %mul3A_1236 : vector<16xf32>
      %add3A_1238 = arith.addf %mul3A_1236, %div3A_1237 : vector<16xf32>
      %mul3A_1239 = arith.constant 5.000000e-01 : f32
      %mul3A_1240 = vector.broadcast %mul3A_1239 : f32 to vector<16xf32>
      %mul3A_1241 = arith.mulf %mul3A_1240, %add3A_1238 : vector<16xf32>
      %not3A_1242 = arith.constant dense<true> : vector<16xi1>
      %not3A_1243 = arith.xori %or3A_929, %not3A_1242 : vector<16xi1>
      %and3A_1244 = arith.andi %not3A_1243, %ne3A_700 : vector<16xi1>
      %sub3A_1245 = arith.subf %gather3A_1201, %gather3A_726 : vector<16xf32>
      %sub3A_1246 = arith.subf %gather3A_1205, %gather3A_730 : vector<16xf32>
      %sub3A_1247 = arith.subf %mul3A_1223, %gather3A_734 : vector<16xf32>
      %sub3A_1248 = arith.subf %mul3A_1241, %gather3A_738 : vector<16xf32>
      %mul3A_1249 = arith.mulf %sub3A_1245, %sub3A_1245 : vector<16xf32>
      %mul3A_1250 = arith.mulf %sub3A_1246, %sub3A_1246 : vector<16xf32>
      %add3A_1251 = arith.addf %mul3A_1249, %mul3A_1250 : vector<16xf32>
      %mul3A_1252 = arith.mulf %sub3A_1247, %sub3A_1247 : vector<16xf32>
      %mul3A_1253 = arith.mulf %sub3A_1248, %sub3A_1248 : vector<16xf32>
      %add3A_1254 = arith.addf %mul3A_1252, %mul3A_1253 : vector<16xf32>
      %add3A_1255 = arith.addf %add3A_1251, %add3A_1254 : vector<16xf32>
      %mul3A_1256 = arith.constant 5.000000e+00 : f32
      %mul3A_1257 = vector.broadcast %mul3A_1256 : f32 to vector<16xf32>
      %mul3A_1258 = arith.mulf %mul3A_1257, %add3A_1255 : vector<16xf32>
      %jit3A_1259 = arith.constant 0.000000e+00 : f32
      %broadcast_in_dim3A_1260 = vector.broadcast %jit3A_1259 : f32 to vector<16xf32>
      %select_n3A_1261 = arith.select %and3A_1244, %mul3A_1258, %broadcast_in_dim3A_1260 : vector<16xi1>, vector<16xf32>
      %add3A_1262 = arith.addf %add3A_1197, %select_n3A_1261 : vector<16xf32>
      %and3A_1263 = arith.andi %or3A_929, %ne3A_700 : vector<16xi1>
      %sub3A_1264 = arith.subf %gather3A_1201, %gather3A_815 : vector<16xf32>
      %sub3A_1265 = arith.subf %gather3A_1205, %gather3A_819 : vector<16xf32>
      %sub3A_1266 = arith.subf %mul3A_1223, %gather3A_823 : vector<16xf32>
      %sub3A_1267 = arith.subf %mul3A_1241, %gather3A_827 : vector<16xf32>
      %mul3A_1268 = arith.mulf %sub3A_1264, %sub3A_1264 : vector<16xf32>
      %mul3A_1269 = arith.mulf %sub3A_1265, %sub3A_1265 : vector<16xf32>
      %add3A_1270 = arith.addf %mul3A_1268, %mul3A_1269 : vector<16xf32>
      %mul3A_1271 = arith.mulf %sub3A_1266, %sub3A_1266 : vector<16xf32>
      %mul3A_1272 = arith.mulf %sub3A_1267, %sub3A_1267 : vector<16xf32>
      %add3A_1273 = arith.addf %mul3A_1271, %mul3A_1272 : vector<16xf32>
      %add3A_1274 = arith.addf %add3A_1270, %add3A_1273 : vector<16xf32>
      %mul3A_1275 = arith.constant 5.000000e+00 : f32
      %mul3A_1276 = vector.broadcast %mul3A_1275 : f32 to vector<16xf32>
      %mul3A_1277 = arith.mulf %mul3A_1276, %add3A_1274 : vector<16xf32>
      %jit3A_1278 = arith.constant 0.000000e+00 : f32
      %broadcast_in_dim3A_1279 = vector.broadcast %jit3A_1278 : f32 to vector<16xf32>
      %select_n3A_1280 = arith.select %and3A_1263, %mul3A_1277, %broadcast_in_dim3A_1279 : vector<16xi1>, vector<16xf32>
      %add3A_1281 = arith.addf %add3A_1262, %select_n3A_1280 : vector<16xf32>
      %jit3A_1282 = arith.constant 0.000000e+00 : f32
      %broadcast_in_dim3A_1283 = vector.broadcast %jit3A_1282 : f32 to vector<16xf32>
      %select_n3A_1284 = arith.select %lt3A_648, %add3A_1281, %broadcast_in_dim3A_1283 : vector<16xi1>, vector<16xf32>
      %add3A_1285 = arith.addf %scan3A_640, %select_n3A_1284 : vector<16xf32>
      %scan3A_1286 = arith.constant 1 : i32
      %scan3A_1287 = arith.addi %scan3A_639, %scan3A_1286 : i32
      %mul3A_1288 = arith.constant 16 : i32
      %mul3A_1289 = arith.muli %scan3A_1287, %mul3A_1288 : i32
      %iota3A_1290 = tpu.iota {dimensions = array<i32: 0>} : vector<16xi32>
      %add3A_1291 = vector.broadcast %mul3A_1289 : i32 to vector<16xi32>
      %add3A_1292 = arith.addi %add3A_1291, %iota3A_1290 : vector<16xi32>
      %lt3A_1293 = arith.constant 392 : i32
      %lt3A_1294 = vector.broadcast %lt3A_1293 : i32 to vector<16xi32>
      %lt3A_1295 = arith.cmpi slt, %add3A_1292, %lt3A_1294 : vector<16xi32>
      %min3A_1296 = arith.constant 391 : i32
      %min3A_1297 = vector.broadcast %min3A_1296 : i32 to vector<16xi32>
      %min3A_1298 = arith.minsi %add3A_1292, %min3A_1297 : vector<16xi32>
      %jit3A_1299 = arith.constant 49 : i32
      %div3A_1300 = vector.broadcast %jit3A_1299 : i32 to vector<16xi32>
      %div3A_1301 = arith.divsi %min3A_1298, %div3A_1300 : vector<16xi32>
      %sign3A_1302 = arith.constant 0 : i32
      %sign3A_1303 = vector.broadcast %sign3A_1302 : i32 to vector<16xi32>
      %sign3A_1304 = arith.cmpi sgt, %min3A_1298, %sign3A_1303 : vector<16xi32>
      %sign3A_1305 = arith.extui %sign3A_1304 : vector<16xi1> to vector<16xi32>
      %sign3A_1306 = arith.constant 0 : i32
      %sign3A_1307 = vector.broadcast %sign3A_1306 : i32 to vector<16xi32>
      %sign3A_1308 = arith.cmpi slt, %min3A_1298, %sign3A_1307 : vector<16xi32>
      %sign3A_1309 = arith.extui %sign3A_1308 : vector<16xi1> to vector<16xi32>
      %sign3A_1310 = arith.subi %sign3A_1305, %sign3A_1309 : vector<16xi32>
      %sign3A_1311 = arith.constant 0 : i32
      %sign3A_1312 = arith.cmpi sgt, %jit3A_1299, %sign3A_1311 : i32
      %sign3A_1313 = arith.extui %sign3A_1312 : i1 to i32
      %sign3A_1314 = arith.constant 0 : i32
      %sign3A_1315 = arith.cmpi slt, %jit3A_1299, %sign3A_1314 : i32
      %sign3A_1316 = arith.extui %sign3A_1315 : i1 to i32
      %sign3A_1317 = arith.subi %sign3A_1313, %sign3A_1316 : i32
      %ne3A_1318 = vector.broadcast %sign3A_1317 : i32 to vector<16xi32>
      %ne3A_1319 = arith.cmpi ne, %sign3A_1310, %ne3A_1318 : vector<16xi32>
      %rem3A_1320 = vector.broadcast %jit3A_1299 : i32 to vector<16xi32>
      %rem3A_1321 = arith.remsi %min3A_1298, %rem3A_1320 : vector<16xi32>
      %ne3A_1322 = arith.constant 0 : i32
      %ne3A_1323 = vector.broadcast %ne3A_1322 : i32 to vector<16xi32>
      %ne3A_1324 = arith.cmpi ne, %rem3A_1321, %ne3A_1323 : vector<16xi32>
      %and3A_1325 = arith.andi %ne3A_1319, %ne3A_1324 : vector<16xi1>
      %sub3A_1326 = arith.constant 1 : i32
      %sub3A_1327 = vector.broadcast %sub3A_1326 : i32 to vector<16xi32>
      %sub3A_1328 = arith.subi %div3A_1301, %sub3A_1327 : vector<16xi32>
      %select_n3A_1329 = arith.select %and3A_1325, %sub3A_1328, %div3A_1301 : vector<16xi1>, vector<16xi32>
      %mul3A_1330 = arith.constant 49 : i32
      %mul3A_1331 = vector.broadcast %mul3A_1330 : i32 to vector<16xi32>
      %mul3A_1332 = arith.muli %select_n3A_1329, %mul3A_1331 : vector<16xi32>
      %sub3A_1333 = arith.subi %min3A_1298, %mul3A_1332 : vector<16xi32>
      %mul3A_1334 = arith.constant 20 : i32
      %mul3A_1335 = vector.broadcast %mul3A_1334 : i32 to vector<16xi32>
      %mul3A_1336 = arith.muli %sub3A_1333, %mul3A_1335 : vector<16xi32>
      %add3A_1337 = arith.addi %sub3A_1333, %sub3A_1333 : vector<16xi32>
      %mul3A_1338 = arith.constant 8 : i32
      %mul3A_1339 = vector.broadcast %mul3A_1338 : i32 to vector<16xi32>
      %mul3A_1340 = arith.muli %sub3A_1333, %mul3A_1339 : vector<16xi32>
      %mul3A_1341 = arith.constant 25 : i32
      %mul3A_1342 = vector.broadcast %mul3A_1341 : i32 to vector<16xi32>
      %mul3A_1343 = arith.muli %sub3A_1333, %mul3A_1342 : vector<16xi32>
      %gather3A_1344 = tpu.vector_load_idx %arg6[%select_n3A_1329, %mul3A_1343] : memref<8x1225xf32, #tpu.memory_space<vmem>>[vector<16xi32>, vector<16xi32>], vector<16xf32>,
      %ne3A_1345 = arith.constant 0.000000e+00 : f32
      %ne3A_1346 = vector.broadcast %ne3A_1345 : f32 to vector<16xf32>
      %ne3A_1347 = arith.cmpf one, %gather3A_1344, %ne3A_1346 : vector<16xf32>
      %add3A_1348 = arith.constant 21 : i32
      %add3A_1349 = vector.broadcast %add3A_1348 : i32 to vector<16xi32>
      %add3A_1350 = arith.addi %mul3A_1343, %add3A_1349 : vector<16xi32>
      %gather3A_1351 = tpu.vector_load_idx %arg6[%select_n3A_1329, %add3A_1350] : memref<8x1225xf32, #tpu.memory_space<vmem>>[vector<16xi32>, vector<16xi32>], vector<16xf32>,
      %mul3A_1352 = arith.constant 0.142857149 : f32
      %mul3A_1353 = vector.broadcast %mul3A_1352 : f32 to vector<16xf32>
      %mul3A_1354 = arith.mulf %gather3A_1351, %mul3A_1353 : vector<16xf32>
      %add3A_1355 = arith.constant 22 : i32
      %add3A_1356 = vector.broadcast %add3A_1355 : i32 to vector<16xi32>
      %add3A_1357 = arith.addi %mul3A_1343, %add3A_1356 : vector<16xi32>
      %gather3A_1358 = tpu.vector_load_idx %arg6[%select_n3A_1329, %add3A_1357] : memref<8x1225xf32, #tpu.memory_space<vmem>>[vector<16xi32>, vector<16xi32>], vector<16xf32>,
      %mul3A_1359 = arith.constant 0.142857149 : f32
      %mul3A_1360 = vector.broadcast %mul3A_1359 : f32 to vector<16xf32>
      %mul3A_1361 = arith.mulf %gather3A_1358, %mul3A_1360 : vector<16xf32>
      %add3A_1362 = arith.constant 23 : i32
      %add3A_1363 = vector.broadcast %add3A_1362 : i32 to vector<16xi32>
      %add3A_1364 = arith.addi %mul3A_1343, %add3A_1363 : vector<16xi32>
      %gather3A_1365 = tpu.vector_load_idx %arg6[%select_n3A_1329, %add3A_1364] : memref<8x1225xf32, #tpu.memory_space<vmem>>[vector<16xi32>, vector<16xi32>], vector<16xf32>,
      %add3A_1366 = arith.constant 24 : i32
      %add3A_1367 = vector.broadcast %add3A_1366 : i32 to vector<16xi32>
      %add3A_1368 = arith.addi %mul3A_1343, %add3A_1367 : vector<16xi32>
      %gather3A_1369 = tpu.vector_load_idx %arg6[%select_n3A_1329, %add3A_1368] : memref<8x1225xf32, #tpu.memory_space<vmem>>[vector<16xi32>, vector<16xi32>], vector<16xf32>,
      %add3A_1370 = arith.constant 1078 : i32
      %add3A_1371 = vector.broadcast %add3A_1370 : i32 to vector<16xi32>
      %add3A_1372 = arith.addi %mul3A_1340, %add3A_1371 : vector<16xi32>
      %gather3A_1373 = tpu.vector_load_idx %arg5[%select_n3A_1329, %add3A_1372] : memref<8x1470xf32, #tpu.memory_space<vmem>>[vector<16xi32>, vector<16xi32>], vector<16xf32>,
      %add3A_1374 = arith.constant 1079 : i32
      %add3A_1375 = vector.broadcast %add3A_1374 : i32 to vector<16xi32>
      %add3A_1376 = arith.addi %mul3A_1340, %add3A_1375 : vector<16xi32>
      %gather3A_1377 = tpu.vector_load_idx %arg5[%select_n3A_1329, %add3A_1376] : memref<8x1470xf32, #tpu.memory_space<vmem>>[vector<16xi32>, vector<16xi32>], vector<16xf32>,
      %add3A_1378 = arith.constant 1080 : i32
      %add3A_1379 = vector.broadcast %add3A_1378 : i32 to vector<16xi32>
      %add3A_1380 = arith.addi %mul3A_1340, %add3A_1379 : vector<16xi32>
      %gather3A_1381 = tpu.vector_load_idx %arg5[%select_n3A_1329, %add3A_1380] : memref<8x1470xf32, #tpu.memory_space<vmem>>[vector<16xi32>, vector<16xi32>], vector<16xf32>,
      %add3A_1382 = arith.constant 1081 : i32
      %add3A_1383 = vector.broadcast %add3A_1382 : i32 to vector<16xi32>
      %add3A_1384 = arith.addi %mul3A_1340, %add3A_1383 : vector<16xi32>
      %gather3A_1385 = tpu.vector_load_idx %arg5[%select_n3A_1329, %add3A_1384] : memref<8x1470xf32, #tpu.memory_space<vmem>>[vector<16xi32>, vector<16xi32>], vector<16xf32>,
      %mul3A_1386 = arith.constant 0.142857149 : f32
      %mul3A_1387 = vector.broadcast %mul3A_1386 : f32 to vector<16xf32>
      %mul3A_1388 = arith.mulf %gather3A_1373, %mul3A_1387 : vector<16xf32>
      %mul3A_1389 = arith.constant 0.142857149 : f32
      %mul3A_1390 = vector.broadcast %mul3A_1389 : f32 to vector<16xf32>
      %mul3A_1391 = arith.mulf %gather3A_1377, %mul3A_1390 : vector<16xf32>
      %mul3A_1392 = arith.mulf %gather3A_1381, %gather3A_1381 : vector<16xf32>
      %mul3A_1393 = arith.mulf %gather3A_1385, %gather3A_1385 : vector<16xf32>
      %mul3A_1394 = arith.constant 5.000000e-01 : f32
      %mul3A_1395 = vector.broadcast %mul3A_1394 : f32 to vector<16xf32>
      %mul3A_1396 = arith.mulf %mul3A_1395, %gather3A_1365 : vector<16xf32>
      %sub3A_1397 = arith.subf %mul3A_1354, %mul3A_1396 : vector<16xf32>
      %mul3A_1398 = arith.constant 5.000000e-01 : f32
      %mul3A_1399 = vector.broadcast %mul3A_1398 : f32 to vector<16xf32>
      %mul3A_1400 = arith.mulf %mul3A_1399, %mul3A_1392 : vector<16xf32>
      %sub3A_1401 = arith.subf %mul3A_1388, %mul3A_1400 : vector<16xf32>
      %max3A_1402 = arith.maximumf %sub3A_1397, %sub3A_1401 : vector<16xf32>
      %mul3A_1403 = arith.constant 5.000000e-01 : f32
      %mul3A_1404 = vector.broadcast %mul3A_1403 : f32 to vector<16xf32>
      %mul3A_1405 = arith.mulf %mul3A_1404, %gather3A_1365 : vector<16xf32>
      %add3A_1406 = arith.addf %mul3A_1354, %mul3A_1405 : vector<16xf32>
      %mul3A_1407 = arith.constant 5.000000e-01 : f32
      %mul3A_1408 = vector.broadcast %mul3A_1407 : f32 to vector<16xf32>
      %mul3A_1409 = arith.mulf %mul3A_1408, %mul3A_1392 : vector<16xf32>
      %add3A_1410 = arith.addf %mul3A_1388, %mul3A_1409 : vector<16xf32>
      %min3A_1411 = arith.minimumf %add3A_1406, %add3A_1410 : vector<16xf32>
      %mul3A_1412 = arith.constant 5.000000e-01 : f32
      %mul3A_1413 = vector.broadcast %mul3A_1412 : f32 to vector<16xf32>
      %mul3A_1414 = arith.mulf %mul3A_1413, %gather3A_1369 : vector<16xf32>
      %sub3A_1415 = arith.subf %mul3A_1361, %mul3A_1414 : vector<16xf32>
      %mul3A_1416 = arith.constant 5.000000e-01 : f32
      %mul3A_1417 = vector.broadcast %mul3A_1416 : f32 to vector<16xf32>
      %mul3A_1418 = arith.mulf %mul3A_1417, %mul3A_1393 : vector<16xf32>
      %sub3A_1419 = arith.subf %mul3A_1391, %mul3A_1418 : vector<16xf32>
      %max3A_1420 = arith.maximumf %sub3A_1415, %sub3A_1419 : vector<16xf32>
      %mul3A_1421 = arith.constant 5.000000e-01 : f32
      %mul3A_1422 = vector.broadcast %mul3A_1421 : f32 to vector<16xf32>
      %mul3A_1423 = arith.mulf %mul3A_1422, %gather3A_1369 : vector<16xf32>
      %add3A_1424 = arith.addf %mul3A_1361, %mul3A_1423 : vector<16xf32>
      %mul3A_1425 = arith.constant 5.000000e-01 : f32
      %mul3A_1426 = vector.broadcast %mul3A_1425 : f32 to vector<16xf32>
      %mul3A_1427 = arith.mulf %mul3A_1426, %mul3A_1393 : vector<16xf32>
      %add3A_1428 = arith.addf %mul3A_1391, %mul3A_1427 : vector<16xf32>
      %min3A_1429 = arith.minimumf %add3A_1424, %add3A_1428 : vector<16xf32>
      %sub3A_1430 = arith.subf %min3A_1411, %max3A_1402 : vector<16xf32>
      %sub3A_1431 = arith.subf %min3A_1429, %max3A_1420 : vector<16xf32>
      %mul3A_1432 = arith.mulf %sub3A_1430, %sub3A_1431 : vector<16xf32>
      %mul3A_1433 = arith.mulf %gather3A_1365, %gather3A_1369 : vector<16xf32>
      %mul3A_1434 = arith.mulf %mul3A_1392, %mul3A_1393 : vector<16xf32>
      %add3A_1435 = arith.addf %mul3A_1433, %mul3A_1434 : vector<16xf32>
      %sub3A_1436 = arith.subf %add3A_1435, %mul3A_1432 : vector<16xf32>
      %lt3A_1437 = arith.constant 0.000000e+00 : f32
      %lt3A_1438 = vector.broadcast %lt3A_1437 : f32 to vector<16xf32>
      %lt3A_1439 = arith.cmpf olt, %sub3A_1430, %lt3A_1438 : vector<16xf32>
      %lt3A_1440 = arith.constant 0.000000e+00 : f32
      %lt3A_1441 = vector.broadcast %lt3A_1440 : f32 to vector<16xf32>
      %lt3A_1442 = arith.cmpf olt, %sub3A_1431, %lt3A_1441 : vector<16xf32>
      %or3A_1443 = arith.ori %lt3A_1439, %lt3A_1442 : vector<16xi1>
      %div3A_1444 = arith.divf %mul3A_1432, %sub3A_1436 : vector<16xf32>
      %jit3A_1445 = arith.constant 0.000000e+00 : f32
      %broadcast_in_dim3A_1446 = vector.broadcast %jit3A_1445 : f32 to vector<16xf32>
      %select_n3A_1447 = arith.select %or3A_1443, %broadcast_in_dim3A_1446, %div3A_1444 : vector<16xi1>, vector<16xf32>
      %sub3A_1448 = arith.subf %mul3A_1354, %mul3A_1388 : vector<16xf32>
      %sub3A_1449 = arith.subf %mul3A_1361, %mul3A_1391 : vector<16xf32>
      %sub3A_1450 = arith.subf %gather3A_1365, %mul3A_1392 : vector<16xf32>
      %sub3A_1451 = arith.subf %gather3A_1369, %mul3A_1393 : vector<16xf32>
      %mul3A_1452 = arith.mulf %sub3A_1448, %sub3A_1448 : vector<16xf32>
      %mul3A_1453 = arith.mulf %sub3A_1449, %sub3A_1449 : vector<16xf32>
      %add3A_1454 = arith.addf %mul3A_1452, %mul3A_1453 : vector<16xf32>
      %mul3A_1455 = arith.mulf %sub3A_1450, %sub3A_1450 : vector<16xf32>
      %add3A_1456 = arith.addf %add3A_1454, %mul3A_1455 : vector<16xf32>
      %mul3A_1457 = arith.mulf %sub3A_1451, %sub3A_1451 : vector<16xf32>
      %add3A_1458 = arith.addf %add3A_1456, %mul3A_1457 : vector<16xf32>
      %add3A_1459 = arith.constant 1082 : i32
      %add3A_1460 = vector.broadcast %add3A_1459 : i32 to vector<16xi32>
      %add3A_1461 = arith.addi %mul3A_1340, %add3A_1460 : vector<16xi32>
      %gather3A_1462 = tpu.vector_load_idx %arg5[%select_n3A_1329, %add3A_1461] : memref<8x1470xf32, #tpu.memory_space<vmem>>[vector<16xi32>, vector<16xi32>], vector<16xf32>,
      %add3A_1463 = arith.constant 1083 : i32
      %add3A_1464 = vector.broadcast %add3A_1463 : i32 to vector<16xi32>
      %add3A_1465 = arith.addi %mul3A_1340, %add3A_1464 : vector<16xi32>
      %gather3A_1466 = tpu.vector_load_idx %arg5[%select_n3A_1329, %add3A_1465] : memref<8x1470xf32, #tpu.memory_space<vmem>>[vector<16xi32>, vector<16xi32>], vector<16xf32>,
      %add3A_1467 = arith.constant 1084 : i32
      %add3A_1468 = vector.broadcast %add3A_1467 : i32 to vector<16xi32>
      %add3A_1469 = arith.addi %mul3A_1340, %add3A_1468 : vector<16xi32>
      %gather3A_1470 = tpu.vector_load_idx %arg5[%select_n3A_1329, %add3A_1469] : memref<8x1470xf32, #tpu.memory_space<vmem>>[vector<16xi32>, vector<16xi32>], vector<16xf32>,
      %add3A_1471 = arith.constant 1085 : i32
      %add3A_1472 = vector.broadcast %add3A_1471 : i32 to vector<16xi32>
      %add3A_1473 = arith.addi %mul3A_1340, %add3A_1472 : vector<16xi32>
      %gather3A_1474 = tpu.vector_load_idx %arg5[%select_n3A_1329, %add3A_1473] : memref<8x1470xf32, #tpu.memory_space<vmem>>[vector<16xi32>, vector<16xi32>], vector<16xf32>,
      %mul3A_1475 = arith.constant 0.142857149 : f32
      %mul3A_1476 = vector.broadcast %mul3A_1475 : f32 to vector<16xf32>
      %mul3A_1477 = arith.mulf %gather3A_1462, %mul3A_1476 : vector<16xf32>
      %mul3A_1478 = arith.constant 0.142857149 : f32
      %mul3A_1479 = vector.broadcast %mul3A_1478 : f32 to vector<16xf32>
      %mul3A_1480 = arith.mulf %gather3A_1466, %mul3A_1479 : vector<16xf32>
      %mul3A_1481 = arith.mulf %gather3A_1470, %gather3A_1470 : vector<16xf32>
      %mul3A_1482 = arith.mulf %gather3A_1474, %gather3A_1474 : vector<16xf32>
      %mul3A_1483 = arith.constant 5.000000e-01 : f32
      %mul3A_1484 = vector.broadcast %mul3A_1483 : f32 to vector<16xf32>
      %mul3A_1485 = arith.mulf %mul3A_1484, %gather3A_1365 : vector<16xf32>
      %sub3A_1486 = arith.subf %mul3A_1354, %mul3A_1485 : vector<16xf32>
      %mul3A_1487 = arith.constant 5.000000e-01 : f32
      %mul3A_1488 = vector.broadcast %mul3A_1487 : f32 to vector<16xf32>
      %mul3A_1489 = arith.mulf %mul3A_1488, %mul3A_1481 : vector<16xf32>
      %sub3A_1490 = arith.subf %mul3A_1477, %mul3A_1489 : vector<16xf32>
      %max3A_1491 = arith.maximumf %sub3A_1486, %sub3A_1490 : vector<16xf32>
      %mul3A_1492 = arith.constant 5.000000e-01 : f32
      %mul3A_1493 = vector.broadcast %mul3A_1492 : f32 to vector<16xf32>
      %mul3A_1494 = arith.mulf %mul3A_1493, %gather3A_1365 : vector<16xf32>
      %add3A_1495 = arith.addf %mul3A_1354, %mul3A_1494 : vector<16xf32>
      %mul3A_1496 = arith.constant 5.000000e-01 : f32
      %mul3A_1497 = vector.broadcast %mul3A_1496 : f32 to vector<16xf32>
      %mul3A_1498 = arith.mulf %mul3A_1497, %mul3A_1481 : vector<16xf32>
      %add3A_1499 = arith.addf %mul3A_1477, %mul3A_1498 : vector<16xf32>
      %min3A_1500 = arith.minimumf %add3A_1495, %add3A_1499 : vector<16xf32>
      %mul3A_1501 = arith.constant 5.000000e-01 : f32
      %mul3A_1502 = vector.broadcast %mul3A_1501 : f32 to vector<16xf32>
      %mul3A_1503 = arith.mulf %mul3A_1502, %gather3A_1369 : vector<16xf32>
      %sub3A_1504 = arith.subf %mul3A_1361, %mul3A_1503 : vector<16xf32>
      %mul3A_1505 = arith.constant 5.000000e-01 : f32
      %mul3A_1506 = vector.broadcast %mul3A_1505 : f32 to vector<16xf32>
      %mul3A_1507 = arith.mulf %mul3A_1506, %mul3A_1482 : vector<16xf32>
      %sub3A_1508 = arith.subf %mul3A_1480, %mul3A_1507 : vector<16xf32>
      %max3A_1509 = arith.maximumf %sub3A_1504, %sub3A_1508 : vector<16xf32>
      %mul3A_1510 = arith.constant 5.000000e-01 : f32
      %mul3A_1511 = vector.broadcast %mul3A_1510 : f32 to vector<16xf32>
      %mul3A_1512 = arith.mulf %mul3A_1511, %gather3A_1369 : vector<16xf32>
      %add3A_1513 = arith.addf %mul3A_1361, %mul3A_1512 : vector<16xf32>
      %mul3A_1514 = arith.constant 5.000000e-01 : f32
      %mul3A_1515 = vector.broadcast %mul3A_1514 : f32 to vector<16xf32>
      %mul3A_1516 = arith.mulf %mul3A_1515, %mul3A_1482 : vector<16xf32>
      %add3A_1517 = arith.addf %mul3A_1480, %mul3A_1516 : vector<16xf32>
      %min3A_1518 = arith.minimumf %add3A_1513, %add3A_1517 : vector<16xf32>
      %sub3A_1519 = arith.subf %min3A_1500, %max3A_1491 : vector<16xf32>
      %sub3A_1520 = arith.subf %min3A_1518, %max3A_1509 : vector<16xf32>
      %mul3A_1521 = arith.mulf %sub3A_1519, %sub3A_1520 : vector<16xf32>
      %mul3A_1522 = arith.mulf %gather3A_1365, %gather3A_1369 : vector<16xf32>
      %mul3A_1523 = arith.mulf %mul3A_1481, %mul3A_1482 : vector<16xf32>
      %add3A_1524 = arith.addf %mul3A_1522, %mul3A_1523 : vector<16xf32>
      %sub3A_1525 = arith.subf %add3A_1524, %mul3A_1521 : vector<16xf32>
      %lt3A_1526 = arith.constant 0.000000e+00 : f32
      %lt3A_1527 = vector.broadcast %lt3A_1526 : f32 to vector<16xf32>
      %lt3A_1528 = arith.cmpf olt, %sub3A_1519, %lt3A_1527 : vector<16xf32>
      %lt3A_1529 = arith.constant 0.000000e+00 : f32
      %lt3A_1530 = vector.broadcast %lt3A_1529 : f32 to vector<16xf32>
      %lt3A_1531 = arith.cmpf olt, %sub3A_1520, %lt3A_1530 : vector<16xf32>
      %or3A_1532 = arith.ori %lt3A_1528, %lt3A_1531 : vector<16xi1>
      %div3A_1533 = arith.divf %mul3A_1521, %sub3A_1525 : vector<16xf32>
      %jit3A_1534 = arith.constant 0.000000e+00 : f32
      %broadcast_in_dim3A_1535 = vector.broadcast %jit3A_1534 : f32 to vector<16xf32>
      %select_n3A_1536 = arith.select %or3A_1532, %broadcast_in_dim3A_1535, %div3A_1533 : vector<16xi1>, vector<16xf32>
      %sub3A_1537 = arith.subf %mul3A_1354, %mul3A_1477 : vector<16xf32>
      %sub3A_1538 = arith.subf %mul3A_1361, %mul3A_1480 : vector<16xf32>
      %sub3A_1539 = arith.subf %gather3A_1365, %mul3A_1481 : vector<16xf32>
      %sub3A_1540 = arith.subf %gather3A_1369, %mul3A_1482 : vector<16xf32>
      %mul3A_1541 = arith.mulf %sub3A_1537, %sub3A_1537 : vector<16xf32>
      %mul3A_1542 = arith.mulf %sub3A_1538, %sub3A_1538 : vector<16xf32>
      %add3A_1543 = arith.addf %mul3A_1541, %mul3A_1542 : vector<16xf32>
      %mul3A_1544 = arith.mulf %sub3A_1539, %sub3A_1539 : vector<16xf32>
      %add3A_1545 = arith.addf %add3A_1543, %mul3A_1544 : vector<16xf32>
      %mul3A_1546 = arith.mulf %sub3A_1540, %sub3A_1540 : vector<16xf32>
      %add3A_1547 = arith.addf %add3A_1545, %mul3A_1546 : vector<16xf32>
      %gt3A_1548 = arith.constant 0.000000e+00 : f32
      %gt3A_1549 = vector.broadcast %gt3A_1548 : f32 to vector<16xf32>
      %gt3A_1550 = arith.cmpf ogt, %select_n3A_1447, %gt3A_1549 : vector<16xf32>
      %not3A_1551 = arith.constant dense<true> : vector<16xi1>
      %not3A_1552 = arith.xori %gt3A_1550, %not3A_1551 : vector<16xi1>
      %lt3A_1553 = arith.constant 4.000000e+02 : f32
      %lt3A_1554 = vector.broadcast %lt3A_1553 : f32 to vector<16xf32>
      %lt3A_1555 = arith.cmpf olt, %add3A_1458, %lt3A_1554 : vector<16xf32>
      %and3A_1556 = arith.andi %not3A_1552, %lt3A_1555 : vector<16xi1>
      %jit3A_1557 = arith.constant 0.000000e+00 : f32
      %broadcast_in_dim3A_1558 = vector.broadcast %jit3A_1557 : f32 to vector<16xf32>
      %select_n3A_1559 = arith.select %gt3A_1550, %select_n3A_1447, %broadcast_in_dim3A_1558 : vector<16xi1>, vector<16xf32>
      %jit3A_1560 = arith.constant 4.000000e+02 : f32
      %broadcast_in_dim3A_1561 = vector.broadcast %jit3A_1560 : f32 to vector<16xf32>
      %select_n3A_1562 = arith.select %and3A_1556, %add3A_1458, %broadcast_in_dim3A_1561 : vector<16xi1>, vector<16xf32>
      %gt3A_1563 = arith.constant 0.000000e+00 : f32
      %gt3A_1564 = vector.broadcast %gt3A_1563 : f32 to vector<16xf32>
      %gt3A_1565 = arith.cmpf ogt, %select_n3A_1559, %gt3A_1564 : vector<16xf32>
      %gt3A_1566 = arith.constant 0.000000e+00 : f32
      %gt3A_1567 = vector.broadcast %gt3A_1566 : f32 to vector<16xf32>
      %gt3A_1568 = arith.cmpf ogt, %select_n3A_1536, %gt3A_1567 : vector<16xf32>
      %or3A_1569 = arith.ori %gt3A_1565, %gt3A_1568 : vector<16xi1>
      %gt3A_1570 = arith.cmpf ogt, %select_n3A_1536, %select_n3A_1559 : vector<16xf32>
      %and3A_1571 = arith.andi %or3A_1569, %gt3A_1570 : vector<16xi1>
      %not3A_1572 = arith.constant dense<true> : vector<16xi1>
      %not3A_1573 = arith.xori %or3A_1569, %not3A_1572 : vector<16xi1>
      %lt3A_1574 = arith.cmpf olt, %add3A_1547, %select_n3A_1562 : vector<16xf32>
      %and3A_1575 = arith.andi %not3A_1573, %lt3A_1574 : vector<16xi1>
      %or3A_1576 = arith.ori %and3A_1571, %and3A_1575 : vector<16xi1>
      %select_n3A_1577 = arith.select %or3A_1576, %select_n3A_1536, %select_n3A_1447 : vector<16xi1>, vector<16xf32>
      %broadcast_in_dim3A_1578 = arith.constant 0.000000e+00 : f32
      %broadcast_in_dim3A_1579 = vector.broadcast %broadcast_in_dim3A_1578 : f32 to vector<16xf32>
      %add3A_1580 = arith.constant 980 : i32
      %add3A_1581 = vector.broadcast %add3A_1580 : i32 to vector<16xi32>
      %add3A_1582 = arith.addi %add3A_1337, %add3A_1581 : vector<16xi32>
      %gather3A_1583 = tpu.vector_load_idx %arg5[%select_n3A_1329, %add3A_1582] : memref<8x1470xf32, #tpu.memory_space<vmem>>[vector<16xi32>, vector<16xi32>], vector<16xf32>,
      %not3A_1584 = arith.constant dense<true> : vector<16xi1>
      %not3A_1585 = arith.xori %or3A_1576, %not3A_1584 : vector<16xi1>
      %and3A_1586 = arith.andi %not3A_1585, %ne3A_1347 : vector<16xi1>
      %sub3A_1587 = arith.subf %select_n3A_1577, %gather3A_1583 : vector<16xf32>
      %mul3A_1588 = arith.mulf %sub3A_1587, %sub3A_1587 : vector<16xf32>
      %mul3A_1589 = arith.mulf %gather3A_1583, %gather3A_1583 : vector<16xf32>
      %select_n3A_1590 = arith.select %and3A_1586, %mul3A_1588, %mul3A_1589 : vector<16xi1>, vector<16xf32>
      %ne3A_1591 = arith.cmpf one, %select_n3A_1590, %select_n3A_1590 : vector<16xf32>
      %jit3A_1592 = arith.constant 0.000000e+00 : f32
      %broadcast_in_dim3A_1593 = vector.broadcast %jit3A_1592 : f32 to vector<16xf32>
      %select_n3A_1594 = arith.select %ne3A_1591, %broadcast_in_dim3A_1593, %select_n3A_1590 : vector<16xi1>, vector<16xf32>
      %add3A_1595 = arith.addf %broadcast_in_dim3A_1579, %select_n3A_1594 : vector<16xf32>
      %add3A_1596 = arith.constant 981 : i32
      %add3A_1597 = vector.broadcast %add3A_1596 : i32 to vector<16xi32>
      %add3A_1598 = arith.addi %add3A_1337, %add3A_1597 : vector<16xi32>
      %gather3A_1599 = tpu.vector_load_idx %arg5[%select_n3A_1329, %add3A_1598] : memref<8x1470xf32, #tpu.memory_space<vmem>>[vector<16xi32>, vector<16xi32>], vector<16xf32>,
      %and3A_1600 = arith.andi %or3A_1576, %ne3A_1347 : vector<16xi1>
      %sub3A_1601 = arith.subf %select_n3A_1577, %gather3A_1599 : vector<16xf32>
      %mul3A_1602 = arith.mulf %sub3A_1601, %sub3A_1601 : vector<16xf32>
      %mul3A_1603 = arith.mulf %gather3A_1599, %gather3A_1599 : vector<16xf32>
      %select_n3A_1604 = arith.select %and3A_1600, %mul3A_1602, %mul3A_1603 : vector<16xi1>, vector<16xf32>
      %ne3A_1605 = arith.cmpf one, %select_n3A_1604, %select_n3A_1604 : vector<16xf32>
      %jit3A_1606 = arith.constant 0.000000e+00 : f32
      %broadcast_in_dim3A_1607 = vector.broadcast %jit3A_1606 : f32 to vector<16xf32>
      %select_n3A_1608 = arith.select %ne3A_1605, %broadcast_in_dim3A_1607, %select_n3A_1604 : vector<16xi1>, vector<16xf32>
      %add3A_1609 = arith.addf %add3A_1595, %select_n3A_1608 : vector<16xf32>
      %broadcast_in_dim3A_1610 = arith.constant 0.000000e+00 : f32
      %broadcast_in_dim3A_1611 = vector.broadcast %broadcast_in_dim3A_1610 : f32 to vector<16xf32>
      %broadcast_in_dim3A_1612 = arith.constant 0.000000e+00 : f32
      %broadcast_in_dim3A_1613 = vector.broadcast %broadcast_in_dim3A_1612 : f32 to vector<16xf32>
      %broadcast_in_dim3A_1614 = arith.constant 0.000000e+00 : f32
      %broadcast_in_dim3A_1615 = vector.broadcast %broadcast_in_dim3A_1614 : f32 to vector<16xf32>
      %broadcast_in_dim3A_1616 = arith.constant 0.000000e+00 : f32
      %broadcast_in_dim3A_1617 = vector.broadcast %broadcast_in_dim3A_1616 : f32 to vector<16xf32>
      %add3A_1618 = arith.constant 1 : i32
      %add3A_1619 = vector.broadcast %add3A_1618 : i32 to vector<16xi32>
      %add3A_1620 = arith.addi %mul3A_1343, %add3A_1619 : vector<16xi32>
      %gather3A_1621 = tpu.vector_load_idx %arg6[%select_n3A_1329, %add3A_1620] : memref<8x1225xf32, #tpu.memory_space<vmem>>[vector<16xi32>, vector<16xi32>], vector<16xf32>,
      %add3A_1622 = arith.constant 0 : i32
      %add3A_1623 = vector.broadcast %add3A_1622 : i32 to vector<16xi32>
      %add3A_1624 = arith.addi %mul3A_1336, %add3A_1623 : vector<16xi32>
      %gather3A_1625 = tpu.vector_load_idx %arg5[%select_n3A_1329, %add3A_1624] : memref<8x1470xf32, #tpu.memory_space<vmem>>[vector<16xi32>, vector<16xi32>], vector<16xf32>,
      %sub3A_1626 = arith.subf %gather3A_1621, %gather3A_1625 : vector<16xf32>
      %mul3A_1627 = arith.mulf %sub3A_1626, %sub3A_1626 : vector<16xf32>
      %add3A_1628 = arith.addf %broadcast_in_dim3A_1611, %mul3A_1627 : vector<16xf32>
      %add3A_1629 = arith.constant 2 : i32
      %add3A_1630 = vector.broadcast %add3A_1629 : i32 to vector<16xi32>
      %add3A_1631 = arith.addi %mul3A_1343, %add3A_1630 : vector<16xi32>
      %gather3A_1632 = tpu.vector_load_idx %arg6[%select_n3A_1329, %add3A_1631] : memref<8x1225xf32, #tpu.memory_space<vmem>>[vector<16xi32>, vector<16xi32>], vector<16xf32>,
      %add3A_1633 = arith.constant 1 : i32
      %add3A_1634 = vector.broadcast %add3A_1633 : i32 to vector<16xi32>
      %add3A_1635 = arith.addi %mul3A_1336, %add3A_1634 : vector<16xi32>
      %gather3A_1636 = tpu.vector_load_idx %arg5[%select_n3A_1329, %add3A_1635] : memref<8x1470xf32, #tpu.memory_space<vmem>>[vector<16xi32>, vector<16xi32>], vector<16xf32>,
      %sub3A_1637 = arith.subf %gather3A_1632, %gather3A_1636 : vector<16xf32>
      %mul3A_1638 = arith.mulf %sub3A_1637, %sub3A_1637 : vector<16xf32>
      %add3A_1639 = arith.addf %broadcast_in_dim3A_1613, %mul3A_1638 : vector<16xf32>
      %add3A_1640 = arith.constant 3 : i32
      %add3A_1641 = vector.broadcast %add3A_1640 : i32 to vector<16xi32>
      %add3A_1642 = arith.addi %mul3A_1343, %add3A_1641 : vector<16xi32>
      %gather3A_1643 = tpu.vector_load_idx %arg6[%select_n3A_1329, %add3A_1642] : memref<8x1225xf32, #tpu.memory_space<vmem>>[vector<16xi32>, vector<16xi32>], vector<16xf32>,
      %add3A_1644 = arith.constant 2 : i32
      %add3A_1645 = vector.broadcast %add3A_1644 : i32 to vector<16xi32>
      %add3A_1646 = arith.addi %mul3A_1336, %add3A_1645 : vector<16xi32>
      %gather3A_1647 = tpu.vector_load_idx %arg5[%select_n3A_1329, %add3A_1646] : memref<8x1470xf32, #tpu.memory_space<vmem>>[vector<16xi32>, vector<16xi32>], vector<16xf32>,
      %sub3A_1648 = arith.subf %gather3A_1643, %gather3A_1647 : vector<16xf32>
      %mul3A_1649 = arith.mulf %sub3A_1648, %sub3A_1648 : vector<16xf32>
      %add3A_1650 = arith.addf %broadcast_in_dim3A_1615, %mul3A_1649 : vector<16xf32>
      %add3A_1651 = arith.constant 4 : i32
      %add3A_1652 = vector.broadcast %add3A_1651 : i32 to vector<16xi32>
      %add3A_1653 = arith.addi %mul3A_1343, %add3A_1652 : vector<16xi32>
      %gather3A_1654 = tpu.vector_load_idx %arg6[%select_n3A_1329, %add3A_1653] : memref<8x1225xf32, #tpu.memory_space<vmem>>[vector<16xi32>, vector<16xi32>], vector<16xf32>,
      %add3A_1655 = arith.constant 3 : i32
      %add3A_1656 = vector.broadcast %add3A_1655 : i32 to vector<16xi32>
      %add3A_1657 = arith.addi %mul3A_1336, %add3A_1656 : vector<16xi32>
      %gather3A_1658 = tpu.vector_load_idx %arg5[%select_n3A_1329, %add3A_1657] : memref<8x1470xf32, #tpu.memory_space<vmem>>[vector<16xi32>, vector<16xi32>], vector<16xf32>,
      %sub3A_1659 = arith.subf %gather3A_1654, %gather3A_1658 : vector<16xf32>
      %mul3A_1660 = arith.mulf %sub3A_1659, %sub3A_1659 : vector<16xf32>
      %add3A_1661 = arith.addf %broadcast_in_dim3A_1617, %mul3A_1660 : vector<16xf32>
      %add3A_1662 = arith.constant 5 : i32
      %add3A_1663 = vector.broadcast %add3A_1662 : i32 to vector<16xi32>
      %add3A_1664 = arith.addi %mul3A_1343, %add3A_1663 : vector<16xi32>
      %gather3A_1665 = tpu.vector_load_idx %arg6[%select_n3A_1329, %add3A_1664] : memref<8x1225xf32, #tpu.memory_space<vmem>>[vector<16xi32>, vector<16xi32>], vector<16xf32>,
      %add3A_1666 = arith.constant 4 : i32
      %add3A_1667 = vector.broadcast %add3A_1666 : i32 to vector<16xi32>
      %add3A_1668 = arith.addi %mul3A_1336, %add3A_1667 : vector<16xi32>
      %gather3A_1669 = tpu.vector_load_idx %arg5[%select_n3A_1329, %add3A_1668] : memref<8x1470xf32, #tpu.memory_space<vmem>>[vector<16xi32>, vector<16xi32>], vector<16xf32>,
      %sub3A_1670 = arith.subf %gather3A_1665, %gather3A_1669 : vector<16xf32>
      %mul3A_1671 = arith.mulf %sub3A_1670, %sub3A_1670 : vector<16xf32>
      %add3A_1672 = arith.addf %add3A_1628, %mul3A_1671 : vector<16xf32>
      %add3A_1673 = arith.constant 6 : i32
      %add3A_1674 = vector.broadcast %add3A_1673 : i32 to vector<16xi32>
      %add3A_1675 = arith.addi %mul3A_1343, %add3A_1674 : vector<16xi32>
      %gather3A_1676 = tpu.vector_load_idx %arg6[%select_n3A_1329, %add3A_1675] : memref<8x1225xf32, #tpu.memory_space<vmem>>[vector<16xi32>, vector<16xi32>], vector<16xf32>,
      %add3A_1677 = arith.constant 5 : i32
      %add3A_1678 = vector.broadcast %add3A_1677 : i32 to vector<16xi32>
      %add3A_1679 = arith.addi %mul3A_1336, %add3A_1678 : vector<16xi32>
      %gather3A_1680 = tpu.vector_load_idx %arg5[%select_n3A_1329, %add3A_1679] : memref<8x1470xf32, #tpu.memory_space<vmem>>[vector<16xi32>, vector<16xi32>], vector<16xf32>,
      %sub3A_1681 = arith.subf %gather3A_1676, %gather3A_1680 : vector<16xf32>
      %mul3A_1682 = arith.mulf %sub3A_1681, %sub3A_1681 : vector<16xf32>
      %add3A_1683 = arith.addf %add3A_1639, %mul3A_1682 : vector<16xf32>
      %add3A_1684 = arith.constant 7 : i32
      %add3A_1685 = vector.broadcast %add3A_1684 : i32 to vector<16xi32>
      %add3A_1686 = arith.addi %mul3A_1343, %add3A_1685 : vector<16xi32>
      %gather3A_1687 = tpu.vector_load_idx %arg6[%select_n3A_1329, %add3A_1686] : memref<8x1225xf32, #tpu.memory_space<vmem>>[vector<16xi32>, vector<16xi32>], vector<16xf32>,
      %add3A_1688 = arith.constant 6 : i32
      %add3A_1689 = vector.broadcast %add3A_1688 : i32 to vector<16xi32>
      %add3A_1690 = arith.addi %mul3A_1336, %add3A_1689 : vector<16xi32>
      %gather3A_1691 = tpu.vector_load_idx %arg5[%select_n3A_1329, %add3A_1690] : memref<8x1470xf32, #tpu.memory_space<vmem>>[vector<16xi32>, vector<16xi32>], vector<16xf32>,
      %sub3A_1692 = arith.subf %gather3A_1687, %gather3A_1691 : vector<16xf32>
      %mul3A_1693 = arith.mulf %sub3A_1692, %sub3A_1692 : vector<16xf32>
      %add3A_1694 = arith.addf %add3A_1650, %mul3A_1693 : vector<16xf32>
      %add3A_1695 = arith.constant 8 : i32
      %add3A_1696 = vector.broadcast %add3A_1695 : i32 to vector<16xi32>
      %add3A_1697 = arith.addi %mul3A_1343, %add3A_1696 : vector<16xi32>
      %gather3A_1698 = tpu.vector_load_idx %arg6[%select_n3A_1329, %add3A_1697] : memref<8x1225xf32, #tpu.memory_space<vmem>>[vector<16xi32>, vector<16xi32>], vector<16xf32>,
      %add3A_1699 = arith.constant 7 : i32
      %add3A_1700 = vector.broadcast %add3A_1699 : i32 to vector<16xi32>
      %add3A_1701 = arith.addi %mul3A_1336, %add3A_1700 : vector<16xi32>
      %gather3A_1702 = tpu.vector_load_idx %arg5[%select_n3A_1329, %add3A_1701] : memref<8x1470xf32, #tpu.memory_space<vmem>>[vector<16xi32>, vector<16xi32>], vector<16xf32>,
      %sub3A_1703 = arith.subf %gather3A_1698, %gather3A_1702 : vector<16xf32>
      %mul3A_1704 = arith.mulf %sub3A_1703, %sub3A_1703 : vector<16xf32>
      %add3A_1705 = arith.addf %add3A_1661, %mul3A_1704 : vector<16xf32>
      %add3A_1706 = arith.constant 9 : i32
      %add3A_1707 = vector.broadcast %add3A_1706 : i32 to vector<16xi32>
      %add3A_1708 = arith.addi %mul3A_1343, %add3A_1707 : vector<16xi32>
      %gather3A_1709 = tpu.vector_load_idx %arg6[%select_n3A_1329, %add3A_1708] : memref<8x1225xf32, #tpu.memory_space<vmem>>[vector<16xi32>, vector<16xi32>], vector<16xf32>,
      %add3A_1710 = arith.constant 8 : i32
      %add3A_1711 = vector.broadcast %add3A_1710 : i32 to vector<16xi32>
      %add3A_1712 = arith.addi %mul3A_1336, %add3A_1711 : vector<16xi32>
      %gather3A_1713 = tpu.vector_load_idx %arg5[%select_n3A_1329, %add3A_1712] : memref<8x1470xf32, #tpu.memory_space<vmem>>[vector<16xi32>, vector<16xi32>], vector<16xf32>,
      %sub3A_1714 = arith.subf %gather3A_1709, %gather3A_1713 : vector<16xf32>
      %mul3A_1715 = arith.mulf %sub3A_1714, %sub3A_1714 : vector<16xf32>
      %add3A_1716 = arith.addf %add3A_1672, %mul3A_1715 : vector<16xf32>
      %add3A_1717 = arith.constant 10 : i32
      %add3A_1718 = vector.broadcast %add3A_1717 : i32 to vector<16xi32>
      %add3A_1719 = arith.addi %mul3A_1343, %add3A_1718 : vector<16xi32>
      %gather3A_1720 = tpu.vector_load_idx %arg6[%select_n3A_1329, %add3A_1719] : memref<8x1225xf32, #tpu.memory_space<vmem>>[vector<16xi32>, vector<16xi32>], vector<16xf32>,
      %add3A_1721 = arith.constant 9 : i32
      %add3A_1722 = vector.broadcast %add3A_1721 : i32 to vector<16xi32>
      %add3A_1723 = arith.addi %mul3A_1336, %add3A_1722 : vector<16xi32>
      %gather3A_1724 = tpu.vector_load_idx %arg5[%select_n3A_1329, %add3A_1723] : memref<8x1470xf32, #tpu.memory_space<vmem>>[vector<16xi32>, vector<16xi32>], vector<16xf32>,
      %sub3A_1725 = arith.subf %gather3A_1720, %gather3A_1724 : vector<16xf32>
      %mul3A_1726 = arith.mulf %sub3A_1725, %sub3A_1725 : vector<16xf32>
      %add3A_1727 = arith.addf %add3A_1683, %mul3A_1726 : vector<16xf32>
      %add3A_1728 = arith.constant 11 : i32
      %add3A_1729 = vector.broadcast %add3A_1728 : i32 to vector<16xi32>
      %add3A_1730 = arith.addi %mul3A_1343, %add3A_1729 : vector<16xi32>
      %gather3A_1731 = tpu.vector_load_idx %arg6[%select_n3A_1329, %add3A_1730] : memref<8x1225xf32, #tpu.memory_space<vmem>>[vector<16xi32>, vector<16xi32>], vector<16xf32>,
      %add3A_1732 = arith.constant 10 : i32
      %add3A_1733 = vector.broadcast %add3A_1732 : i32 to vector<16xi32>
      %add3A_1734 = arith.addi %mul3A_1336, %add3A_1733 : vector<16xi32>
      %gather3A_1735 = tpu.vector_load_idx %arg5[%select_n3A_1329, %add3A_1734] : memref<8x1470xf32, #tpu.memory_space<vmem>>[vector<16xi32>, vector<16xi32>], vector<16xf32>,
      %sub3A_1736 = arith.subf %gather3A_1731, %gather3A_1735 : vector<16xf32>
      %mul3A_1737 = arith.mulf %sub3A_1736, %sub3A_1736 : vector<16xf32>
      %add3A_1738 = arith.addf %add3A_1694, %mul3A_1737 : vector<16xf32>
      %add3A_1739 = arith.constant 12 : i32
      %add3A_1740 = vector.broadcast %add3A_1739 : i32 to vector<16xi32>
      %add3A_1741 = arith.addi %mul3A_1343, %add3A_1740 : vector<16xi32>
      %gather3A_1742 = tpu.vector_load_idx %arg6[%select_n3A_1329, %add3A_1741] : memref<8x1225xf32, #tpu.memory_space<vmem>>[vector<16xi32>, vector<16xi32>], vector<16xf32>,
      %add3A_1743 = arith.constant 11 : i32
      %add3A_1744 = vector.broadcast %add3A_1743 : i32 to vector<16xi32>
      %add3A_1745 = arith.addi %mul3A_1336, %add3A_1744 : vector<16xi32>
      %gather3A_1746 = tpu.vector_load_idx %arg5[%select_n3A_1329, %add3A_1745] : memref<8x1470xf32, #tpu.memory_space<vmem>>[vector<16xi32>, vector<16xi32>], vector<16xf32>,
      %sub3A_1747 = arith.subf %gather3A_1742, %gather3A_1746 : vector<16xf32>
      %mul3A_1748 = arith.mulf %sub3A_1747, %sub3A_1747 : vector<16xf32>
      %add3A_1749 = arith.addf %add3A_1705, %mul3A_1748 : vector<16xf32>
      %add3A_1750 = arith.constant 13 : i32
      %add3A_1751 = vector.broadcast %add3A_1750 : i32 to vector<16xi32>
      %add3A_1752 = arith.addi %mul3A_1343, %add3A_1751 : vector<16xi32>
      %gather3A_1753 = tpu.vector_load_idx %arg6[%select_n3A_1329, %add3A_1752] : memref<8x1225xf32, #tpu.memory_space<vmem>>[vector<16xi32>, vector<16xi32>], vector<16xf32>,
      %add3A_1754 = arith.constant 12 : i32
      %add3A_1755 = vector.broadcast %add3A_1754 : i32 to vector<16xi32>
      %add3A_1756 = arith.addi %mul3A_1336, %add3A_1755 : vector<16xi32>
      %gather3A_1757 = tpu.vector_load_idx %arg5[%select_n3A_1329, %add3A_1756] : memref<8x1470xf32, #tpu.memory_space<vmem>>[vector<16xi32>, vector<16xi32>], vector<16xf32>,
      %sub3A_1758 = arith.subf %gather3A_1753, %gather3A_1757 : vector<16xf32>
      %mul3A_1759 = arith.mulf %sub3A_1758, %sub3A_1758 : vector<16xf32>
      %add3A_1760 = arith.addf %add3A_1716, %mul3A_1759 : vector<16xf32>
      %add3A_1761 = arith.constant 14 : i32
      %add3A_1762 = vector.broadcast %add3A_1761 : i32 to vector<16xi32>
      %add3A_1763 = arith.addi %mul3A_1343, %add3A_1762 : vector<16xi32>
      %gather3A_1764 = tpu.vector_load_idx %arg6[%select_n3A_1329, %add3A_1763] : memref<8x1225xf32, #tpu.memory_space<vmem>>[vector<16xi32>, vector<16xi32>], vector<16xf32>,
      %add3A_1765 = arith.constant 13 : i32
      %add3A_1766 = vector.broadcast %add3A_1765 : i32 to vector<16xi32>
      %add3A_1767 = arith.addi %mul3A_1336, %add3A_1766 : vector<16xi32>
      %gather3A_1768 = tpu.vector_load_idx %arg5[%select_n3A_1329, %add3A_1767] : memref<8x1470xf32, #tpu.memory_space<vmem>>[vector<16xi32>, vector<16xi32>], vector<16xf32>,
      %sub3A_1769 = arith.subf %gather3A_1764, %gather3A_1768 : vector<16xf32>
      %mul3A_1770 = arith.mulf %sub3A_1769, %sub3A_1769 : vector<16xf32>
      %add3A_1771 = arith.addf %add3A_1727, %mul3A_1770 : vector<16xf32>
      %add3A_1772 = arith.constant 15 : i32
      %add3A_1773 = vector.broadcast %add3A_1772 : i32 to vector<16xi32>
      %add3A_1774 = arith.addi %mul3A_1343, %add3A_1773 : vector<16xi32>
      %gather3A_1775 = tpu.vector_load_idx %arg6[%select_n3A_1329, %add3A_1774] : memref<8x1225xf32, #tpu.memory_space<vmem>>[vector<16xi32>, vector<16xi32>], vector<16xf32>,
      %add3A_1776 = arith.constant 14 : i32
      %add3A_1777 = vector.broadcast %add3A_1776 : i32 to vector<16xi32>
      %add3A_1778 = arith.addi %mul3A_1336, %add3A_1777 : vector<16xi32>
      %gather3A_1779 = tpu.vector_load_idx %arg5[%select_n3A_1329, %add3A_1778] : memref<8x1470xf32, #tpu.memory_space<vmem>>[vector<16xi32>, vector<16xi32>], vector<16xf32>,
      %sub3A_1780 = arith.subf %gather3A_1775, %gather3A_1779 : vector<16xf32>
      %mul3A_1781 = arith.mulf %sub3A_1780, %sub3A_1780 : vector<16xf32>
      %add3A_1782 = arith.addf %add3A_1738, %mul3A_1781 : vector<16xf32>
      %add3A_1783 = arith.constant 16 : i32
      %add3A_1784 = vector.broadcast %add3A_1783 : i32 to vector<16xi32>
      %add3A_1785 = arith.addi %mul3A_1343, %add3A_1784 : vector<16xi32>
      %gather3A_1786 = tpu.vector_load_idx %arg6[%select_n3A_1329, %add3A_1785] : memref<8x1225xf32, #tpu.memory_space<vmem>>[vector<16xi32>, vector<16xi32>], vector<16xf32>,
      %add3A_1787 = arith.constant 15 : i32
      %add3A_1788 = vector.broadcast %add3A_1787 : i32 to vector<16xi32>
      %add3A_1789 = arith.addi %mul3A_1336, %add3A_1788 : vector<16xi32>
      %gather3A_1790 = tpu.vector_load_idx %arg5[%select_n3A_1329, %add3A_1789] : memref<8x1470xf32, #tpu.memory_space<vmem>>[vector<16xi32>, vector<16xi32>], vector<16xf32>,
      %sub3A_1791 = arith.subf %gather3A_1786, %gather3A_1790 : vector<16xf32>
      %mul3A_1792 = arith.mulf %sub3A_1791, %sub3A_1791 : vector<16xf32>
      %add3A_1793 = arith.addf %add3A_1749, %mul3A_1792 : vector<16xf32>
      %add3A_1794 = arith.constant 17 : i32
      %add3A_1795 = vector.broadcast %add3A_1794 : i32 to vector<16xi32>
      %add3A_1796 = arith.addi %mul3A_1343, %add3A_1795 : vector<16xi32>
      %gather3A_1797 = tpu.vector_load_idx %arg6[%select_n3A_1329, %add3A_1796] : memref<8x1225xf32, #tpu.memory_space<vmem>>[vector<16xi32>, vector<16xi32>], vector<16xf32>,
      %add3A_1798 = arith.constant 16 : i32
      %add3A_1799 = vector.broadcast %add3A_1798 : i32 to vector<16xi32>
      %add3A_1800 = arith.addi %mul3A_1336, %add3A_1799 : vector<16xi32>
      %gather3A_1801 = tpu.vector_load_idx %arg5[%select_n3A_1329, %add3A_1800] : memref<8x1470xf32, #tpu.memory_space<vmem>>[vector<16xi32>, vector<16xi32>], vector<16xf32>,
      %sub3A_1802 = arith.subf %gather3A_1797, %gather3A_1801 : vector<16xf32>
      %mul3A_1803 = arith.mulf %sub3A_1802, %sub3A_1802 : vector<16xf32>
      %add3A_1804 = arith.addf %add3A_1760, %mul3A_1803 : vector<16xf32>
      %add3A_1805 = arith.constant 18 : i32
      %add3A_1806 = vector.broadcast %add3A_1805 : i32 to vector<16xi32>
      %add3A_1807 = arith.addi %mul3A_1343, %add3A_1806 : vector<16xi32>
      %gather3A_1808 = tpu.vector_load_idx %arg6[%select_n3A_1329, %add3A_1807] : memref<8x1225xf32, #tpu.memory_space<vmem>>[vector<16xi32>, vector<16xi32>], vector<16xf32>,
      %add3A_1809 = arith.constant 17 : i32
      %add3A_1810 = vector.broadcast %add3A_1809 : i32 to vector<16xi32>
      %add3A_1811 = arith.addi %mul3A_1336, %add3A_1810 : vector<16xi32>
      %gather3A_1812 = tpu.vector_load_idx %arg5[%select_n3A_1329, %add3A_1811] : memref<8x1470xf32, #tpu.memory_space<vmem>>[vector<16xi32>, vector<16xi32>], vector<16xf32>,
      %sub3A_1813 = arith.subf %gather3A_1808, %gather3A_1812 : vector<16xf32>
      %mul3A_1814 = arith.mulf %sub3A_1813, %sub3A_1813 : vector<16xf32>
      %add3A_1815 = arith.addf %add3A_1771, %mul3A_1814 : vector<16xf32>
      %add3A_1816 = arith.constant 19 : i32
      %add3A_1817 = vector.broadcast %add3A_1816 : i32 to vector<16xi32>
      %add3A_1818 = arith.addi %mul3A_1343, %add3A_1817 : vector<16xi32>
      %gather3A_1819 = tpu.vector_load_idx %arg6[%select_n3A_1329, %add3A_1818] : memref<8x1225xf32, #tpu.memory_space<vmem>>[vector<16xi32>, vector<16xi32>], vector<16xf32>,
      %add3A_1820 = arith.constant 18 : i32
      %add3A_1821 = vector.broadcast %add3A_1820 : i32 to vector<16xi32>
      %add3A_1822 = arith.addi %mul3A_1336, %add3A_1821 : vector<16xi32>
      %gather3A_1823 = tpu.vector_load_idx %arg5[%select_n3A_1329, %add3A_1822] : memref<8x1470xf32, #tpu.memory_space<vmem>>[vector<16xi32>, vector<16xi32>], vector<16xf32>,
      %sub3A_1824 = arith.subf %gather3A_1819, %gather3A_1823 : vector<16xf32>
      %mul3A_1825 = arith.mulf %sub3A_1824, %sub3A_1824 : vector<16xf32>
      %add3A_1826 = arith.addf %add3A_1782, %mul3A_1825 : vector<16xf32>
      %add3A_1827 = arith.constant 20 : i32
      %add3A_1828 = vector.broadcast %add3A_1827 : i32 to vector<16xi32>
      %add3A_1829 = arith.addi %mul3A_1343, %add3A_1828 : vector<16xi32>
      %gather3A_1830 = tpu.vector_load_idx %arg6[%select_n3A_1329, %add3A_1829] : memref<8x1225xf32, #tpu.memory_space<vmem>>[vector<16xi32>, vector<16xi32>], vector<16xf32>,
      %add3A_1831 = arith.constant 19 : i32
      %add3A_1832 = vector.broadcast %add3A_1831 : i32 to vector<16xi32>
      %add3A_1833 = arith.addi %mul3A_1336, %add3A_1832 : vector<16xi32>
      %gather3A_1834 = tpu.vector_load_idx %arg5[%select_n3A_1329, %add3A_1833] : memref<8x1470xf32, #tpu.memory_space<vmem>>[vector<16xi32>, vector<16xi32>], vector<16xf32>,
      %sub3A_1835 = arith.subf %gather3A_1830, %gather3A_1834 : vector<16xf32>
      %mul3A_1836 = arith.mulf %sub3A_1835, %sub3A_1835 : vector<16xf32>
      %add3A_1837 = arith.addf %add3A_1793, %mul3A_1836 : vector<16xf32>
      %add3A_1838 = arith.addf %add3A_1804, %add3A_1815 : vector<16xf32>
      %add3A_1839 = arith.addf %add3A_1826, %add3A_1837 : vector<16xf32>
      %add3A_1840 = arith.addf %add3A_1838, %add3A_1839 : vector<16xf32>
      %jit3A_1841 = arith.constant 0.000000e+00 : f32
      %broadcast_in_dim3A_1842 = vector.broadcast %jit3A_1841 : f32 to vector<16xf32>
      %select_n3A_1843 = arith.select %ne3A_1347, %add3A_1840, %broadcast_in_dim3A_1842 : vector<16xi1>, vector<16xf32>
      %add3A_1844 = arith.addf %add3A_1609, %select_n3A_1843 : vector<16xf32>
      %add3A_1845 = arith.constant 21 : i32
      %add3A_1846 = vector.broadcast %add3A_1845 : i32 to vector<16xi32>
      %add3A_1847 = arith.addi %mul3A_1343, %add3A_1846 : vector<16xi32>
      %gather3A_1848 = tpu.vector_load_idx %arg6[%select_n3A_1329, %add3A_1847] : memref<8x1225xf32, #tpu.memory_space<vmem>>[vector<16xi32>, vector<16xi32>], vector<16xf32>,
      %add3A_1849 = arith.constant 22 : i32
      %add3A_1850 = vector.broadcast %add3A_1849 : i32 to vector<16xi32>
      %add3A_1851 = arith.addi %mul3A_1343, %add3A_1850 : vector<16xi32>
      %gather3A_1852 = tpu.vector_load_idx %arg6[%select_n3A_1329, %add3A_1851] : memref<8x1225xf32, #tpu.memory_space<vmem>>[vector<16xi32>, vector<16xi32>], vector<16xf32>,
      %bitcast_convert_type3A_1853 = tpu.bitcast %gather3A_1365 : vector<16xf32> -> vector<16xi32>
      %shift_right_arithmetic3A_1854 = arith.constant 1 : i32
      %shift_right_arithmetic3A_1855 = vector.broadcast %shift_right_arithmetic3A_1854 : i32 to vector<16xi32>
      %shift_right_arithmetic3A_1856 = arith.shrsi %bitcast_convert_type3A_1853, %shift_right_arithmetic3A_1855 : vector<16xi32>
      %add3A_1857 = arith.constant 532487669 : i32
      %add3A_1858 = vector.broadcast %add3A_1857 : i32 to vector<16xi32>
      %add3A_1859 = arith.addi %shift_right_arithmetic3A_1856, %add3A_1858 : vector<16xi32>
      %bitcast_convert_type3A_1860 = tpu.bitcast %add3A_1859 : vector<16xi32> -> vector<16xf32>
      %div3A_1861 = arith.divf %gather3A_1365, %bitcast_convert_type3A_1860 : vector<16xf32>
      %add3A_1862 = arith.addf %bitcast_convert_type3A_1860, %div3A_1861 : vector<16xf32>
      %mul3A_1863 = arith.constant 5.000000e-01 : f32
      %mul3A_1864 = vector.broadcast %mul3A_1863 : f32 to vector<16xf32>
      %mul3A_1865 = arith.mulf %mul3A_1864, %add3A_1862 : vector<16xf32>
      %div3A_1866 = arith.divf %gather3A_1365, %mul3A_1865 : vector<16xf32>
      %add3A_1867 = arith.addf %mul3A_1865, %div3A_1866 : vector<16xf32>
      %mul3A_1868 = arith.constant 5.000000e-01 : f32
      %mul3A_1869 = vector.broadcast %mul3A_1868 : f32 to vector<16xf32>
      %mul3A_1870 = arith.mulf %mul3A_1869, %add3A_1867 : vector<16xf32>
      %bitcast_convert_type3A_1871 = tpu.bitcast %gather3A_1369 : vector<16xf32> -> vector<16xi32>
      %shift_right_arithmetic3A_1872 = arith.constant 1 : i32
      %shift_right_arithmetic3A_1873 = vector.broadcast %shift_right_arithmetic3A_1872 : i32 to vector<16xi32>
      %shift_right_arithmetic3A_1874 = arith.shrsi %bitcast_convert_type3A_1871, %shift_right_arithmetic3A_1873 : vector<16xi32>
      %add3A_1875 = arith.constant 532487669 : i32
      %add3A_1876 = vector.broadcast %add3A_1875 : i32 to vector<16xi32>
      %add3A_1877 = arith.addi %shift_right_arithmetic3A_1874, %add3A_1876 : vector<16xi32>
      %bitcast_convert_type3A_1878 = tpu.bitcast %add3A_1877 : vector<16xi32> -> vector<16xf32>
      %div3A_1879 = arith.divf %gather3A_1369, %bitcast_convert_type3A_1878 : vector<16xf32>
      %add3A_1880 = arith.addf %bitcast_convert_type3A_1878, %div3A_1879 : vector<16xf32>
      %mul3A_1881 = arith.constant 5.000000e-01 : f32
      %mul3A_1882 = vector.broadcast %mul3A_1881 : f32 to vector<16xf32>
      %mul3A_1883 = arith.mulf %mul3A_1882, %add3A_1880 : vector<16xf32>
      %div3A_1884 = arith.divf %gather3A_1369, %mul3A_1883 : vector<16xf32>
      %add3A_1885 = arith.addf %mul3A_1883, %div3A_1884 : vector<16xf32>
      %mul3A_1886 = arith.constant 5.000000e-01 : f32
      %mul3A_1887 = vector.broadcast %mul3A_1886 : f32 to vector<16xf32>
      %mul3A_1888 = arith.mulf %mul3A_1887, %add3A_1885 : vector<16xf32>
      %not3A_1889 = arith.constant dense<true> : vector<16xi1>
      %not3A_1890 = arith.xori %or3A_1576, %not3A_1889 : vector<16xi1>
      %and3A_1891 = arith.andi %not3A_1890, %ne3A_1347 : vector<16xi1>
      %sub3A_1892 = arith.subf %gather3A_1848, %gather3A_1373 : vector<16xf32>
      %sub3A_1893 = arith.subf %gather3A_1852, %gather3A_1377 : vector<16xf32>
      %sub3A_1894 = arith.subf %mul3A_1870, %gather3A_1381 : vector<16xf32>
      %sub3A_1895 = arith.subf %mul3A_1888, %gather3A_1385 : vector<16xf32>
      %mul3A_1896 = arith.mulf %sub3A_1892, %sub3A_1892 : vector<16xf32>
      %mul3A_1897 = arith.mulf %sub3A_1893, %sub3A_1893 : vector<16xf32>
      %add3A_1898 = arith.addf %mul3A_1896, %mul3A_1897 : vector<16xf32>
      %mul3A_1899 = arith.mulf %sub3A_1894, %sub3A_1894 : vector<16xf32>
      %mul3A_1900 = arith.mulf %sub3A_1895, %sub3A_1895 : vector<16xf32>
      %add3A_1901 = arith.addf %mul3A_1899, %mul3A_1900 : vector<16xf32>
      %add3A_1902 = arith.addf %add3A_1898, %add3A_1901 : vector<16xf32>
      %mul3A_1903 = arith.constant 5.000000e+00 : f32
      %mul3A_1904 = vector.broadcast %mul3A_1903 : f32 to vector<16xf32>
      %mul3A_1905 = arith.mulf %mul3A_1904, %add3A_1902 : vector<16xf32>
      %jit3A_1906 = arith.constant 0.000000e+00 : f32
      %broadcast_in_dim3A_1907 = vector.broadcast %jit3A_1906 : f32 to vector<16xf32>
      %select_n3A_1908 = arith.select %and3A_1891, %mul3A_1905, %broadcast_in_dim3A_1907 : vector<16xi1>, vector<16xf32>
      %add3A_1909 = arith.addf %add3A_1844, %select_n3A_1908 : vector<16xf32>
      %and3A_1910 = arith.andi %or3A_1576, %ne3A_1347 : vector<16xi1>
      %sub3A_1911 = arith.subf %gather3A_1848, %gather3A_1462 : vector<16xf32>
      %sub3A_1912 = arith.subf %gather3A_1852, %gather3A_1466 : vector<16xf32>
      %sub3A_1913 = arith.subf %mul3A_1870, %gather3A_1470 : vector<16xf32>
      %sub3A_1914 = arith.subf %mul3A_1888, %gather3A_1474 : vector<16xf32>
      %mul3A_1915 = arith.mulf %sub3A_1911, %sub3A_1911 : vector<16xf32>
      %mul3A_1916 = arith.mulf %sub3A_1912, %sub3A_1912 : vector<16xf32>
      %add3A_1917 = arith.addf %mul3A_1915, %mul3A_1916 : vector<16xf32>
      %mul3A_1918 = arith.mulf %sub3A_1913, %sub3A_1913 : vector<16xf32>
      %mul3A_1919 = arith.mulf %sub3A_1914, %sub3A_1914 : vector<16xf32>
      %add3A_1920 = arith.addf %mul3A_1918, %mul3A_1919 : vector<16xf32>
      %add3A_1921 = arith.addf %add3A_1917, %add3A_1920 : vector<16xf32>
      %mul3A_1922 = arith.constant 5.000000e+00 : f32
      %mul3A_1923 = vector.broadcast %mul3A_1922 : f32 to vector<16xf32>
      %mul3A_1924 = arith.mulf %mul3A_1923, %add3A_1921 : vector<16xf32>
      %jit3A_1925 = arith.constant 0.000000e+00 : f32
      %broadcast_in_dim3A_1926 = vector.broadcast %jit3A_1925 : f32 to vector<16xf32>
      %select_n3A_1927 = arith.select %and3A_1910, %mul3A_1924, %broadcast_in_dim3A_1926 : vector<16xi1>, vector<16xf32>
      %add3A_1928 = arith.addf %add3A_1909, %select_n3A_1927 : vector<16xf32>
      %jit3A_1929 = arith.constant 0.000000e+00 : f32
      %broadcast_in_dim3A_1930 = vector.broadcast %jit3A_1929 : f32 to vector<16xf32>
      %select_n3A_1931 = arith.select %lt3A_1295, %add3A_1928, %broadcast_in_dim3A_1930 : vector<16xi1>, vector<16xf32>
      %add3A_1932 = arith.addf %add3A_1285, %select_n3A_1931 : vector<16xf32>
      scf.yield %add3A_1932 : vector<16xf32>
    }
    %scan3A_8 = arith.constant 24 : i32
    %scan3A_9 = arith.addi %scan3A, %scan3A_8 : i32
    %mul3A_10 = arith.constant 16 : i32
    %mul3A_11 = arith.muli %scan3A_9, %mul3A_10 : i32
    %iota3A = tpu.iota {dimensions = array<i32: 0>} : vector<16xi32>
    %add3A_12 = vector.broadcast %mul3A_11 : i32 to vector<16xi32>
    %add3A_13 = arith.addi %add3A_12, %iota3A : vector<16xi32>
    %lt3A = arith.constant 392 : i32
    %lt3A_14 = vector.broadcast %lt3A : i32 to vector<16xi32>
    %lt3A_15 = arith.cmpi slt, %add3A_13, %lt3A_14 : vector<16xi32>
    %min3A = arith.constant 391 : i32
    %min3A_16 = vector.broadcast %min3A : i32 to vector<16xi32>
    %min3A_17 = arith.minsi %add3A_13, %min3A_16 : vector<16xi32>
    %jit3A = arith.constant 49 : i32
    %div3A = vector.broadcast %jit3A : i32 to vector<16xi32>
    %div3A_18 = arith.divsi %min3A_17, %div3A : vector<16xi32>
    %sign3A = arith.constant 0 : i32
    %sign3A_19 = vector.broadcast %sign3A : i32 to vector<16xi32>
    %sign3A_20 = arith.cmpi sgt, %min3A_17, %sign3A_19 : vector<16xi32>
    %sign3A_21 = arith.extui %sign3A_20 : vector<16xi1> to vector<16xi32>
    %sign3A_22 = arith.constant 0 : i32
    %sign3A_23 = vector.broadcast %sign3A_22 : i32 to vector<16xi32>
    %sign3A_24 = arith.cmpi slt, %min3A_17, %sign3A_23 : vector<16xi32>
    %sign3A_25 = arith.extui %sign3A_24 : vector<16xi1> to vector<16xi32>
    %sign3A_26 = arith.subi %sign3A_21, %sign3A_25 : vector<16xi32>
    %sign3A_27 = arith.constant 0 : i32
    %sign3A_28 = arith.cmpi sgt, %jit3A, %sign3A_27 : i32
    %sign3A_29 = arith.extui %sign3A_28 : i1 to i32
    %sign3A_30 = arith.constant 0 : i32
    %sign3A_31 = arith.cmpi slt, %jit3A, %sign3A_30 : i32
    %sign3A_32 = arith.extui %sign3A_31 : i1 to i32
    %sign3A_33 = arith.subi %sign3A_29, %sign3A_32 : i32
    %ne3A = vector.broadcast %sign3A_33 : i32 to vector<16xi32>
    %ne3A_34 = arith.cmpi ne, %sign3A_26, %ne3A : vector<16xi32>
    %rem3A = vector.broadcast %jit3A : i32 to vector<16xi32>
    %rem3A_35 = arith.remsi %min3A_17, %rem3A : vector<16xi32>
    %ne3A_36 = arith.constant 0 : i32
    %ne3A_37 = vector.broadcast %ne3A_36 : i32 to vector<16xi32>
    %ne3A_38 = arith.cmpi ne, %rem3A_35, %ne3A_37 : vector<16xi32>
    %and3A = arith.andi %ne3A_34, %ne3A_38 : vector<16xi1>
    %sub3A = arith.constant 1 : i32
    %sub3A_39 = vector.broadcast %sub3A : i32 to vector<16xi32>
    %sub3A_40 = arith.subi %div3A_18, %sub3A_39 : vector<16xi32>
    %select_n3A = arith.select %and3A, %sub3A_40, %div3A_18 : vector<16xi1>, vector<16xi32>
    %mul3A_41 = arith.constant 49 : i32
    %mul3A_42 = vector.broadcast %mul3A_41 : i32 to vector<16xi32>
    %mul3A_43 = arith.muli %select_n3A, %mul3A_42 : vector<16xi32>
    %sub3A_44 = arith.subi %min3A_17, %mul3A_43 : vector<16xi32>
    %mul3A_45 = arith.constant 20 : i32
    %mul3A_46 = vector.broadcast %mul3A_45 : i32 to vector<16xi32>
    %mul3A_47 = arith.muli %sub3A_44, %mul3A_46 : vector<16xi32>
    %add3A_48 = arith.addi %sub3A_44, %sub3A_44 : vector<16xi32>
    %mul3A_49 = arith.constant 8 : i32
    %mul3A_50 = vector.broadcast %mul3A_49 : i32 to vector<16xi32>
    %mul3A_51 = arith.muli %sub3A_44, %mul3A_50 : vector<16xi32>
    %mul3A_52 = arith.constant 25 : i32
    %mul3A_53 = vector.broadcast %mul3A_52 : i32 to vector<16xi32>
    %mul3A_54 = arith.muli %sub3A_44, %mul3A_53 : vector<16xi32>
    %gather3A = tpu.vector_load_idx %arg6[%select_n3A, %mul3A_54] : memref<8x1225xf32, #tpu.memory_space<vmem>>[vector<16xi32>, vector<16xi32>], vector<16xf32>,
    %ne3A_55 = arith.constant 0.000000e+00 : f32
    %ne3A_56 = vector.broadcast %ne3A_55 : f32 to vector<16xf32>
    %ne3A_57 = arith.cmpf one, %gather3A, %ne3A_56 : vector<16xf32>
    %add3A_58 = arith.constant 21 : i32
    %add3A_59 = vector.broadcast %add3A_58 : i32 to vector<16xi32>
    %add3A_60 = arith.addi %mul3A_54, %add3A_59 : vector<16xi32>
    %gather3A_61 = tpu.vector_load_idx %arg6[%select_n3A, %add3A_60] : memref<8x1225xf32, #tpu.memory_space<vmem>>[vector<16xi32>, vector<16xi32>], vector<16xf32>,
    %mul3A_62 = arith.constant 0.142857149 : f32
    %mul3A_63 = vector.broadcast %mul3A_62 : f32 to vector<16xf32>
    %mul3A_64 = arith.mulf %gather3A_61, %mul3A_63 : vector<16xf32>
    %add3A_65 = arith.constant 22 : i32
    %add3A_66 = vector.broadcast %add3A_65 : i32 to vector<16xi32>
    %add3A_67 = arith.addi %mul3A_54, %add3A_66 : vector<16xi32>
    %gather3A_68 = tpu.vector_load_idx %arg6[%select_n3A, %add3A_67] : memref<8x1225xf32, #tpu.memory_space<vmem>>[vector<16xi32>, vector<16xi32>], vector<16xf32>,
    %mul3A_69 = arith.constant 0.142857149 : f32
    %mul3A_70 = vector.broadcast %mul3A_69 : f32 to vector<16xf32>
    %mul3A_71 = arith.mulf %gather3A_68, %mul3A_70 : vector<16xf32>
    %add3A_72 = arith.constant 23 : i32
    %add3A_73 = vector.broadcast %add3A_72 : i32 to vector<16xi32>
    %add3A_74 = arith.addi %mul3A_54, %add3A_73 : vector<16xi32>
    %gather3A_75 = tpu.vector_load_idx %arg6[%select_n3A, %add3A_74] : memref<8x1225xf32, #tpu.memory_space<vmem>>[vector<16xi32>, vector<16xi32>], vector<16xf32>,
    %add3A_76 = arith.constant 24 : i32
    %add3A_77 = vector.broadcast %add3A_76 : i32 to vector<16xi32>
    %add3A_78 = arith.addi %mul3A_54, %add3A_77 : vector<16xi32>
    %gather3A_79 = tpu.vector_load_idx %arg6[%select_n3A, %add3A_78] : memref<8x1225xf32, #tpu.memory_space<vmem>>[vector<16xi32>, vector<16xi32>], vector<16xf32>,
    %add3A_80 = arith.constant 1078 : i32
    %add3A_81 = vector.broadcast %add3A_80 : i32 to vector<16xi32>
    %add3A_82 = arith.addi %mul3A_51, %add3A_81 : vector<16xi32>
    %gather3A_83 = tpu.vector_load_idx %arg5[%select_n3A, %add3A_82] : memref<8x1470xf32, #tpu.memory_space<vmem>>[vector<16xi32>, vector<16xi32>], vector<16xf32>,
    %add3A_84 = arith.constant 1079 : i32
    %add3A_85 = vector.broadcast %add3A_84 : i32 to vector<16xi32>
    %add3A_86 = arith.addi %mul3A_51, %add3A_85 : vector<16xi32>
    %gather3A_87 = tpu.vector_load_idx %arg5[%select_n3A, %add3A_86] : memref<8x1470xf32, #tpu.memory_space<vmem>>[vector<16xi32>, vector<16xi32>], vector<16xf32>,
    %add3A_88 = arith.constant 1080 : i32
    %add3A_89 = vector.broadcast %add3A_88 : i32 to vector<16xi32>
    %add3A_90 = arith.addi %mul3A_51, %add3A_89 : vector<16xi32>
    %gather3A_91 = tpu.vector_load_idx %arg5[%select_n3A, %add3A_90] : memref<8x1470xf32, #tpu.memory_space<vmem>>[vector<16xi32>, vector<16xi32>], vector<16xf32>,
    %add3A_92 = arith.constant 1081 : i32
    %add3A_93 = vector.broadcast %add3A_92 : i32 to vector<16xi32>
    %add3A_94 = arith.addi %mul3A_51, %add3A_93 : vector<16xi32>
    %gather3A_95 = tpu.vector_load_idx %arg5[%select_n3A, %add3A_94] : memref<8x1470xf32, #tpu.memory_space<vmem>>[vector<16xi32>, vector<16xi32>], vector<16xf32>,
    %mul3A_96 = arith.constant 0.142857149 : f32
    %mul3A_97 = vector.broadcast %mul3A_96 : f32 to vector<16xf32>
    %mul3A_98 = arith.mulf %gather3A_83, %mul3A_97 : vector<16xf32>
    %mul3A_99 = arith.constant 0.142857149 : f32
    %mul3A_100 = vector.broadcast %mul3A_99 : f32 to vector<16xf32>
    %mul3A_101 = arith.mulf %gather3A_87, %mul3A_100 : vector<16xf32>
    %mul3A_102 = arith.mulf %gather3A_91, %gather3A_91 : vector<16xf32>
    %mul3A_103 = arith.mulf %gather3A_95, %gather3A_95 : vector<16xf32>
    %mul3A_104 = arith.constant 5.000000e-01 : f32
    %mul3A_105 = vector.broadcast %mul3A_104 : f32 to vector<16xf32>
    %mul3A_106 = arith.mulf %mul3A_105, %gather3A_75 : vector<16xf32>
    %sub3A_107 = arith.subf %mul3A_64, %mul3A_106 : vector<16xf32>
    %mul3A_108 = arith.constant 5.000000e-01 : f32
    %mul3A_109 = vector.broadcast %mul3A_108 : f32 to vector<16xf32>
    %mul3A_110 = arith.mulf %mul3A_109, %mul3A_102 : vector<16xf32>
    %sub3A_111 = arith.subf %mul3A_98, %mul3A_110 : vector<16xf32>
    %max3A = arith.maximumf %sub3A_107, %sub3A_111 : vector<16xf32>
    %mul3A_112 = arith.constant 5.000000e-01 : f32
    %mul3A_113 = vector.broadcast %mul3A_112 : f32 to vector<16xf32>
    %mul3A_114 = arith.mulf %mul3A_113, %gather3A_75 : vector<16xf32>
    %add3A_115 = arith.addf %mul3A_64, %mul3A_114 : vector<16xf32>
    %mul3A_116 = arith.constant 5.000000e-01 : f32
    %mul3A_117 = vector.broadcast %mul3A_116 : f32 to vector<16xf32>
    %mul3A_118 = arith.mulf %mul3A_117, %mul3A_102 : vector<16xf32>
    %add3A_119 = arith.addf %mul3A_98, %mul3A_118 : vector<16xf32>
    %min3A_120 = arith.minimumf %add3A_115, %add3A_119 : vector<16xf32>
    %mul3A_121 = arith.constant 5.000000e-01 : f32
    %mul3A_122 = vector.broadcast %mul3A_121 : f32 to vector<16xf32>
    %mul3A_123 = arith.mulf %mul3A_122, %gather3A_79 : vector<16xf32>
    %sub3A_124 = arith.subf %mul3A_71, %mul3A_123 : vector<16xf32>
    %mul3A_125 = arith.constant 5.000000e-01 : f32
    %mul3A_126 = vector.broadcast %mul3A_125 : f32 to vector<16xf32>
    %mul3A_127 = arith.mulf %mul3A_126, %mul3A_103 : vector<16xf32>
    %sub3A_128 = arith.subf %mul3A_101, %mul3A_127 : vector<16xf32>
    %max3A_129 = arith.maximumf %sub3A_124, %sub3A_128 : vector<16xf32>
    %mul3A_130 = arith.constant 5.000000e-01 : f32
    %mul3A_131 = vector.broadcast %mul3A_130 : f32 to vector<16xf32>
    %mul3A_132 = arith.mulf %mul3A_131, %gather3A_79 : vector<16xf32>
    %add3A_133 = arith.addf %mul3A_71, %mul3A_132 : vector<16xf32>
    %mul3A_134 = arith.constant 5.000000e-01 : f32
    %mul3A_135 = vector.broadcast %mul3A_134 : f32 to vector<16xf32>
    %mul3A_136 = arith.mulf %mul3A_135, %mul3A_103 : vector<16xf32>
    %add3A_137 = arith.addf %mul3A_101, %mul3A_136 : vector<16xf32>
    %min3A_138 = arith.minimumf %add3A_133, %add3A_137 : vector<16xf32>
    %sub3A_139 = arith.subf %min3A_120, %max3A : vector<16xf32>
    %sub3A_140 = arith.subf %min3A_138, %max3A_129 : vector<16xf32>
    %mul3A_141 = arith.mulf %sub3A_139, %sub3A_140 : vector<16xf32>
    %mul3A_142 = arith.mulf %gather3A_75, %gather3A_79 : vector<16xf32>
    %mul3A_143 = arith.mulf %mul3A_102, %mul3A_103 : vector<16xf32>
    %add3A_144 = arith.addf %mul3A_142, %mul3A_143 : vector<16xf32>
    %sub3A_145 = arith.subf %add3A_144, %mul3A_141 : vector<16xf32>
    %lt3A_146 = arith.constant 0.000000e+00 : f32
    %lt3A_147 = vector.broadcast %lt3A_146 : f32 to vector<16xf32>
    %lt3A_148 = arith.cmpf olt, %sub3A_139, %lt3A_147 : vector<16xf32>
    %lt3A_149 = arith.constant 0.000000e+00 : f32
    %lt3A_150 = vector.broadcast %lt3A_149 : f32 to vector<16xf32>
    %lt3A_151 = arith.cmpf olt, %sub3A_140, %lt3A_150 : vector<16xf32>
    %or3A = arith.ori %lt3A_148, %lt3A_151 : vector<16xi1>
    %div3A_152 = arith.divf %mul3A_141, %sub3A_145 : vector<16xf32>
    %jit3A_153 = arith.constant 0.000000e+00 : f32
    %broadcast_in_dim3A_154 = vector.broadcast %jit3A_153 : f32 to vector<16xf32>
    %select_n3A_155 = arith.select %or3A, %broadcast_in_dim3A_154, %div3A_152 : vector<16xi1>, vector<16xf32>
    %sub3A_156 = arith.subf %mul3A_64, %mul3A_98 : vector<16xf32>
    %sub3A_157 = arith.subf %mul3A_71, %mul3A_101 : vector<16xf32>
    %sub3A_158 = arith.subf %gather3A_75, %mul3A_102 : vector<16xf32>
    %sub3A_159 = arith.subf %gather3A_79, %mul3A_103 : vector<16xf32>
    %mul3A_160 = arith.mulf %sub3A_156, %sub3A_156 : vector<16xf32>
    %mul3A_161 = arith.mulf %sub3A_157, %sub3A_157 : vector<16xf32>
    %add3A_162 = arith.addf %mul3A_160, %mul3A_161 : vector<16xf32>
    %mul3A_163 = arith.mulf %sub3A_158, %sub3A_158 : vector<16xf32>
    %add3A_164 = arith.addf %add3A_162, %mul3A_163 : vector<16xf32>
    %mul3A_165 = arith.mulf %sub3A_159, %sub3A_159 : vector<16xf32>
    %add3A_166 = arith.addf %add3A_164, %mul3A_165 : vector<16xf32>
    %add3A_167 = arith.constant 1082 : i32
    %add3A_168 = vector.broadcast %add3A_167 : i32 to vector<16xi32>
    %add3A_169 = arith.addi %mul3A_51, %add3A_168 : vector<16xi32>
    %gather3A_170 = tpu.vector_load_idx %arg5[%select_n3A, %add3A_169] : memref<8x1470xf32, #tpu.memory_space<vmem>>[vector<16xi32>, vector<16xi32>], vector<16xf32>,
    %add3A_171 = arith.constant 1083 : i32
    %add3A_172 = vector.broadcast %add3A_171 : i32 to vector<16xi32>
    %add3A_173 = arith.addi %mul3A_51, %add3A_172 : vector<16xi32>
    %gather3A_174 = tpu.vector_load_idx %arg5[%select_n3A, %add3A_173] : memref<8x1470xf32, #tpu.memory_space<vmem>>[vector<16xi32>, vector<16xi32>], vector<16xf32>,
    %add3A_175 = arith.constant 1084 : i32
    %add3A_176 = vector.broadcast %add3A_175 : i32 to vector<16xi32>
    %add3A_177 = arith.addi %mul3A_51, %add3A_176 : vector<16xi32>
    %gather3A_178 = tpu.vector_load_idx %arg5[%select_n3A, %add3A_177] : memref<8x1470xf32, #tpu.memory_space<vmem>>[vector<16xi32>, vector<16xi32>], vector<16xf32>,
    %add3A_179 = arith.constant 1085 : i32
    %add3A_180 = vector.broadcast %add3A_179 : i32 to vector<16xi32>
    %add3A_181 = arith.addi %mul3A_51, %add3A_180 : vector<16xi32>
    %gather3A_182 = tpu.vector_load_idx %arg5[%select_n3A, %add3A_181] : memref<8x1470xf32, #tpu.memory_space<vmem>>[vector<16xi32>, vector<16xi32>], vector<16xf32>,
    %mul3A_183 = arith.constant 0.142857149 : f32
    %mul3A_184 = vector.broadcast %mul3A_183 : f32 to vector<16xf32>
    %mul3A_185 = arith.mulf %gather3A_170, %mul3A_184 : vector<16xf32>
    %mul3A_186 = arith.constant 0.142857149 : f32
    %mul3A_187 = vector.broadcast %mul3A_186 : f32 to vector<16xf32>
    %mul3A_188 = arith.mulf %gather3A_174, %mul3A_187 : vector<16xf32>
    %mul3A_189 = arith.mulf %gather3A_178, %gather3A_178 : vector<16xf32>
    %mul3A_190 = arith.mulf %gather3A_182, %gather3A_182 : vector<16xf32>
    %mul3A_191 = arith.constant 5.000000e-01 : f32
    %mul3A_192 = vector.broadcast %mul3A_191 : f32 to vector<16xf32>
    %mul3A_193 = arith.mulf %mul3A_192, %gather3A_75 : vector<16xf32>
    %sub3A_194 = arith.subf %mul3A_64, %mul3A_193 : vector<16xf32>
    %mul3A_195 = arith.constant 5.000000e-01 : f32
    %mul3A_196 = vector.broadcast %mul3A_195 : f32 to vector<16xf32>
    %mul3A_197 = arith.mulf %mul3A_196, %mul3A_189 : vector<16xf32>
    %sub3A_198 = arith.subf %mul3A_185, %mul3A_197 : vector<16xf32>
    %max3A_199 = arith.maximumf %sub3A_194, %sub3A_198 : vector<16xf32>
    %mul3A_200 = arith.constant 5.000000e-01 : f32
    %mul3A_201 = vector.broadcast %mul3A_200 : f32 to vector<16xf32>
    %mul3A_202 = arith.mulf %mul3A_201, %gather3A_75 : vector<16xf32>
    %add3A_203 = arith.addf %mul3A_64, %mul3A_202 : vector<16xf32>
    %mul3A_204 = arith.constant 5.000000e-01 : f32
    %mul3A_205 = vector.broadcast %mul3A_204 : f32 to vector<16xf32>
    %mul3A_206 = arith.mulf %mul3A_205, %mul3A_189 : vector<16xf32>
    %add3A_207 = arith.addf %mul3A_185, %mul3A_206 : vector<16xf32>
    %min3A_208 = arith.minimumf %add3A_203, %add3A_207 : vector<16xf32>
    %mul3A_209 = arith.constant 5.000000e-01 : f32
    %mul3A_210 = vector.broadcast %mul3A_209 : f32 to vector<16xf32>
    %mul3A_211 = arith.mulf %mul3A_210, %gather3A_79 : vector<16xf32>
    %sub3A_212 = arith.subf %mul3A_71, %mul3A_211 : vector<16xf32>
    %mul3A_213 = arith.constant 5.000000e-01 : f32
    %mul3A_214 = vector.broadcast %mul3A_213 : f32 to vector<16xf32>
    %mul3A_215 = arith.mulf %mul3A_214, %mul3A_190 : vector<16xf32>
    %sub3A_216 = arith.subf %mul3A_188, %mul3A_215 : vector<16xf32>
    %max3A_217 = arith.maximumf %sub3A_212, %sub3A_216 : vector<16xf32>
    %mul3A_218 = arith.constant 5.000000e-01 : f32
    %mul3A_219 = vector.broadcast %mul3A_218 : f32 to vector<16xf32>
    %mul3A_220 = arith.mulf %mul3A_219, %gather3A_79 : vector<16xf32>
    %add3A_221 = arith.addf %mul3A_71, %mul3A_220 : vector<16xf32>
    %mul3A_222 = arith.constant 5.000000e-01 : f32
    %mul3A_223 = vector.broadcast %mul3A_222 : f32 to vector<16xf32>
    %mul3A_224 = arith.mulf %mul3A_223, %mul3A_190 : vector<16xf32>
    %add3A_225 = arith.addf %mul3A_188, %mul3A_224 : vector<16xf32>
    %min3A_226 = arith.minimumf %add3A_221, %add3A_225 : vector<16xf32>
    %sub3A_227 = arith.subf %min3A_208, %max3A_199 : vector<16xf32>
    %sub3A_228 = arith.subf %min3A_226, %max3A_217 : vector<16xf32>
    %mul3A_229 = arith.mulf %sub3A_227, %sub3A_228 : vector<16xf32>
    %mul3A_230 = arith.mulf %gather3A_75, %gather3A_79 : vector<16xf32>
    %mul3A_231 = arith.mulf %mul3A_189, %mul3A_190 : vector<16xf32>
    %add3A_232 = arith.addf %mul3A_230, %mul3A_231 : vector<16xf32>
    %sub3A_233 = arith.subf %add3A_232, %mul3A_229 : vector<16xf32>
    %lt3A_234 = arith.constant 0.000000e+00 : f32
    %lt3A_235 = vector.broadcast %lt3A_234 : f32 to vector<16xf32>
    %lt3A_236 = arith.cmpf olt, %sub3A_227, %lt3A_235 : vector<16xf32>
    %lt3A_237 = arith.constant 0.000000e+00 : f32
    %lt3A_238 = vector.broadcast %lt3A_237 : f32 to vector<16xf32>
    %lt3A_239 = arith.cmpf olt, %sub3A_228, %lt3A_238 : vector<16xf32>
    %or3A_240 = arith.ori %lt3A_236, %lt3A_239 : vector<16xi1>
    %div3A_241 = arith.divf %mul3A_229, %sub3A_233 : vector<16xf32>
    %jit3A_242 = arith.constant 0.000000e+00 : f32
    %broadcast_in_dim3A_243 = vector.broadcast %jit3A_242 : f32 to vector<16xf32>
    %select_n3A_244 = arith.select %or3A_240, %broadcast_in_dim3A_243, %div3A_241 : vector<16xi1>, vector<16xf32>
    %sub3A_245 = arith.subf %mul3A_64, %mul3A_185 : vector<16xf32>
    %sub3A_246 = arith.subf %mul3A_71, %mul3A_188 : vector<16xf32>
    %sub3A_247 = arith.subf %gather3A_75, %mul3A_189 : vector<16xf32>
    %sub3A_248 = arith.subf %gather3A_79, %mul3A_190 : vector<16xf32>
    %mul3A_249 = arith.mulf %sub3A_245, %sub3A_245 : vector<16xf32>
    %mul3A_250 = arith.mulf %sub3A_246, %sub3A_246 : vector<16xf32>
    %add3A_251 = arith.addf %mul3A_249, %mul3A_250 : vector<16xf32>
    %mul3A_252 = arith.mulf %sub3A_247, %sub3A_247 : vector<16xf32>
    %add3A_253 = arith.addf %add3A_251, %mul3A_252 : vector<16xf32>
    %mul3A_254 = arith.mulf %sub3A_248, %sub3A_248 : vector<16xf32>
    %add3A_255 = arith.addf %add3A_253, %mul3A_254 : vector<16xf32>
    %gt3A = arith.constant 0.000000e+00 : f32
    %gt3A_256 = vector.broadcast %gt3A : f32 to vector<16xf32>
    %gt3A_257 = arith.cmpf ogt, %select_n3A_155, %gt3A_256 : vector<16xf32>
    %not3A = arith.constant dense<true> : vector<16xi1>
    %not3A_258 = arith.xori %gt3A_257, %not3A : vector<16xi1>
    %lt3A_259 = arith.constant 4.000000e+02 : f32
    %lt3A_260 = vector.broadcast %lt3A_259 : f32 to vector<16xf32>
    %lt3A_261 = arith.cmpf olt, %add3A_166, %lt3A_260 : vector<16xf32>
    %and3A_262 = arith.andi %not3A_258, %lt3A_261 : vector<16xi1>
    %jit3A_263 = arith.constant 0.000000e+00 : f32
    %broadcast_in_dim3A_264 = vector.broadcast %jit3A_263 : f32 to vector<16xf32>
    %select_n3A_265 = arith.select %gt3A_257, %select_n3A_155, %broadcast_in_dim3A_264 : vector<16xi1>, vector<16xf32>
    %jit3A_266 = arith.constant 4.000000e+02 : f32
    %broadcast_in_dim3A_267 = vector.broadcast %jit3A_266 : f32 to vector<16xf32>
    %select_n3A_268 = arith.select %and3A_262, %add3A_166, %broadcast_in_dim3A_267 : vector<16xi1>, vector<16xf32>
    %gt3A_269 = arith.constant 0.000000e+00 : f32
    %gt3A_270 = vector.broadcast %gt3A_269 : f32 to vector<16xf32>
    %gt3A_271 = arith.cmpf ogt, %select_n3A_265, %gt3A_270 : vector<16xf32>
    %gt3A_272 = arith.constant 0.000000e+00 : f32
    %gt3A_273 = vector.broadcast %gt3A_272 : f32 to vector<16xf32>
    %gt3A_274 = arith.cmpf ogt, %select_n3A_244, %gt3A_273 : vector<16xf32>
    %or3A_275 = arith.ori %gt3A_271, %gt3A_274 : vector<16xi1>
    %gt3A_276 = arith.cmpf ogt, %select_n3A_244, %select_n3A_265 : vector<16xf32>
    %and3A_277 = arith.andi %or3A_275, %gt3A_276 : vector<16xi1>
    %not3A_278 = arith.constant dense<true> : vector<16xi1>
    %not3A_279 = arith.xori %or3A_275, %not3A_278 : vector<16xi1>
    %lt3A_280 = arith.cmpf olt, %add3A_255, %select_n3A_268 : vector<16xf32>
    %and3A_281 = arith.andi %not3A_279, %lt3A_280 : vector<16xi1>
    %or3A_282 = arith.ori %and3A_277, %and3A_281 : vector<16xi1>
    %select_n3A_283 = arith.select %or3A_282, %select_n3A_244, %select_n3A_155 : vector<16xi1>, vector<16xf32>
    %broadcast_in_dim3A_284 = arith.constant 0.000000e+00 : f32
    %broadcast_in_dim3A_285 = vector.broadcast %broadcast_in_dim3A_284 : f32 to vector<16xf32>
    %add3A_286 = arith.constant 980 : i32
    %add3A_287 = vector.broadcast %add3A_286 : i32 to vector<16xi32>
    %add3A_288 = arith.addi %add3A_48, %add3A_287 : vector<16xi32>
    %gather3A_289 = tpu.vector_load_idx %arg5[%select_n3A, %add3A_288] : memref<8x1470xf32, #tpu.memory_space<vmem>>[vector<16xi32>, vector<16xi32>], vector<16xf32>,
    %not3A_290 = arith.constant dense<true> : vector<16xi1>
    %not3A_291 = arith.xori %or3A_282, %not3A_290 : vector<16xi1>
    %and3A_292 = arith.andi %not3A_291, %ne3A_57 : vector<16xi1>
    %sub3A_293 = arith.subf %select_n3A_283, %gather3A_289 : vector<16xf32>
    %mul3A_294 = arith.mulf %sub3A_293, %sub3A_293 : vector<16xf32>
    %mul3A_295 = arith.mulf %gather3A_289, %gather3A_289 : vector<16xf32>
    %select_n3A_296 = arith.select %and3A_292, %mul3A_294, %mul3A_295 : vector<16xi1>, vector<16xf32>
    %ne3A_297 = arith.cmpf one, %select_n3A_296, %select_n3A_296 : vector<16xf32>
    %jit3A_298 = arith.constant 0.000000e+00 : f32
    %broadcast_in_dim3A_299 = vector.broadcast %jit3A_298 : f32 to vector<16xf32>
    %select_n3A_300 = arith.select %ne3A_297, %broadcast_in_dim3A_299, %select_n3A_296 : vector<16xi1>, vector<16xf32>
    %add3A_301 = arith.addf %broadcast_in_dim3A_285, %select_n3A_300 : vector<16xf32>
    %add3A_302 = arith.constant 981 : i32
    %add3A_303 = vector.broadcast %add3A_302 : i32 to vector<16xi32>
    %add3A_304 = arith.addi %add3A_48, %add3A_303 : vector<16xi32>
    %gather3A_305 = tpu.vector_load_idx %arg5[%select_n3A, %add3A_304] : memref<8x1470xf32, #tpu.memory_space<vmem>>[vector<16xi32>, vector<16xi32>], vector<16xf32>,
    %and3A_306 = arith.andi %or3A_282, %ne3A_57 : vector<16xi1>
    %sub3A_307 = arith.subf %select_n3A_283, %gather3A_305 : vector<16xf32>
    %mul3A_308 = arith.mulf %sub3A_307, %sub3A_307 : vector<16xf32>
    %mul3A_309 = arith.mulf %gather3A_305, %gather3A_305 : vector<16xf32>
    %select_n3A_310 = arith.select %and3A_306, %mul3A_308, %mul3A_309 : vector<16xi1>, vector<16xf32>
    %ne3A_311 = arith.cmpf one, %select_n3A_310, %select_n3A_310 : vector<16xf32>
    %jit3A_312 = arith.constant 0.000000e+00 : f32
    %broadcast_in_dim3A_313 = vector.broadcast %jit3A_312 : f32 to vector<16xf32>
    %select_n3A_314 = arith.select %ne3A_311, %broadcast_in_dim3A_313, %select_n3A_310 : vector<16xi1>, vector<16xf32>
    %add3A_315 = arith.addf %add3A_301, %select_n3A_314 : vector<16xf32>
    %broadcast_in_dim3A_316 = arith.constant 0.000000e+00 : f32
    %broadcast_in_dim3A_317 = vector.broadcast %broadcast_in_dim3A_316 : f32 to vector<16xf32>
    %broadcast_in_dim3A_318 = arith.constant 0.000000e+00 : f32
    %broadcast_in_dim3A_319 = vector.broadcast %broadcast_in_dim3A_318 : f32 to vector<16xf32>
    %broadcast_in_dim3A_320 = arith.constant 0.000000e+00 : f32
    %broadcast_in_dim3A_321 = vector.broadcast %broadcast_in_dim3A_320 : f32 to vector<16xf32>
    %broadcast_in_dim3A_322 = arith.constant 0.000000e+00 : f32
    %broadcast_in_dim3A_323 = vector.broadcast %broadcast_in_dim3A_322 : f32 to vector<16xf32>
    %add3A_324 = arith.constant 1 : i32
    %add3A_325 = vector.broadcast %add3A_324 : i32 to vector<16xi32>
    %add3A_326 = arith.addi %mul3A_54, %add3A_325 : vector<16xi32>
    %gather3A_327 = tpu.vector_load_idx %arg6[%select_n3A, %add3A_326] : memref<8x1225xf32, #tpu.memory_space<vmem>>[vector<16xi32>, vector<16xi32>], vector<16xf32>,
    %add3A_328 = arith.constant 0 : i32
    %add3A_329 = vector.broadcast %add3A_328 : i32 to vector<16xi32>
    %add3A_330 = arith.addi %mul3A_47, %add3A_329 : vector<16xi32>
    %gather3A_331 = tpu.vector_load_idx %arg5[%select_n3A, %add3A_330] : memref<8x1470xf32, #tpu.memory_space<vmem>>[vector<16xi32>, vector<16xi32>], vector<16xf32>,
    %sub3A_332 = arith.subf %gather3A_327, %gather3A_331 : vector<16xf32>
    %mul3A_333 = arith.mulf %sub3A_332, %sub3A_332 : vector<16xf32>
    %add3A_334 = arith.addf %broadcast_in_dim3A_317, %mul3A_333 : vector<16xf32>
    %add3A_335 = arith.constant 2 : i32
    %add3A_336 = vector.broadcast %add3A_335 : i32 to vector<16xi32>
    %add3A_337 = arith.addi %mul3A_54, %add3A_336 : vector<16xi32>
    %gather3A_338 = tpu.vector_load_idx %arg6[%select_n3A, %add3A_337] : memref<8x1225xf32, #tpu.memory_space<vmem>>[vector<16xi32>, vector<16xi32>], vector<16xf32>,
    %add3A_339 = arith.constant 1 : i32
    %add3A_340 = vector.broadcast %add3A_339 : i32 to vector<16xi32>
    %add3A_341 = arith.addi %mul3A_47, %add3A_340 : vector<16xi32>
    %gather3A_342 = tpu.vector_load_idx %arg5[%select_n3A, %add3A_341] : memref<8x1470xf32, #tpu.memory_space<vmem>>[vector<16xi32>, vector<16xi32>], vector<16xf32>,
    %sub3A_343 = arith.subf %gather3A_338, %gather3A_342 : vector<16xf32>
    %mul3A_344 = arith.mulf %sub3A_343, %sub3A_343 : vector<16xf32>
    %add3A_345 = arith.addf %broadcast_in_dim3A_319, %mul3A_344 : vector<16xf32>
    %add3A_346 = arith.constant 3 : i32
    %add3A_347 = vector.broadcast %add3A_346 : i32 to vector<16xi32>
    %add3A_348 = arith.addi %mul3A_54, %add3A_347 : vector<16xi32>
    %gather3A_349 = tpu.vector_load_idx %arg6[%select_n3A, %add3A_348] : memref<8x1225xf32, #tpu.memory_space<vmem>>[vector<16xi32>, vector<16xi32>], vector<16xf32>,
    %add3A_350 = arith.constant 2 : i32
    %add3A_351 = vector.broadcast %add3A_350 : i32 to vector<16xi32>
    %add3A_352 = arith.addi %mul3A_47, %add3A_351 : vector<16xi32>
    %gather3A_353 = tpu.vector_load_idx %arg5[%select_n3A, %add3A_352] : memref<8x1470xf32, #tpu.memory_space<vmem>>[vector<16xi32>, vector<16xi32>], vector<16xf32>,
    %sub3A_354 = arith.subf %gather3A_349, %gather3A_353 : vector<16xf32>
    %mul3A_355 = arith.mulf %sub3A_354, %sub3A_354 : vector<16xf32>
    %add3A_356 = arith.addf %broadcast_in_dim3A_321, %mul3A_355 : vector<16xf32>
    %add3A_357 = arith.constant 4 : i32
    %add3A_358 = vector.broadcast %add3A_357 : i32 to vector<16xi32>
    %add3A_359 = arith.addi %mul3A_54, %add3A_358 : vector<16xi32>
    %gather3A_360 = tpu.vector_load_idx %arg6[%select_n3A, %add3A_359] : memref<8x1225xf32, #tpu.memory_space<vmem>>[vector<16xi32>, vector<16xi32>], vector<16xf32>,
    %add3A_361 = arith.constant 3 : i32
    %add3A_362 = vector.broadcast %add3A_361 : i32 to vector<16xi32>
    %add3A_363 = arith.addi %mul3A_47, %add3A_362 : vector<16xi32>
    %gather3A_364 = tpu.vector_load_idx %arg5[%select_n3A, %add3A_363] : memref<8x1470xf32, #tpu.memory_space<vmem>>[vector<16xi32>, vector<16xi32>], vector<16xf32>,
    %sub3A_365 = arith.subf %gather3A_360, %gather3A_364 : vector<16xf32>
    %mul3A_366 = arith.mulf %sub3A_365, %sub3A_365 : vector<16xf32>
    %add3A_367 = arith.addf %broadcast_in_dim3A_323, %mul3A_366 : vector<16xf32>
    %add3A_368 = arith.constant 5 : i32
    %add3A_369 = vector.broadcast %add3A_368 : i32 to vector<16xi32>
    %add3A_370 = arith.addi %mul3A_54, %add3A_369 : vector<16xi32>
    %gather3A_371 = tpu.vector_load_idx %arg6[%select_n3A, %add3A_370] : memref<8x1225xf32, #tpu.memory_space<vmem>>[vector<16xi32>, vector<16xi32>], vector<16xf32>,
    %add3A_372 = arith.constant 4 : i32
    %add3A_373 = vector.broadcast %add3A_372 : i32 to vector<16xi32>
    %add3A_374 = arith.addi %mul3A_47, %add3A_373 : vector<16xi32>
    %gather3A_375 = tpu.vector_load_idx %arg5[%select_n3A, %add3A_374] : memref<8x1470xf32, #tpu.memory_space<vmem>>[vector<16xi32>, vector<16xi32>], vector<16xf32>,
    %sub3A_376 = arith.subf %gather3A_371, %gather3A_375 : vector<16xf32>
    %mul3A_377 = arith.mulf %sub3A_376, %sub3A_376 : vector<16xf32>
    %add3A_378 = arith.addf %add3A_334, %mul3A_377 : vector<16xf32>
    %add3A_379 = arith.constant 6 : i32
    %add3A_380 = vector.broadcast %add3A_379 : i32 to vector<16xi32>
    %add3A_381 = arith.addi %mul3A_54, %add3A_380 : vector<16xi32>
    %gather3A_382 = tpu.vector_load_idx %arg6[%select_n3A, %add3A_381] : memref<8x1225xf32, #tpu.memory_space<vmem>>[vector<16xi32>, vector<16xi32>], vector<16xf32>,
    %add3A_383 = arith.constant 5 : i32
    %add3A_384 = vector.broadcast %add3A_383 : i32 to vector<16xi32>
    %add3A_385 = arith.addi %mul3A_47, %add3A_384 : vector<16xi32>
    %gather3A_386 = tpu.vector_load_idx %arg5[%select_n3A, %add3A_385] : memref<8x1470xf32, #tpu.memory_space<vmem>>[vector<16xi32>, vector<16xi32>], vector<16xf32>,
    %sub3A_387 = arith.subf %gather3A_382, %gather3A_386 : vector<16xf32>
    %mul3A_388 = arith.mulf %sub3A_387, %sub3A_387 : vector<16xf32>
    %add3A_389 = arith.addf %add3A_345, %mul3A_388 : vector<16xf32>
    %add3A_390 = arith.constant 7 : i32
    %add3A_391 = vector.broadcast %add3A_390 : i32 to vector<16xi32>
    %add3A_392 = arith.addi %mul3A_54, %add3A_391 : vector<16xi32>
    %gather3A_393 = tpu.vector_load_idx %arg6[%select_n3A, %add3A_392] : memref<8x1225xf32, #tpu.memory_space<vmem>>[vector<16xi32>, vector<16xi32>], vector<16xf32>,
    %add3A_394 = arith.constant 6 : i32
    %add3A_395 = vector.broadcast %add3A_394 : i32 to vector<16xi32>
    %add3A_396 = arith.addi %mul3A_47, %add3A_395 : vector<16xi32>
    %gather3A_397 = tpu.vector_load_idx %arg5[%select_n3A, %add3A_396] : memref<8x1470xf32, #tpu.memory_space<vmem>>[vector<16xi32>, vector<16xi32>], vector<16xf32>,
    %sub3A_398 = arith.subf %gather3A_393, %gather3A_397 : vector<16xf32>
    %mul3A_399 = arith.mulf %sub3A_398, %sub3A_398 : vector<16xf32>
    %add3A_400 = arith.addf %add3A_356, %mul3A_399 : vector<16xf32>
    %add3A_401 = arith.constant 8 : i32
    %add3A_402 = vector.broadcast %add3A_401 : i32 to vector<16xi32>
    %add3A_403 = arith.addi %mul3A_54, %add3A_402 : vector<16xi32>
    %gather3A_404 = tpu.vector_load_idx %arg6[%select_n3A, %add3A_403] : memref<8x1225xf32, #tpu.memory_space<vmem>>[vector<16xi32>, vector<16xi32>], vector<16xf32>,
    %add3A_405 = arith.constant 7 : i32
    %add3A_406 = vector.broadcast %add3A_405 : i32 to vector<16xi32>
    %add3A_407 = arith.addi %mul3A_47, %add3A_406 : vector<16xi32>
    %gather3A_408 = tpu.vector_load_idx %arg5[%select_n3A, %add3A_407] : memref<8x1470xf32, #tpu.memory_space<vmem>>[vector<16xi32>, vector<16xi32>], vector<16xf32>,
    %sub3A_409 = arith.subf %gather3A_404, %gather3A_408 : vector<16xf32>
    %mul3A_410 = arith.mulf %sub3A_409, %sub3A_409 : vector<16xf32>
    %add3A_411 = arith.addf %add3A_367, %mul3A_410 : vector<16xf32>
    %add3A_412 = arith.constant 9 : i32
    %add3A_413 = vector.broadcast %add3A_412 : i32 to vector<16xi32>
    %add3A_414 = arith.addi %mul3A_54, %add3A_413 : vector<16xi32>
    %gather3A_415 = tpu.vector_load_idx %arg6[%select_n3A, %add3A_414] : memref<8x1225xf32, #tpu.memory_space<vmem>>[vector<16xi32>, vector<16xi32>], vector<16xf32>,
    %add3A_416 = arith.constant 8 : i32
    %add3A_417 = vector.broadcast %add3A_416 : i32 to vector<16xi32>
    %add3A_418 = arith.addi %mul3A_47, %add3A_417 : vector<16xi32>
    %gather3A_419 = tpu.vector_load_idx %arg5[%select_n3A, %add3A_418] : memref<8x1470xf32, #tpu.memory_space<vmem>>[vector<16xi32>, vector<16xi32>], vector<16xf32>,
    %sub3A_420 = arith.subf %gather3A_415, %gather3A_419 : vector<16xf32>
    %mul3A_421 = arith.mulf %sub3A_420, %sub3A_420 : vector<16xf32>
    %add3A_422 = arith.addf %add3A_378, %mul3A_421 : vector<16xf32>
    %add3A_423 = arith.constant 10 : i32
    %add3A_424 = vector.broadcast %add3A_423 : i32 to vector<16xi32>
    %add3A_425 = arith.addi %mul3A_54, %add3A_424 : vector<16xi32>
    %gather3A_426 = tpu.vector_load_idx %arg6[%select_n3A, %add3A_425] : memref<8x1225xf32, #tpu.memory_space<vmem>>[vector<16xi32>, vector<16xi32>], vector<16xf32>,
    %add3A_427 = arith.constant 9 : i32
    %add3A_428 = vector.broadcast %add3A_427 : i32 to vector<16xi32>
    %add3A_429 = arith.addi %mul3A_47, %add3A_428 : vector<16xi32>
    %gather3A_430 = tpu.vector_load_idx %arg5[%select_n3A, %add3A_429] : memref<8x1470xf32, #tpu.memory_space<vmem>>[vector<16xi32>, vector<16xi32>], vector<16xf32>,
    %sub3A_431 = arith.subf %gather3A_426, %gather3A_430 : vector<16xf32>
    %mul3A_432 = arith.mulf %sub3A_431, %sub3A_431 : vector<16xf32>
    %add3A_433 = arith.addf %add3A_389, %mul3A_432 : vector<16xf32>
    %add3A_434 = arith.constant 11 : i32
    %add3A_435 = vector.broadcast %add3A_434 : i32 to vector<16xi32>
    %add3A_436 = arith.addi %mul3A_54, %add3A_435 : vector<16xi32>
    %gather3A_437 = tpu.vector_load_idx %arg6[%select_n3A, %add3A_436] : memref<8x1225xf32, #tpu.memory_space<vmem>>[vector<16xi32>, vector<16xi32>], vector<16xf32>,
    %add3A_438 = arith.constant 10 : i32
    %add3A_439 = vector.broadcast %add3A_438 : i32 to vector<16xi32>
    %add3A_440 = arith.addi %mul3A_47, %add3A_439 : vector<16xi32>
    %gather3A_441 = tpu.vector_load_idx %arg5[%select_n3A, %add3A_440] : memref<8x1470xf32, #tpu.memory_space<vmem>>[vector<16xi32>, vector<16xi32>], vector<16xf32>,
    %sub3A_442 = arith.subf %gather3A_437, %gather3A_441 : vector<16xf32>
    %mul3A_443 = arith.mulf %sub3A_442, %sub3A_442 : vector<16xf32>
    %add3A_444 = arith.addf %add3A_400, %mul3A_443 : vector<16xf32>
    %add3A_445 = arith.constant 12 : i32
    %add3A_446 = vector.broadcast %add3A_445 : i32 to vector<16xi32>
    %add3A_447 = arith.addi %mul3A_54, %add3A_446 : vector<16xi32>
    %gather3A_448 = tpu.vector_load_idx %arg6[%select_n3A, %add3A_447] : memref<8x1225xf32, #tpu.memory_space<vmem>>[vector<16xi32>, vector<16xi32>], vector<16xf32>,
    %add3A_449 = arith.constant 11 : i32
    %add3A_450 = vector.broadcast %add3A_449 : i32 to vector<16xi32>
    %add3A_451 = arith.addi %mul3A_47, %add3A_450 : vector<16xi32>
    %gather3A_452 = tpu.vector_load_idx %arg5[%select_n3A, %add3A_451] : memref<8x1470xf32, #tpu.memory_space<vmem>>[vector<16xi32>, vector<16xi32>], vector<16xf32>,
    %sub3A_453 = arith.subf %gather3A_448, %gather3A_452 : vector<16xf32>
    %mul3A_454 = arith.mulf %sub3A_453, %sub3A_453 : vector<16xf32>
    %add3A_455 = arith.addf %add3A_411, %mul3A_454 : vector<16xf32>
    %add3A_456 = arith.constant 13 : i32
    %add3A_457 = vector.broadcast %add3A_456 : i32 to vector<16xi32>
    %add3A_458 = arith.addi %mul3A_54, %add3A_457 : vector<16xi32>
    %gather3A_459 = tpu.vector_load_idx %arg6[%select_n3A, %add3A_458] : memref<8x1225xf32, #tpu.memory_space<vmem>>[vector<16xi32>, vector<16xi32>], vector<16xf32>,
    %add3A_460 = arith.constant 12 : i32
    %add3A_461 = vector.broadcast %add3A_460 : i32 to vector<16xi32>
    %add3A_462 = arith.addi %mul3A_47, %add3A_461 : vector<16xi32>
    %gather3A_463 = tpu.vector_load_idx %arg5[%select_n3A, %add3A_462] : memref<8x1470xf32, #tpu.memory_space<vmem>>[vector<16xi32>, vector<16xi32>], vector<16xf32>,
    %sub3A_464 = arith.subf %gather3A_459, %gather3A_463 : vector<16xf32>
    %mul3A_465 = arith.mulf %sub3A_464, %sub3A_464 : vector<16xf32>
    %add3A_466 = arith.addf %add3A_422, %mul3A_465 : vector<16xf32>
    %add3A_467 = arith.constant 14 : i32
    %add3A_468 = vector.broadcast %add3A_467 : i32 to vector<16xi32>
    %add3A_469 = arith.addi %mul3A_54, %add3A_468 : vector<16xi32>
    %gather3A_470 = tpu.vector_load_idx %arg6[%select_n3A, %add3A_469] : memref<8x1225xf32, #tpu.memory_space<vmem>>[vector<16xi32>, vector<16xi32>], vector<16xf32>,
    %add3A_471 = arith.constant 13 : i32
    %add3A_472 = vector.broadcast %add3A_471 : i32 to vector<16xi32>
    %add3A_473 = arith.addi %mul3A_47, %add3A_472 : vector<16xi32>
    %gather3A_474 = tpu.vector_load_idx %arg5[%select_n3A, %add3A_473] : memref<8x1470xf32, #tpu.memory_space<vmem>>[vector<16xi32>, vector<16xi32>], vector<16xf32>,
    %sub3A_475 = arith.subf %gather3A_470, %gather3A_474 : vector<16xf32>
    %mul3A_476 = arith.mulf %sub3A_475, %sub3A_475 : vector<16xf32>
    %add3A_477 = arith.addf %add3A_433, %mul3A_476 : vector<16xf32>
    %add3A_478 = arith.constant 15 : i32
    %add3A_479 = vector.broadcast %add3A_478 : i32 to vector<16xi32>
    %add3A_480 = arith.addi %mul3A_54, %add3A_479 : vector<16xi32>
    %gather3A_481 = tpu.vector_load_idx %arg6[%select_n3A, %add3A_480] : memref<8x1225xf32, #tpu.memory_space<vmem>>[vector<16xi32>, vector<16xi32>], vector<16xf32>,
    %add3A_482 = arith.constant 14 : i32
    %add3A_483 = vector.broadcast %add3A_482 : i32 to vector<16xi32>
    %add3A_484 = arith.addi %mul3A_47, %add3A_483 : vector<16xi32>
    %gather3A_485 = tpu.vector_load_idx %arg5[%select_n3A, %add3A_484] : memref<8x1470xf32, #tpu.memory_space<vmem>>[vector<16xi32>, vector<16xi32>], vector<16xf32>,
    %sub3A_486 = arith.subf %gather3A_481, %gather3A_485 : vector<16xf32>
    %mul3A_487 = arith.mulf %sub3A_486, %sub3A_486 : vector<16xf32>
    %add3A_488 = arith.addf %add3A_444, %mul3A_487 : vector<16xf32>
    %add3A_489 = arith.constant 16 : i32
    %add3A_490 = vector.broadcast %add3A_489 : i32 to vector<16xi32>
    %add3A_491 = arith.addi %mul3A_54, %add3A_490 : vector<16xi32>
    %gather3A_492 = tpu.vector_load_idx %arg6[%select_n3A, %add3A_491] : memref<8x1225xf32, #tpu.memory_space<vmem>>[vector<16xi32>, vector<16xi32>], vector<16xf32>,
    %add3A_493 = arith.constant 15 : i32
    %add3A_494 = vector.broadcast %add3A_493 : i32 to vector<16xi32>
    %add3A_495 = arith.addi %mul3A_47, %add3A_494 : vector<16xi32>
    %gather3A_496 = tpu.vector_load_idx %arg5[%select_n3A, %add3A_495] : memref<8x1470xf32, #tpu.memory_space<vmem>>[vector<16xi32>, vector<16xi32>], vector<16xf32>,
    %sub3A_497 = arith.subf %gather3A_492, %gather3A_496 : vector<16xf32>
    %mul3A_498 = arith.mulf %sub3A_497, %sub3A_497 : vector<16xf32>
    %add3A_499 = arith.addf %add3A_455, %mul3A_498 : vector<16xf32>
    %add3A_500 = arith.constant 17 : i32
    %add3A_501 = vector.broadcast %add3A_500 : i32 to vector<16xi32>
    %add3A_502 = arith.addi %mul3A_54, %add3A_501 : vector<16xi32>
    %gather3A_503 = tpu.vector_load_idx %arg6[%select_n3A, %add3A_502] : memref<8x1225xf32, #tpu.memory_space<vmem>>[vector<16xi32>, vector<16xi32>], vector<16xf32>,
    %add3A_504 = arith.constant 16 : i32
    %add3A_505 = vector.broadcast %add3A_504 : i32 to vector<16xi32>
    %add3A_506 = arith.addi %mul3A_47, %add3A_505 : vector<16xi32>
    %gather3A_507 = tpu.vector_load_idx %arg5[%select_n3A, %add3A_506] : memref<8x1470xf32, #tpu.memory_space<vmem>>[vector<16xi32>, vector<16xi32>], vector<16xf32>,
    %sub3A_508 = arith.subf %gather3A_503, %gather3A_507 : vector<16xf32>
    %mul3A_509 = arith.mulf %sub3A_508, %sub3A_508 : vector<16xf32>
    %add3A_510 = arith.addf %add3A_466, %mul3A_509 : vector<16xf32>
    %add3A_511 = arith.constant 18 : i32
    %add3A_512 = vector.broadcast %add3A_511 : i32 to vector<16xi32>
    %add3A_513 = arith.addi %mul3A_54, %add3A_512 : vector<16xi32>
    %gather3A_514 = tpu.vector_load_idx %arg6[%select_n3A, %add3A_513] : memref<8x1225xf32, #tpu.memory_space<vmem>>[vector<16xi32>, vector<16xi32>], vector<16xf32>,
    %add3A_515 = arith.constant 17 : i32
    %add3A_516 = vector.broadcast %add3A_515 : i32 to vector<16xi32>
    %add3A_517 = arith.addi %mul3A_47, %add3A_516 : vector<16xi32>
    %gather3A_518 = tpu.vector_load_idx %arg5[%select_n3A, %add3A_517] : memref<8x1470xf32, #tpu.memory_space<vmem>>[vector<16xi32>, vector<16xi32>], vector<16xf32>,
    %sub3A_519 = arith.subf %gather3A_514, %gather3A_518 : vector<16xf32>
    %mul3A_520 = arith.mulf %sub3A_519, %sub3A_519 : vector<16xf32>
    %add3A_521 = arith.addf %add3A_477, %mul3A_520 : vector<16xf32>
    %add3A_522 = arith.constant 19 : i32
    %add3A_523 = vector.broadcast %add3A_522 : i32 to vector<16xi32>
    %add3A_524 = arith.addi %mul3A_54, %add3A_523 : vector<16xi32>
    %gather3A_525 = tpu.vector_load_idx %arg6[%select_n3A, %add3A_524] : memref<8x1225xf32, #tpu.memory_space<vmem>>[vector<16xi32>, vector<16xi32>], vector<16xf32>,
    %add3A_526 = arith.constant 18 : i32
    %add3A_527 = vector.broadcast %add3A_526 : i32 to vector<16xi32>
    %add3A_528 = arith.addi %mul3A_47, %add3A_527 : vector<16xi32>
    %gather3A_529 = tpu.vector_load_idx %arg5[%select_n3A, %add3A_528] : memref<8x1470xf32, #tpu.memory_space<vmem>>[vector<16xi32>, vector<16xi32>], vector<16xf32>,
    %sub3A_530 = arith.subf %gather3A_525, %gather3A_529 : vector<16xf32>
    %mul3A_531 = arith.mulf %sub3A_530, %sub3A_530 : vector<16xf32>
    %add3A_532 = arith.addf %add3A_488, %mul3A_531 : vector<16xf32>
    %add3A_533 = arith.constant 20 : i32
    %add3A_534 = vector.broadcast %add3A_533 : i32 to vector<16xi32>
    %add3A_535 = arith.addi %mul3A_54, %add3A_534 : vector<16xi32>
    %gather3A_536 = tpu.vector_load_idx %arg6[%select_n3A, %add3A_535] : memref<8x1225xf32, #tpu.memory_space<vmem>>[vector<16xi32>, vector<16xi32>], vector<16xf32>,
    %add3A_537 = arith.constant 19 : i32
    %add3A_538 = vector.broadcast %add3A_537 : i32 to vector<16xi32>
    %add3A_539 = arith.addi %mul3A_47, %add3A_538 : vector<16xi32>
    %gather3A_540 = tpu.vector_load_idx %arg5[%select_n3A, %add3A_539] : memref<8x1470xf32, #tpu.memory_space<vmem>>[vector<16xi32>, vector<16xi32>], vector<16xf32>,
    %sub3A_541 = arith.subf %gather3A_536, %gather3A_540 : vector<16xf32>
    %mul3A_542 = arith.mulf %sub3A_541, %sub3A_541 : vector<16xf32>
    %add3A_543 = arith.addf %add3A_499, %mul3A_542 : vector<16xf32>
    %add3A_544 = arith.addf %add3A_510, %add3A_521 : vector<16xf32>
    %add3A_545 = arith.addf %add3A_532, %add3A_543 : vector<16xf32>
    %add3A_546 = arith.addf %add3A_544, %add3A_545 : vector<16xf32>
    %jit3A_547 = arith.constant 0.000000e+00 : f32
    %broadcast_in_dim3A_548 = vector.broadcast %jit3A_547 : f32 to vector<16xf32>
    %select_n3A_549 = arith.select %ne3A_57, %add3A_546, %broadcast_in_dim3A_548 : vector<16xi1>, vector<16xf32>
    %add3A_550 = arith.addf %add3A_315, %select_n3A_549 : vector<16xf32>
    %add3A_551 = arith.constant 21 : i32
    %add3A_552 = vector.broadcast %add3A_551 : i32 to vector<16xi32>
    %add3A_553 = arith.addi %mul3A_54, %add3A_552 : vector<16xi32>
    %gather3A_554 = tpu.vector_load_idx %arg6[%select_n3A, %add3A_553] : memref<8x1225xf32, #tpu.memory_space<vmem>>[vector<16xi32>, vector<16xi32>], vector<16xf32>,
    %add3A_555 = arith.constant 22 : i32
    %add3A_556 = vector.broadcast %add3A_555 : i32 to vector<16xi32>
    %add3A_557 = arith.addi %mul3A_54, %add3A_556 : vector<16xi32>
    %gather3A_558 = tpu.vector_load_idx %arg6[%select_n3A, %add3A_557] : memref<8x1225xf32, #tpu.memory_space<vmem>>[vector<16xi32>, vector<16xi32>], vector<16xf32>,
    %bitcast_convert_type3A = tpu.bitcast %gather3A_75 : vector<16xf32> -> vector<16xi32>
    %shift_right_arithmetic3A = arith.constant 1 : i32
    %shift_right_arithmetic3A_559 = vector.broadcast %shift_right_arithmetic3A : i32 to vector<16xi32>
    %shift_right_arithmetic3A_560 = arith.shrsi %bitcast_convert_type3A, %shift_right_arithmetic3A_559 : vector<16xi32>
    %add3A_561 = arith.constant 532487669 : i32
    %add3A_562 = vector.broadcast %add3A_561 : i32 to vector<16xi32>
    %add3A_563 = arith.addi %shift_right_arithmetic3A_560, %add3A_562 : vector<16xi32>
    %bitcast_convert_type3A_564 = tpu.bitcast %add3A_563 : vector<16xi32> -> vector<16xf32>
    %div3A_565 = arith.divf %gather3A_75, %bitcast_convert_type3A_564 : vector<16xf32>
    %add3A_566 = arith.addf %bitcast_convert_type3A_564, %div3A_565 : vector<16xf32>
    %mul3A_567 = arith.constant 5.000000e-01 : f32
    %mul3A_568 = vector.broadcast %mul3A_567 : f32 to vector<16xf32>
    %mul3A_569 = arith.mulf %mul3A_568, %add3A_566 : vector<16xf32>
    %div3A_570 = arith.divf %gather3A_75, %mul3A_569 : vector<16xf32>
    %add3A_571 = arith.addf %mul3A_569, %div3A_570 : vector<16xf32>
    %mul3A_572 = arith.constant 5.000000e-01 : f32
    %mul3A_573 = vector.broadcast %mul3A_572 : f32 to vector<16xf32>
    %mul3A_574 = arith.mulf %mul3A_573, %add3A_571 : vector<16xf32>
    %bitcast_convert_type3A_575 = tpu.bitcast %gather3A_79 : vector<16xf32> -> vector<16xi32>
    %shift_right_arithmetic3A_576 = arith.constant 1 : i32
    %shift_right_arithmetic3A_577 = vector.broadcast %shift_right_arithmetic3A_576 : i32 to vector<16xi32>
    %shift_right_arithmetic3A_578 = arith.shrsi %bitcast_convert_type3A_575, %shift_right_arithmetic3A_577 : vector<16xi32>
    %add3A_579 = arith.constant 532487669 : i32
    %add3A_580 = vector.broadcast %add3A_579 : i32 to vector<16xi32>
    %add3A_581 = arith.addi %shift_right_arithmetic3A_578, %add3A_580 : vector<16xi32>
    %bitcast_convert_type3A_582 = tpu.bitcast %add3A_581 : vector<16xi32> -> vector<16xf32>
    %div3A_583 = arith.divf %gather3A_79, %bitcast_convert_type3A_582 : vector<16xf32>
    %add3A_584 = arith.addf %bitcast_convert_type3A_582, %div3A_583 : vector<16xf32>
    %mul3A_585 = arith.constant 5.000000e-01 : f32
    %mul3A_586 = vector.broadcast %mul3A_585 : f32 to vector<16xf32>
    %mul3A_587 = arith.mulf %mul3A_586, %add3A_584 : vector<16xf32>
    %div3A_588 = arith.divf %gather3A_79, %mul3A_587 : vector<16xf32>
    %add3A_589 = arith.addf %mul3A_587, %div3A_588 : vector<16xf32>
    %mul3A_590 = arith.constant 5.000000e-01 : f32
    %mul3A_591 = vector.broadcast %mul3A_590 : f32 to vector<16xf32>
    %mul3A_592 = arith.mulf %mul3A_591, %add3A_589 : vector<16xf32>
    %not3A_593 = arith.constant dense<true> : vector<16xi1>
    %not3A_594 = arith.xori %or3A_282, %not3A_593 : vector<16xi1>
    %and3A_595 = arith.andi %not3A_594, %ne3A_57 : vector<16xi1>
    %sub3A_596 = arith.subf %gather3A_554, %gather3A_83 : vector<16xf32>
    %sub3A_597 = arith.subf %gather3A_558, %gather3A_87 : vector<16xf32>
    %sub3A_598 = arith.subf %mul3A_574, %gather3A_91 : vector<16xf32>
    %sub3A_599 = arith.subf %mul3A_592, %gather3A_95 : vector<16xf32>
    %mul3A_600 = arith.mulf %sub3A_596, %sub3A_596 : vector<16xf32>
    %mul3A_601 = arith.mulf %sub3A_597, %sub3A_597 : vector<16xf32>
    %add3A_602 = arith.addf %mul3A_600, %mul3A_601 : vector<16xf32>
    %mul3A_603 = arith.mulf %sub3A_598, %sub3A_598 : vector<16xf32>
    %mul3A_604 = arith.mulf %sub3A_599, %sub3A_599 : vector<16xf32>
    %add3A_605 = arith.addf %mul3A_603, %mul3A_604 : vector<16xf32>
    %add3A_606 = arith.addf %add3A_602, %add3A_605 : vector<16xf32>
    %mul3A_607 = arith.constant 5.000000e+00 : f32
    %mul3A_608 = vector.broadcast %mul3A_607 : f32 to vector<16xf32>
    %mul3A_609 = arith.mulf %mul3A_608, %add3A_606 : vector<16xf32>
    %jit3A_610 = arith.constant 0.000000e+00 : f32
    %broadcast_in_dim3A_611 = vector.broadcast %jit3A_610 : f32 to vector<16xf32>
    %select_n3A_612 = arith.select %and3A_595, %mul3A_609, %broadcast_in_dim3A_611 : vector<16xi1>, vector<16xf32>
    %add3A_613 = arith.addf %add3A_550, %select_n3A_612 : vector<16xf32>
    %and3A_614 = arith.andi %or3A_282, %ne3A_57 : vector<16xi1>
    %sub3A_615 = arith.subf %gather3A_554, %gather3A_170 : vector<16xf32>
    %sub3A_616 = arith.subf %gather3A_558, %gather3A_174 : vector<16xf32>
    %sub3A_617 = arith.subf %mul3A_574, %gather3A_178 : vector<16xf32>
    %sub3A_618 = arith.subf %mul3A_592, %gather3A_182 : vector<16xf32>
    %mul3A_619 = arith.mulf %sub3A_615, %sub3A_615 : vector<16xf32>
    %mul3A_620 = arith.mulf %sub3A_616, %sub3A_616 : vector<16xf32>
    %add3A_621 = arith.addf %mul3A_619, %mul3A_620 : vector<16xf32>
    %mul3A_622 = arith.mulf %sub3A_617, %sub3A_617 : vector<16xf32>
    %mul3A_623 = arith.mulf %sub3A_618, %sub3A_618 : vector<16xf32>
    %add3A_624 = arith.addf %mul3A_622, %mul3A_623 : vector<16xf32>
    %add3A_625 = arith.addf %add3A_621, %add3A_624 : vector<16xf32>
    %mul3A_626 = arith.constant 5.000000e+00 : f32
    %mul3A_627 = vector.broadcast %mul3A_626 : f32 to vector<16xf32>
    %mul3A_628 = arith.mulf %mul3A_627, %add3A_625 : vector<16xf32>
    %jit3A_629 = arith.constant 0.000000e+00 : f32
    %broadcast_in_dim3A_630 = vector.broadcast %jit3A_629 : f32 to vector<16xf32>
    %select_n3A_631 = arith.select %and3A_614, %mul3A_628, %broadcast_in_dim3A_630 : vector<16xi1>, vector<16xf32>
    %add3A_632 = arith.addf %add3A_613, %select_n3A_631 : vector<16xf32>
    %jit3A_633 = arith.constant 0.000000e+00 : f32
    %broadcast_in_dim3A_634 = vector.broadcast %jit3A_633 : f32 to vector<16xf32>
    %select_n3A_635 = arith.select %lt3A_15, %add3A_632, %broadcast_in_dim3A_634 : vector<16xi1>, vector<16xf32>
    %add3A_636 = arith.addf %scan3A_7, %select_n3A_635 : vector<16xf32>
    %scan3A_637 = arith.constant 25 : i32
    %swap3A = arith.constant 0 : index
    %swap3A_638 = tpu.vector_load %arg7[%swap3A] {strides = array<i32>} : memref<16xf32, #tpu.memory_space<vmem>>, vector<16xf32>,
    tpu.vector_store %arg7[%swap3A], %add3A_636 {strides = array<i32>} : memref<16xf32, #tpu.memory_space<vmem>>, vector<16xf32>,
    "tpu.region"() ({
      %run_scoped3A = tpu.sem_alloc : memref<!tpu.dma_semaphore, #tpu.memory_space<semaphore_mem>>
      %dma_start3A = arith.constant 0 : i32
      %dma_start3A_639 = tpu.memref_slice %arg4[%add3A, %dma_start3A] : memref<32x16xf32, #tpu.memory_space<hbm>> -> memref<1x16xf32, #tpu.memory_space<hbm>>
      %dma_start3A_640 = tpu.memref_squeeze %dma_start3A_639 : memref<1x16xf32, #tpu.memory_space<hbm>> -> memref<16xf32, #tpu.memory_space<hbm>>
      %dma_start3A_641 = arith.constant 0 : i32
      %dma_start3A_642 = tpu.memref_slice %arg4[%add3A, %dma_start3A_641] : memref<32x16xf32, #tpu.memory_space<hbm>> -> memref<1x16xf32, #tpu.memory_space<hbm>>
      %dma_start3A_643 = tpu.memref_squeeze %dma_start3A_642 : memref<1x16xf32, #tpu.memory_space<hbm>> -> memref<16xf32, #tpu.memory_space<hbm>>
      tpu.enqueue_dma source(%arg7 : memref<16xf32, #tpu.memory_space<vmem>>) target(%dma_start3A_643 : memref<16xf32, #tpu.memory_space<hbm>>) target_semaphore(%run_scoped3A : memref<!tpu.dma_semaphore, #tpu.memory_space<semaphore_mem>>)
      %dma_wait3A = arith.constant 0 : i32
      %dma_wait3A_644 = tpu.memref_slice %arg4[%add3A, %dma_wait3A] : memref<32x16xf32, #tpu.memory_space<hbm>> -> memref<1x16xf32, #tpu.memory_space<hbm>>
      %dma_wait3A_645 = tpu.memref_squeeze %dma_wait3A_644 : memref<1x16xf32, #tpu.memory_space<hbm>> -> memref<16xf32, #tpu.memory_space<hbm>>
      %dma_wait3A_646 = arith.constant 0 : i32
      %dma_wait3A_647 = tpu.memref_slice %arg4[%add3A, %dma_wait3A_646] : memref<32x16xf32, #tpu.memory_space<hbm>> -> memref<1x16xf32, #tpu.memory_space<hbm>>
      %dma_wait3A_648 = tpu.memref_squeeze %dma_wait3A_647 : memref<1x16xf32, #tpu.memory_space<hbm>> -> memref<16xf32, #tpu.memory_space<hbm>>
      tpu.wait_dma2 semaphore(%run_scoped3A : memref<!tpu.dma_semaphore, #tpu.memory_space<semaphore_mem>>) src(%arg7 : memref<16xf32, #tpu.memory_space<vmem>>) dst(%dma_wait3A_648 : memref<16xf32, #tpu.memory_space<hbm>>)
      tpu.yield
    }) : () -> ()
    return
  }
}

module attributes {stable_mosaic.version = 14 : i64} {
  func.func @_reduce_body(%arg0: memref<32x16xf32, #tpu.memory_space<vmem>>, %arg1: memref<1x1xf32, #tpu.memory_space<smem>>) attributes {dimension_semantics = [], scalar_prefetch = 0 : i64, scratch_operands = 0 : i64, tpu.core_type = #tpu.core_type<tc>} {
    %get3A = arith.constant 0 : index
    %get3A_0 = arith.constant 0 : index
    %get3A_1 = vector.load %arg0[%get3A, %get3A_0] : memref<32x16xf32, #tpu.memory_space<vmem>>, vector<32x16xf32>
    %reduce_sum3A = vector.shape_cast %get3A_1 : vector<32x16xf32> to vector<1x32x16xf32>
    %reduce_sum3A_2 = arith.constant dense<0.000000e+00> : vector<1xf32>
    %reduce_sum3A_3 = vector.multi_reduction <add>, %reduce_sum3A, %reduce_sum3A_2 [1, 2] : vector<1x32x16xf32> to vector<1xf32>
    %reduce_sum3A_4 = vector.shape_cast %reduce_sum3A_3 : vector<1xf32> to vector<1x1x1xf32>
    %reduce_sum3A_5 = vector.extract %reduce_sum3A_4[0, 0, 0] : f32 from vector<1x1x1xf32>
    %mul3A = arith.constant 5.000000e-01 : f32
    %mul3A_6 = arith.mulf %mul3A, %reduce_sum3A_5 : f32
    %swap3A = arith.constant 0 : index
    %swap3A_7 = arith.constant 0 : index
    %swap3A_8 = memref.load %arg1[%swap3A, %swap3A_7] : memref<1x1xf32, #tpu.memory_space<smem>>
    memref.store %mul3A_6, %arg1[%swap3A, %swap3A_7] : memref<1x1xf32, #tpu.memory_space<smem>>
    return
  }
}

</mosaic_0001>

<sc_bundles>
// kernel: kernel.4.cloned.1.call-start
scs
__scs_entry_jumppad:
0x0: {  	(pc) =	sbr.rel $0x88, $3  }
0x1: {  	(tag) =	ssettag $0x0;
	lr =	simm.s32 $0x1  }
0x2: {  	[smem:$0x3F9F] =	sst lr;
	_ =	strace $0xD0000000  }
0x3: {  	_ = 	snop  }
0x4: {  	_ = 	snop  }
0x5: {  	_ = 	snop  }
0x6: {  	_ = 	snop  }
0x7: {  	_ = 	snop  }
__scs_overlays_trampoline_lowered:
0x8: {  	[smem:$0x3FAE] =	sst s0  }
0x9: {  	[smem:$0x3FAF] =	sst s1  }
0xa: {  	[smem:$0x3FB0] =	sst s2  }
0xb: {  	[smem:$0x3FB1] =	sst s3  }
0xc: {  	[smem:$0x3FB2] =	sst s4  }
0xd: {  	[smem:$0x3FB3] =	sst s5  }
0xe: {  	[smem:$0x3FB4] =	sst s6  }
0xf: {  	[smem:$0x3FB5] =	sst s7  }
0x10: {  	[smem:$0x3FB6] =	sst s8  }
0x11: {  	[smem:$0x3FB7] =	sst s9;
	s0 =	simm.s32 @!p0 $0x0  }
0x12: {  	s1 =	sld [smem:$0x3F9D];
	s0 =	simm.s32 @p0 $0x1  }
0x13: {  	[smem:$0x3FB8] =	sst s0;
	s0 =	simm.s32 @!p1 $0x0  }
0x14: {  	s2 =	sld [smem:$0x3F9C];
	s0 =	simm.s32 @p1 $0x1  }
0x15: {  	[smem:$0x3FB9] =	sst s0;
	s0 =	simm.s32 @!p2 $0x0  }
0x16: {  	s3 =	sld [smem:$0x3FDB];
	s0 =	simm.s32 @p2 $0x1  }
0x17: {  	s4 =	simm.s32 $0x1BF5;
	[smem:$0x3FBB] =	sst s0  }
0x18: {  	s0 =	sld [smem:$0x3F9E];
	_ =	swait.ge [sflag:s4], $0x0  }
0x19: {  	s7 =	sld [smem:$0x3F9F]  }
0x1a: {  	s8 =	sadd.s32 $0xFFFFE003, lr  }
0x1b: {  	s9 =	sadd.s32 $0xFFFFFEF7, lr;
	s5 =	simm.s32 $0xFFFFFFFF;
	p2 =	slt.u32 s8, $0xFFFFF086  }
0x1c: {  	p1 =	slt.u32 s9, $0xF7A;
	s5 =	simm.s32 @!p2 $0x0  }
0x1d: {  	s5 =	simm.s32 @p1 $0x1;
	p0 =	seq.s32 s7, s2  }
0x1e: {  	s7 =	smul.u32 @!p0 $0xF7A, s2;
	p2 =	seq.s32 @!p0 s5, $0x0  }
0x1f: {  	s9 =	smul.u32 $0xF7A, s1;
	s8 =	simm.s32 @!p0 $0x1BF5;
	p2 =	por !p2, p0  }
0x20: {  	[sflag:s8] =	ssyncset.s32 @!p0 $0xFFFFF086;
	s6 =	sadd.s32 @!p0 s3, s7;
	s7 =	simm.s32 @!p0 $0x108  }
0x21: {  	s3 =	sadd.s32 s3, s9;
	s6 =	sadd.s32 @!p0 $0x88, s6;
	s7 =	simm.s32 @p2 $0x1082  }
0x22: {  	[simem:s7], [sflag:s8] =	dma.local @!p0 [hbm:s6], $0xF7A  }
0x23: {  	s9 =	sor.u32 $0xD0000000, s2;
	s6 =	simm.s32 $0x108;
	_ =	swait.ge @!p0 [sflag:s8], $0x0  }
0x24: {  	s3 =	sadd.s32 $0x88, s3;
	s6 =	simm.s32 @!p1 $0x1082;
	[sflag:s4] =	ssyncset.s32 $0xFFFFF086  }
0x25: {  	[simem:s6], [sflag:s4] =	dma.local [hbm:s3], $0xF7A  }
0x26: {  	[smem:$0x3F9F] =	sst s1;
	(tag) =	ssettag s2;
	_ =	strace s9  }
0x27: {  	s1 =	sld [smem:$0x3FAF]  }
0x28: {  	s2 =	sld [smem:$0x3FB0]  }
0x29: {  	s4 =	sld [smem:$0x3FB2]  }
0x2a: {  	p0 =	seq.s32 s5, $0x0;
	s5 =	sld [smem:$0x3FB3]  }
0x2b: {  	s6 =	sld [smem:$0x3FB4]  }
0x2c: {  	s7 =	sld [smem:$0x3FB5]  }
0x2d: {  	s3 =	simm.s32 $0x108;
	s8 =	sld [smem:$0x3FB6]  }
0x2e: {  	s3 =	simm.s32 @!p0 $0x1082;
	s9 =	sld [smem:$0x3FB7]  }
0x2f: {  	lr =	sadd.s32 s0, s3;
	s0 =	sld [smem:$0x3FAE]  }
0x30: {  	s3 =	sld [smem:$0x3FB1]  }
0x31: {  	[smem:$0x3FBA] =	sst s10  }
0x32: {  	s10 =	sld [smem:$0x3FB8];
	_ =	sdelay $0x3  }
0x33: {  	p0 =	seq.s32 s10, $0x1;
	s10 =	sld [smem:$0x3FBA];
	_ =	sdelay $0x3  }
0x34: {  	[smem:$0x3FBA] =	sst s10  }
0x35: {  	s10 =	sld [smem:$0x3FB9];
	_ =	sdelay $0x3  }
0x36: {  	p1 =	seq.s32 s10, $0x1;
	s10 =	sld [smem:$0x3FBA];
	_ =	sdelay $0x3  }
0x37: {  	[smem:$0x3FBA] =	sst s10  }
0x38: {  	s10 =	sld [smem:$0x3FBB]  }
0x39: {  	_ = 	snop;
	(pc) =	sbr.ind lr, $3  }
0x3a: {  	_ = 	snop  }
0x3b: {  	_ = 	snop  }
0x3c: {  	p2 =	seq.s32 s10, $0x1;
	s10 =	sld [smem:$0x3FBA]  }
0x3d: {  	_ =	shalt  }
0x3e: {  	_ =	shalt  }
0x3f: {  	_ =	shalt  }
0x40: {  	_ =	shalt  }
0x41: {  	_ =	shalt  }
0x42: {  	_ =	shalt  }
0x43: {  	_ =	shalt  }
0x44: {  	_ =	shalt  }
0x45: {  	_ =	shalt  }
0x46: {  	_ =	shalt  }
0x47: {  	_ =	shalt  }
0x48: {  	_ =	shalt  }
0x49: {  	_ =	shalt  }
0x4a: {  	_ =	shalt  }
0x4b: {  	_ =	shalt  }
0x4c: {  	_ =	shalt  }
0x4d: {  	_ =	shalt  }
0x4e: {  	_ =	shalt  }
0x4f: {  	_ =	shalt  }
0x50: {  	_ =	shalt  }
0x51: {  	_ =	shalt  }
0x52: {  	_ =	shalt  }
0x53: {  	_ =	shalt  }
0x54: {  	_ =	shalt  }
0x55: {  	_ =	shalt  }
0x56: {  	_ =	shalt  }
0x57: {  	_ =	shalt  }
0x58: {  	_ =	shalt  }
0x59: {  	_ =	shalt  }
0x5a: {  	_ =	shalt  }
0x5b: {  	_ =	shalt  }
0x5c: {  	_ =	shalt  }
0x5d: {  	_ =	shalt  }
0x5e: {  	_ =	shalt  }
0x5f: {  	_ =	shalt  }
0x60: {  	_ =	shalt  }
0x61: {  	_ =	shalt  }
0x62: {  	_ =	shalt  }
0x63: {  	_ =	shalt  }
0x64: {  	_ =	shalt  }
0x65: {  	_ =	shalt  }
0x66: {  	_ =	shalt  }
0x67: {  	_ =	shalt  }
0x68: {  	_ =	shalt  }
0x69: {  	_ =	shalt  }
0x6a: {  	_ =	shalt  }
0x6b: {  	_ =	shalt  }
0x6c: {  	_ =	shalt  }
0x6d: {  	_ =	shalt  }
0x6e: {  	_ =	shalt  }
0x6f: {  	_ =	shalt  }
0x70: {  	_ =	shalt  }
0x71: {  	_ =	shalt  }
0x72: {  	_ =	shalt  }
0x73: {  	_ =	shalt  }
0x74: {  	_ =	shalt  }
0x75: {  	_ =	shalt  }
0x76: {  	_ =	shalt  }
0x77: {  	_ =	shalt  }
0x78: {  	_ =	shalt  }
0x79: {  	_ =	shalt  }
0x7a: {  	_ =	shalt  }
0x7b: {  	_ =	shalt  }
0x7c: {  	_ =	shalt  }
0x7d: {  	_ =	shalt  }
0x7e: {  	_ =	shalt  }
0x7f: {  	_ =	shalt  }
0x80: {  	_ =	shalt  }
0x81: {  	_ =	shalt  }
0x82: {  	_ =	shalt  }
0x83: {  	_ =	shalt  }
0x84: {  	_ =	shalt  }
0x85: {  	_ =	shalt  }
0x86: {  	_ =	shalt  }
0x87: {  	_ =	shalt  }
.Lfunc_end0:
.L_simem_size_0:
called_computation_lowered:
.L_overlay_start_0:
0x88: {  	s2 =	sld [smem:$0x3FD9]  }
0x89: {  	s3 =	sld [smem:$0x3FFE];
	_ =	sdelay $0x1  }
0x8a: {  	s1 =	srdreg.scid  }
0x8b: {  	s0 =	sand.u32 $0x1, s1  }
0x8c: {  	s16 =	sshll.u32 s0, $0xA;
	s2 =	sadd.s32 s3, s2  }
0x8d: {  	s2 =	sadd.s32 s2, s16  }
0x8e: {  	[smem:$0x3FC6] =	sst s2  }
0x8f: {  	_ = 	snop  }
0x90: {  	(tm) =	ssettm $0x1  }
0x91: {  	s17 =	sld [smem:$0x3FFB];
	_ =	sdelay $0x3  }
0x92: {  	_ =	strace s17  }
0x93: {  	s2 =	sld [smem:$0x3FFC];
	_ =	sdelay $0x3  }
0x94: {  	_ =	strace s2  }
0x95: {  	s2 =	sld [smem:$0x3FFD];
	_ =	sdelay $0x3  }
0x96: {  	_ =	strace s2  }
0x97: {  	_ =	strace $0x8FFFFFFF  }
0x98: {  	s18 =	sld [smem:$0x3FDB];
	_ =	sdelay $0x1  }
0x99: {  	s19 =	simm.s32 $_scs_section_size  }
0x9a: {  	s4 =	simm.s32 $_size__tile_overlayer_lowered;
	s5 =	simm.s32 $_tile_overlayer_lowered  }
0x9b: {  	s22 =	simm.s32 $0x1BFF;
	s21 =	sshll.u32 s5, $0x1;
	s2 =	sadd.s32 s19, s18  }
0x9c: {  	s6 =	simm.s32 $0x0;
	s20 =	sshll.u32 s4, $0x1;
	s4 =	sadd.s32 s21, s2  }
0x9d: {  	[timem:s6], [sflag:s22] =	dma.local [hbm:s4], s20  }
0x9e: {  	_ =	swait.ge [sflag:s22], s20  }
0x9f: {  	s3 =	ssub.s32 $0x0, s20;
	[sflag:s22] =	ssyncset.done $0x0  }
0xa0: {  	[sflag:s22] =	ssyncadd.s32 s3;
	_ =	sdelay $0x1  }
0xa1: {  	s23 =	simm.s32 $0x1B8B  }
0xa2: {  	_ =	swait.ge [sflag:s23], $0x1  }
0xa3: {  	[sflag:s23] =	ssyncset.done $0x0  }
0xa4: {  	s25 =	simm.s32 $0x1B8E;
	s24 =	sld [smem:$0x3FFE];
	[sflag:s23] =	ssyncadd.s32 $0xFFFFFFFF  }
0xa5: {  	s26 =	simm.s32 $execute0_lowered;
	[smem:$0x3FD2] =	sst s25  }
0xa6: {  	s4 =	sshll.u32 s26, $0x1;
	_ =	strace $0x80000046;
	[dreg:$0x1] =	wrdreg $0xFFFFFFFF  }
0xa7: {  	s28 =	simm.s32 $_size_execute0_lowered;
	s2 =	sadd.s32 s2, s4;
	[dreg:$0x0] =	wrdreg $0x0  }
0xa8: {  	s4 =	sshll.u32 s28, $0x1;
	[dreg:$0x2] =	wrdreg s2  }
0xa9: {  	[dreg:$0x3] =	wrdreg s4  }
0xaa: {  	[dreg:$0x4] =	wrdreg $0xC0  }
0xab: {  	_ =	task [dreg:s6], $0x5FFFF  }
0xac: {  	[dreg:$0x1] =	wrdreg $0xFFFFFFFF  }
0xad: {  	[dreg:$0x0] =	wrdreg $0x60  }
0xae: {  	[dreg:$0x2] =	wrdreg s24  }
0xaf: {  	[dreg:$0x3] =	wrdreg $0x9  }
0xb0: {  	_ =	task.clear_ibuf [dreg:s6], $0x4FFFF;
	_ =	strace $0x90000046  }
0xb1: {  	s29 =	simm.s32 $0x9;
	_ =	strace $0x80000048  }
0xb2: {  	_ =	swait.ge [sflag:s29], $0x1  }
0xb3: {  	[sflag:s29] =	ssyncadd.s32 $0xFFFFFFFF  }
0xb4: {  	_ =	strace $0x90000048  }
0xb5: {  	_ =	sfence  }
0xb6: {  	s30 =	sld [smem:$0x0];
	_ =	sdelay $0x2  }
0xb7: {  	s31 =	sshll.u32 s1, $0xD;
	s1 =	sshrl.u32 s1, $0x2  }
0xb8: {  	s3 =	sand.u32 $0x4000, s31;
	s1 =	sadd.s32 s1, s30  }
0xb9: {  	s0 =	sor.u32 s3, s0;
	s1 =	sshll.u32 s1, $0x11  }
0xba: {  	s0 =	sor.u32 s1, s0  }
0xbb: {  	s0 =	sadd.s32 $0x8F2B, s0  }
0xbc: {  	[sflag:s0] =	ssyncadd.remote.s32 $0x1  }
0xbd: {  	_ =	sfence.sel $0xFFFF  }
0xbe: {  	[dreg:$0x0] =	wrdreg $0xFFFFFFFF;
	(pc) =	sbr.abs _section_cstart, $3  }
0xbf: {  	[dreg:$0x1] =	wrdreg $0xFFFFFFFF  }
0xc0: {  	_ =	task.clear_ibuf [dreg:s6], $0x2FFFF;
	_ =	strace $0x9FFFFFFF  }
0xc1: {  	(tm) =	ssettm $0x7FFFFFFF  }
tec
execute0_lowered:
.L_overlay_start_1:
0x0: {  	(tag) =	ssettag $0x1  }
0x1: {  	v0 =	vimm.s32 $0x27B0;
	vm6 =	vcmask $0x300  }
0x2: {  	vm5 =	vcmask $0x704;
	v0 =	vsel vm6, $0x2381, v0  }
0x3: {  	vm4 =	vcmask $0xB08;
	v0 =	vsel vm5, $0x239A, v0  }
0x4: {  	vm3 =	vcmask $0xF0C;
	v0 =	vsel vm4, $0x23B3, v0  }
0x5: {  	vm2 =	vcmask $0x1310;
	v0 =	vsel vm3, $0x23CC, v0  }
0x6: {  	vm1 =	vcmask $0x1714;
	v0 =	vsel vm2, $0x23E5, v0  }
0x7: {  	vm0 =	vcmask $0x1B18;
	v2 =	vsel vm1, $0x23FE, v0  }
0x8: {  	v2 =	vsel vm0, $0x2797, v2  }
0x9: {  	[tilespmem:$0x1FD10] =	vst v2;
	v2 =	vimm.s32 $0x27C5  }
0xa: {  	v3 =	vimm.s32 $0x27C6;
	v2 =	vsel vm6, $0x2396, v2  }
0xb: {  	v4 =	vimm.s32 $0x27C7;
	v3 =	vsel vm6, $0x2397, v3;
	v2 =	vsel vm5, $0x23AF, v2  }
0xc: {  	v4 =	vsel vm6, $0x2398, v4;
	v3 =	vsel vm5, $0x23B0, v3;
	v2 =	vsel vm4, $0x23C8, v2  }
0xd: {  	v4 =	vsel vm5, $0x23B1, v4;
	v3 =	vsel vm4, $0x23C9, v3;
	v2 =	vsel vm3, $0x23E1, v2  }
0xe: {  	v4 =	vsel vm4, $0x23CA, v4;
	v3 =	vsel vm3, $0x23E2, v3;
	v2 =	vsel vm2, $0x23FA, v2  }
0xf: {  	v4 =	vsel vm3, $0x23E3, v4;
	v3 =	vsel vm2, $0x23FB, v3;
	v2 =	vsel vm1, $0x2793, v2  }
0x10: {  	v4 =	vsel vm2, $0x23FC, v4;
	v3 =	vsel vm1, $0x2794, v3;
	v2 =	vsel vm0, $0x27AC, v2  }
0x11: {  	v4 =	vsel vm1, $0x2795, v4;
	[tilespmem:$0x1FD20] =	vst v2;
	v2 =	vsel vm0, $0x27AD, v3  }
0x12: {  	[tilespmem:$0x1FD30] =	vst v2;
	v2 =	vsel vm0, $0x27AE, v4  }
0x13: {  	[tilespmem:$0x1FD40] =	vst v2;
	v2 =	vimm.s32 $0x27C8  }
0x14: {  	v3 =	vimm.s32 $0x2FB6;
	v2 =	vsel vm6, $0x2399, v2  }
0x15: {  	v47 =	vimm.s32 $0x2FB7;
	v3 =	vsel vm6, $0x2BFE, v3;
	v2 =	vsel vm5, $0x23B2, v2  }
0x16: {  	v4 =	vsel vm6, $0x2BFF, v47;
	v3 =	vsel vm5, $0x2F86, v3;
	v2 =	vsel vm4, $0x23CB, v2  }
0x17: {  	v4 =	vsel vm5, $0x2F87, v4;
	v3 =	vsel vm4, $0x2F8E, v3;
	v2 =	vsel vm3, $0x23E4, v2  }
0x18: {  	v4 =	vsel vm4, $0x2F8F, v4;
	v3 =	vsel vm3, $0x2F96, v3;
	v2 =	vsel vm2, $0x23FD, v2  }
0x19: {  	v4 =	vsel vm3, $0x2F97, v4;
	v3 =	vsel vm2, $0x2F9E, v3;
	v2 =	vsel vm1, $0x2796, v2  }
0x1a: {  	v4 =	vsel vm2, $0x2F9F, v4;
	v3 =	vsel vm1, $0x2FA6, v3;
	v2 =	vsel vm0, $0x27AF, v2  }
0x1b: {  	v4 =	vsel vm1, $0x2FA7, v4;
	[tilespmem:$0x1FD50] =	vst v2;
	v2 =	vsel vm0, $0x2FAE, v3  }
0x1c: {  	[tilespmem:$0x1FD60] =	vst v2;
	v2 =	vsel vm0, $0x2FAF, v4  }
0x1d: {  	[tilespmem:$0x1FD70] =	vst v2;
	v2 =	vimm.s32 $0x2FB8  }
0x1e: {  	v3 =	vimm.s32 $0x2FB9;
	v2 =	vsel vm6, $0x2F80, v2  }
0x1f: {  	v48 =	vimm.s32 $0x2FBA;
	v3 =	vsel vm6, $0x2F81, v3;
	v2 =	vsel vm5, $0x2F88, v2  }
0x20: {  	v4 =	vsel vm6, $0x2F82, v48;
	v3 =	vsel vm5, $0x2F89, v3;
	v2 =	vsel vm4, $0x2F90, v2  }
0x21: {  	v4 =	vsel vm5, $0x2F8A, v4;
	v3 =	vsel vm4, $0x2F91, v3;
	v2 =	vsel vm3, $0x2F98, v2  }
0x22: {  	v4 =	vsel vm4, $0x2F92, v4;
	v3 =	vsel vm3, $0x2F99, v3;
	v2 =	vsel vm2, $0x2FA0, v2  }
0x23: {  	v4 =	vsel vm3, $0x2F9A, v4;
	v3 =	vsel vm2, $0x2FA1, v3;
	v2 =	vsel vm1, $0x2FA8, v2  }
0x24: {  	v4 =	vsel vm2, $0x2FA2, v4;
	v3 =	vsel vm1, $0x2FA9, v3;
	v2 =	vsel vm0, $0x2FB0, v2  }
0x25: {  	v4 =	vsel vm1, $0x2FAA, v4;
	[tilespmem:$0x1FD80] =	vst v2;
	v2 =	vsel vm0, $0x2FB1, v3  }
0x26: {  	[tilespmem:$0x1FD90] =	vst v2;
	v2 =	vsel vm0, $0x2FB2, v4  }
0x27: {  	[tilespmem:$0x1FDA0] =	vst v2;
	v2 =	vimm.s32 $0x2FBB  }
0x28: {  	v3 =	vimm.s32 $0x2FBC;
	v2 =	vsel vm6, $0x2F83, v2  }
0x29: {  	v49 =	vimm.s32 $0x2FBD;
	v3 =	vsel vm6, $0x2F84, v3;
	v2 =	vsel vm5, $0x2F8B, v2  }
0x2a: {  	v4 =	vsel vm6, $0x2F85, v49;
	v3 =	vsel vm5, $0x2F8C, v3;
	v2 =	vsel vm4, $0x2F93, v2  }
0x2b: {  	v4 =	vsel vm5, $0x2F8D, v4;
	v3 =	vsel vm4, $0x2F94, v3;
	v2 =	vsel vm3, $0x2F9B, v2  }
0x2c: {  	v4 =	vsel vm4, $0x2F95, v4;
	v3 =	vsel vm3, $0x2F9C, v3;
	v2 =	vsel vm2, $0x2FA3, v2  }
0x2d: {  	v4 =	vsel vm3, $0x2F9D, v4;
	v3 =	vsel vm2, $0x2FA4, v3;
	v2 =	vsel vm1, $0x2FAB, v2  }
0x2e: {  	v4 =	vsel vm2, $0x2FA5, v4;
	v3 =	vsel vm1, $0x2FAC, v3;
	v2 =	vsel vm0, $0x2FB3, v2  }
0x2f: {  	v4 =	vsel vm1, $0x2FAD, v4;
	[tilespmem:$0x1FDB0] =	vst v2;
	v2 =	vsel vm0, $0x2FB4, v3  }
0x30: {  	[tilespmem:$0x1FDC0] =	vst v2;
	v2 =	vsel vm0, $0x2FB5, v4  }
0x31: {  	[tilespmem:$0x1FDD0] =	vst v2;
	v2 =	vimm.s32 $0x23B4  }
0x32: {  	v3 =	vimm.s32 $0x23B5;
	v2 =	vsel vm6, $0x23A6, v2  }
0x33: {  	v50 =	vimm.s32 $0x27B1;
	v3 =	vsel vm6, $0x23A7, v3;
	v2 =	vsel vm5, $0x23A8, v2  }
0x34: {  	v4 =	vsel vm6, $0x2382, v50;
	v3 =	vsel vm5, $0x23A9, v3;
	v2 =	vsel vm4, $0x23AA, v2  }
0x35: {  	v4 =	vsel vm5, $0x239B, v4;
	v3 =	vsel vm4, $0x23AB, v3;
	v2 =	vsel vm3, $0x23AC, v2  }
0x36: {  	v4 =	vsel vm4, $0x23B4, v4;
	v3 =	vsel vm3, $0x23AD, v3;
	v2 =	vsel vm2, $0x23AE, v2  }
0x37: {  	v4 =	vsel vm3, $0x23CD, v4;
	v3 =	vsel vm2, $0x23AF, v3;
	v2 =	vsel vm1, $0x23B0, v2  }
0x38: {  	v4 =	vsel vm2, $0x23E6, v4;
	v3 =	vsel vm1, $0x23B1, v3;
	v2 =	vsel vm0, $0x23B2, v2  }
0x39: {  	v4 =	vsel vm1, $0x23FF, v4;
	[tilespmem:$0x1FDE0] =	vst v2;
	v2 =	vsel vm0, $0x23B3, v3  }
0x3a: {  	[tilespmem:$0x1FDF0] =	vst v2;
	v2 =	vsel vm0, $0x2798, v4  }
0x3b: {  	[tilespmem:$0x1FE00] =	vst v2;
	v2 =	vimm.s32 $0x1FC0  }
0x3c: {  	v3 =	vimm.s32 $0x27B2;
	v2 =	vsel vm6, $0x1BB4, v2  }
0x3d: {  	v51 =	vimm.s32 $0x1FC1;
	v3 =	vsel vm6, $0x2383, v3;
	v2 =	vsel vm5, $0x1BC8, v2  }
0x3e: {  	v4 =	vsel vm6, $0x1BB5, v51;
	v3 =	vsel vm5, $0x239C, v3;
	v2 =	vsel vm4, $0x1BDC, v2  }
0x3f: {  	v4 =	vsel vm5, $0x1BC9, v4;
	v3 =	vsel vm4, $0x23B5, v3;
	v2 =	vsel vm3, $0x1BF0, v2  }
0x40: {  	v4 =	vsel vm4, $0x1BDD, v4;
	v3 =	vsel vm3, $0x23CE, v3;
	v2 =	vsel vm2, $0x1F84, v2  }
0x41: {  	v4 =	vsel vm3, $0x1BF1, v4;
	v3 =	vsel vm2, $0x23E7, v3;
	v2 =	vsel vm1, $0x1F98, v2  }
0x42: {  	v4 =	vsel vm2, $0x1F85, v4;
	v3 =	vsel vm1, $0x2780, v3;
	v2 =	vsel vm0, $0x1FAC, v2  }
0x43: {  	v4 =	vsel vm1, $0x1F99, v4;
	[tilespmem:$0x1FE10] =	vst v2;
	v2 =	vsel vm0, $0x2799, v3  }
0x44: {  	[tilespmem:$0x1FE20] =	vst v2;
	v2 =	vsel vm0, $0x1FAD, v4  }
0x45: {  	[tilespmem:$0x1FE30] =	vst v2;
	v2 =	vimm.s32 $0x27B3  }
0x46: {  	v3 =	vimm.s32 $0x1FC2;
	v2 =	vsel vm6, $0x2384, v2  }
0x47: {  	v52 =	vimm.s32 $0x27B4;
	v3 =	vsel vm6, $0x1BB6, v3;
	v2 =	vsel vm5, $0x239D, v2  }
0x48: {  	v4 =	vsel vm6, $0x2385, v52;
	v3 =	vsel vm5, $0x1BCA, v3;
	v2 =	vsel vm4, $0x23B6, v2  }
0x49: {  	v4 =	vsel vm5, $0x239E, v4;
	v3 =	vsel vm4, $0x1BDE, v3;
	v2 =	vsel vm3, $0x23CF, v2  }
0x4a: {  	v4 =	vsel vm4, $0x23B7, v4;
	v3 =	vsel vm3, $0x1BF2, v3;
	v2 =	vsel vm2, $0x23E8, v2  }
0x4b: {  	v4 =	vsel vm3, $0x23D0, v4;
	v3 =	vsel vm2, $0x1F86, v3;
	v2 =	vsel vm1, $0x2781, v2  }
0x4c: {  	v4 =	vsel vm2, $0x23E9, v4;
	v3 =	vsel vm1, $0x1F9A, v3;
	v2 =	vsel vm0, $0x279A, v2  }
0x4d: {  	v4 =	vsel vm1, $0x2782, v4;
	[tilespmem:$0x1FE40] =	vst v2;
	v2 =	vsel vm0, $0x1FAE, v3  }
0x4e: {  	[tilespmem:$0x1FE50] =	vst v2;
	v2 =	vsel vm0, $0x279B, v4  }
0x4f: {  	[tilespmem:$0x1FE60] =	vst v2;
	v2 =	vimm.s32 $0x1FC3  }
0x50: {  	v3 =	vimm.s32 $0x27B5;
	v2 =	vsel vm6, $0x1BB7, v2  }
0x51: {  	v53 =	vimm.s32 $0x1FC4;
	v3 =	vsel vm6, $0x2386, v3;
	v2 =	vsel vm5, $0x1BCB, v2  }
0x52: {  	v4 =	vsel vm6, $0x1BB8, v53;
	v3 =	vsel vm5, $0x239F, v3;
	v2 =	vsel vm4, $0x1BDF, v2  }
0x53: {  	v4 =	vsel vm5, $0x1BCC, v4;
	v3 =	vsel vm4, $0x23B8, v3;
	v2 =	vsel vm3, $0x1BF3, v2  }
0x54: {  	v4 =	vsel vm4, $0x1BE0, v4;
	v3 =	vsel vm3, $0x23D1, v3;
	v2 =	vsel vm2, $0x1F87, v2  }
0x55: {  	v4 =	vsel vm3, $0x1BF4, v4;
	v3 =	vsel vm2, $0x23EA, v3;
	v2 =	vsel vm1, $0x1F9B, v2  }
0x56: {  	v4 =	vsel vm2, $0x1F88, v4;
	v3 =	vsel vm1, $0x2783, v3;
	v2 =	vsel vm0, $0x1FAF, v2  }
0x57: {  	v4 =	vsel vm1, $0x1F9C, v4;
	[tilespmem:$0x1FE70] =	vst v2;
	v2 =	vsel vm0, $0x279C, v3  }
0x58: {  	[tilespmem:$0x1FE80] =	vst v2;
	v2 =	vsel vm0, $0x1FB0, v4  }
0x59: {  	[tilespmem:$0x1FE90] =	vst v2;
	v2 =	vimm.s32 $0x27B6  }
0x5a: {  	v3 =	vimm.s32 $0x1FC5;
	v2 =	vsel vm6, $0x2387, v2  }
0x5b: {  	v54 =	vimm.s32 $0x27B7;
	v3 =	vsel vm6, $0x1BB9, v3;
	v2 =	vsel vm5, $0x23A0, v2  }
0x5c: {  	v4 =	vsel vm6, $0x2388, v54;
	v3 =	vsel vm5, $0x1BCD, v3;
	v2 =	vsel vm4, $0x23B9, v2  }
0x5d: {  	v4 =	vsel vm5, $0x23A1, v4;
	v3 =	vsel vm4, $0x1BE1, v3;
	v2 =	vsel vm3, $0x23D2, v2  }
0x5e: {  	v4 =	vsel vm4, $0x23BA, v4;
	v3 =	vsel vm3, $0x1BF5, v3;
	v2 =	vsel vm2, $0x23EB, v2  }
0x5f: {  	v4 =	vsel vm3, $0x23D3, v4;
	v3 =	vsel vm2, $0x1F89, v3;
	v2 =	vsel vm1, $0x2784, v2  }
0x60: {  	v4 =	vsel vm2, $0x23EC, v4;
	v3 =	vsel vm1, $0x1F9D, v3;
	v2 =	vsel vm0, $0x279D, v2  }
0x61: {  	v4 =	vsel vm1, $0x2785, v4;
	[tilespmem:$0x1FEA0] =	vst v2;
	v2 =	vsel vm0, $0x1FB1, v3  }
0x62: {  	[tilespmem:$0x1FEB0] =	vst v2;
	v2 =	vsel vm0, $0x279E, v4  }
0x63: {  	[tilespmem:$0x1FEC0] =	vst v2;
	v2 =	vimm.s32 $0x1FC6  }
0x64: {  	v3 =	vimm.s32 $0x27B8;
	v2 =	vsel vm6, $0x1BBA, v2  }
0x65: {  	v55 =	vimm.s32 $0x1FC7;
	v3 =	vsel vm6, $0x2389, v3;
	v2 =	vsel vm5, $0x1BCE, v2  }
0x66: {  	v4 =	vsel vm6, $0x1BBB, v55;
	v3 =	vsel vm5, $0x23A2, v3;
	v2 =	vsel vm4, $0x1BE2, v2  }
0x67: {  	v4 =	vsel vm5, $0x1BCF, v4;
	v3 =	vsel vm4, $0x23BB, v3;
	v2 =	vsel vm3, $0x1BF6, v2  }
0x68: {  	v4 =	vsel vm4, $0x1BE3, v4;
	v3 =	vsel vm3, $0x23D4, v3;
	v2 =	vsel vm2, $0x1F8A, v2  }
0x69: {  	v4 =	vsel vm3, $0x1BF7, v4;
	v3 =	vsel vm2, $0x23ED, v3;
	v2 =	vsel vm1, $0x1F9E, v2  }
0x6a: {  	v4 =	vsel vm2, $0x1F8B, v4;
	v3 =	vsel vm1, $0x2786, v3;
	v2 =	vsel vm0, $0x1FB2, v2  }
0x6b: {  	v4 =	vsel vm1, $0x1F9F, v4;
	[tilespmem:$0x1FED0] =	vst v2;
	v2 =	vsel vm0, $0x279F, v3  }
0x6c: {  	[tilespmem:$0x1FEE0] =	vst v2;
	v2 =	vsel vm0, $0x1FB3, v4  }
0x6d: {  	[tilespmem:$0x1FEF0] =	vst v2;
	v2 =	vimm.s32 $0x27B9  }
0x6e: {  	v3 =	vimm.s32 $0x1FC8;
	v2 =	vsel vm6, $0x238A, v2  }
0x6f: {  	v56 =	vimm.s32 $0x27BA;
	v3 =	vsel vm6, $0x1BBC, v3;
	v2 =	vsel vm5, $0x23A3, v2  }
0x70: {  	v4 =	vsel vm6, $0x238B, v56;
	v3 =	vsel vm5, $0x1BD0, v3;
	v2 =	vsel vm4, $0x23BC, v2  }
0x71: {  	v4 =	vsel vm5, $0x23A4, v4;
	v3 =	vsel vm4, $0x1BE4, v3;
	v2 =	vsel vm3, $0x23D5, v2  }
0x72: {  	v4 =	vsel vm4, $0x23BD, v4;
	v3 =	vsel vm3, $0x1BF8, v3;
	v2 =	vsel vm2, $0x23EE, v2  }
0x73: {  	v4 =	vsel vm3, $0x23D6, v4;
	v3 =	vsel vm2, $0x1F8C, v3;
	v2 =	vsel vm1, $0x2787, v2  }
0x74: {  	v4 =	vsel vm2, $0x23EF, v4;
	v3 =	vsel vm1, $0x1FA0, v3;
	v2 =	vsel vm0, $0x27A0, v2  }
0x75: {  	v4 =	vsel vm1, $0x2788, v4;
	[tilespmem:$0x1FF00] =	vst v2;
	v2 =	vsel vm0, $0x1FB4, v3  }
0x76: {  	[tilespmem:$0x1FF10] =	vst v2;
	v2 =	vsel vm0, $0x27A1, v4  }
0x77: {  	[tilespmem:$0x1FF20] =	vst v2;
	v2 =	vimm.s32 $0x1FC9  }
0x78: {  	v3 =	vimm.s32 $0x27BB;
	v2 =	vsel vm6, $0x1BBD, v2  }
0x79: {  	v57 =	vimm.s32 $0x1FCA;
	v3 =	vsel vm6, $0x238C, v3;
	v2 =	vsel vm5, $0x1BD1, v2  }
0x7a: {  	v4 =	vsel vm6, $0x1BBE, v57;
	v3 =	vsel vm5, $0x23A5, v3;
	v2 =	vsel vm4, $0x1BE5, v2  }
0x7b: {  	v4 =	vsel vm5, $0x1BD2, v4;
	v3 =	vsel vm4, $0x23BE, v3;
	v2 =	vsel vm3, $0x1BF9, v2  }
0x7c: {  	v4 =	vsel vm4, $0x1BE6, v4;
	v3 =	vsel vm3, $0x23D7, v3;
	v2 =	vsel vm2, $0x1F8D, v2  }
0x7d: {  	v4 =	vsel vm3, $0x1BFA, v4;
	v3 =	vsel vm2, $0x23F0, v3;
	v2 =	vsel vm1, $0x1FA1, v2  }
0x7e: {  	v4 =	vsel vm2, $0x1F8E, v4;
	v3 =	vsel vm1, $0x2789, v3;
	v2 =	vsel vm0, $0x1FB5, v2  }
0x7f: {  	v4 =	vsel vm1, $0x1FA2, v4;
	[tilespmem:$0x1FF30] =	vst v2;
	v2 =	vsel vm0, $0x27A2, v3  }
0x80: {  	[tilespmem:$0x1FF40] =	vst v2;
	v2 =	vsel vm0, $0x1FB6, v4  }
0x81: {  	[tilespmem:$0x1FF50] =	vst v2;
	v2 =	vimm.s32 $0x27BC  }
0x82: {  	v3 =	vimm.s32 $0x1FCB;
	v2 =	vsel vm6, $0x238D, v2  }
0x83: {  	v58 =	vimm.s32 $0x27BD;
	v3 =	vsel vm6, $0x1BBF, v3;
	v2 =	vsel vm5, $0x23A6, v2  }
0x84: {  	v4 =	vsel vm6, $0x238E, v58;
	v3 =	vsel vm5, $0x1BD3, v3;
	v2 =	vsel vm4, $0x23BF, v2  }
0x85: {  	v4 =	vsel vm5, $0x23A7, v4;
	v3 =	vsel vm4, $0x1BE7, v3;
	v2 =	vsel vm3, $0x23D8, v2  }
0x86: {  	v4 =	vsel vm4, $0x23C0, v4;
	v3 =	vsel vm3, $0x1BFB, v3;
	v2 =	vsel vm2, $0x23F1, v2  }
0x87: {  	v4 =	vsel vm3, $0x23D9, v4;
	v3 =	vsel vm2, $0x1F8F, v3;
	v2 =	vsel vm1, $0x278A, v2  }
0x88: {  	v4 =	vsel vm2, $0x23F2, v4;
	v3 =	vsel vm1, $0x1FA3, v3;
	v2 =	vsel vm0, $0x27A3, v2  }
0x89: {  	v4 =	vsel vm1, $0x278B, v4;
	[tilespmem:$0x1FF60] =	vst v2;
	v2 =	vsel vm0, $0x1FB7, v3  }
0x8a: {  	[tilespmem:$0x1FF70] =	vst v2;
	v2 =	vsel vm0, $0x27A4, v4  }
0x8b: {  	[tilespmem:$0x1FF80] =	vst v2;
	v2 =	vimm.s32 $0x1FCC  }
0x8c: {  	v3 =	vimm.s32 $0x27BE;
	v2 =	vsel vm6, $0x1BC0, v2  }
0x8d: {  	v59 =	vimm.s32 $0x1FCD;
	v3 =	vsel vm6, $0x238F, v3;
	v2 =	vsel vm5, $0x1BD4, v2  }
0x8e: {  	v4 =	vsel vm6, $0x1BC1, v59;
	v3 =	vsel vm5, $0x23A8, v3;
	v2 =	vsel vm4, $0x1BE8, v2  }
0x8f: {  	v4 =	vsel vm5, $0x1BD5, v4;
	v3 =	vsel vm4, $0x23C1, v3;
	v2 =	vsel vm3, $0x1BFC, v2  }
0x90: {  	v4 =	vsel vm4, $0x1BE9, v4;
	v3 =	vsel vm3, $0x23DA, v3;
	v2 =	vsel vm2, $0x1F90, v2  }
0x91: {  	v4 =	vsel vm3, $0x1BFD, v4;
	v3 =	vsel vm2, $0x23F3, v3;
	v2 =	vsel vm1, $0x1FA4, v2  }
0x92: {  	v4 =	vsel vm2, $0x1F91, v4;
	v3 =	vsel vm1, $0x278C, v3;
	v2 =	vsel vm0, $0x1FB8, v2  }
0x93: {  	v4 =	vsel vm1, $0x1FA5, v4;
	[tilespmem:$0x1FF90] =	vst v2;
	v2 =	vsel vm0, $0x27A5, v3  }
0x94: {  	[tilespmem:$0x1FFA0] =	vst v2;
	v2 =	vsel vm0, $0x1FB9, v4  }
0x95: {  	v1 =	vimm.s32 $0x0;
	[tilespmem:$0x1FFB0] =	vst v2;
	v2 =	vimm.s32 $0x27BF  }
0x96: {  	v60 =	vimm.s32 $0x27C0;
	v3 =	vimm.s32 $0x1FCE;
	v2 =	vsel vm6, $0x2390, v2  }
0x97: {  	v61 =	vimm.s32 $0x1FD0;
	v3 =	vsel vm6, $0x1BC2, v3;
	v2 =	vsel vm5, $0x23A9, v2  }
0x98: {  	v4 =	vsel vm6, $0x2391, v60;
	v3 =	vsel vm5, $0x1BD6, v3;
	v2 =	vsel vm4, $0x23C2, v2  }
0x99: {  	v4 =	vsel vm5, $0x23AA, v4;
	v3 =	vsel vm4, $0x1BEA, v3;
	v2 =	vsel vm3, $0x23DB, v2  }
0x9a: {  	v4 =	vsel vm4, $0x23C3, v4;
	v3 =	vsel vm3, $0x1BFE, v3;
	v2 =	vsel vm2, $0x23F4, v2  }
0x9b: {  	v4 =	vsel vm3, $0x23DC, v4;
	v3 =	vsel vm2, $0x1F92, v3;
	v2 =	vsel vm1, $0x278D, v2  }
0x9c: {  	v4 =	vsel vm2, $0x23F5, v4;
	v3 =	vsel vm1, $0x1FA6, v3;
	v2 =	vsel vm0, $0x27A6, v2  }
0x9d: {  	v62 =	vimm.s32 $0x27C3;
	v4 =	vsel vm1, $0x278E, v4;
	[tilespmem:$0x1FFC0] =	vst v2;
	v2 =	vsel vm0, $0x1FBA, v3  }
0x9e: {  	v63 =	vimm.s32 $0x1FD3;
	v3 =	vimm.s32 $0x27C1;
	[tilespmem:$0x1FFD0] =	vst v2;
	v2 =	vsel vm0, $0x27A7, v4  }
0x9f: {  	v0 =	vlaneseq.u32;
	v3 =	vsel vm6, $0x2392, v3;
	[tilespmem:$0x1FFE0] =	vst v2;
	v2 =	vimm.s32 $0x1FCF  }
0xa0: {  	v4 =	vsel vm6, $0x1BC4, v61;
	v3 =	vsel vm5, $0x23AB, v3;
	v2 =	vsel vm6, $0x1BC3, v2  }
0xa1: {  	v4 =	vsel vm5, $0x1BD8, v4;
	v3 =	vsel vm4, $0x23C4, v3;
	v2 =	vsel vm5, $0x1BD7, v2  }
0xa2: {  	v4 =	vsel vm4, $0x1BEC, v4;
	v3 =	vsel vm3, $0x23DD, v3;
	v2 =	vsel vm4, $0x1BEB, v2  }
0xa3: {  	v4 =	vsel vm3, $0x1F80, v4;
	v3 =	vsel vm2, $0x23F6, v3;
	v2 =	vsel vm3, $0x1BFF, v2  }
0xa4: {  	v4 =	vsel vm2, $0x1F94, v4;
	v3 =	vsel vm1, $0x278F, v3;
	v2 =	vsel vm2, $0x1F93, v2  }
0xa5: {  	v4 =	vsel vm1, $0x1FA8, v4;
	v49 =	vsel vm0, $0x27A8, v3;
	v2 =	vsel vm1, $0x1FA7, v2  }
0xa6: {  	v50 =	vsel vm0, $0x1FBC, v4;
	v3 =	vimm.s32 $0x1FD1;
	v2 =	vsel vm0, $0x1FBB, v2  }
0xa7: {  	v4 =	vsel vm6, $0x2394, v62;
	v3 =	vsel vm6, $0x1BC5, v3;
	[tilespmem:$0x1FFF0] =	vst v2;
	v2 =	vimm.s32 $0x27C2  }
0xa8: {  	v4 =	vsel vm5, $0x23AD, v4;
	v3 =	vsel vm5, $0x1BD9, v3;
	v2 =	vsel vm6, $0x2393, v2  }
0xa9: {  	v4 =	vsel vm4, $0x23C6, v4;
	v3 =	vsel vm4, $0x1BED, v3;
	v2 =	vsel vm5, $0x23AC, v2  }
0xaa: {  	v4 =	vsel vm3, $0x23DF, v4;
	v3 =	vsel vm3, $0x1F81, v3;
	v2 =	vsel vm4, $0x23C5, v2  }
0xab: {  	v4 =	vsel vm2, $0x23F8, v4;
	v3 =	vsel vm2, $0x1F95, v3;
	v2 =	vsel vm3, $0x23DE, v2  }
0xac: {  	s1 =	srdreg.scid;
	v4 =	vsel vm1, $0x2791, v4;
	v3 =	vsel vm1, $0x1FA9, v3;
	v2 =	vsel vm2, $0x23F7, v2  }
0xad: {  	s0 =	stileid.u32;
	s3 =	rddreg [dreg:$0x0];
	v53 =	vsel vm0, $0x27AA, v4;
	v52 =	vsel vm0, $0x1FBD, v3;
	v2 =	vsel vm1, $0x2790, v2  }
0xae: {  	s2 =	simm.s32 $0x0;
	s4 =	sand.u32 $0x1, s1;
	s5 =	sshll.u32 s0, $0x1;
	v3 =	vimm.s32 $0x27C4;
	v51 =	vsel vm0, $0x27A9, v2;
	v2 =	vimm.s32 $0x1FD2  }
0xaf: {  	s9 =	simm.s32 $0x5800;
	s10 =	simm.s32 $0x0;
	s5 =	sor.u32 s4, s5;
	v4 =	vsel vm6, $0x1BC7, v63;
	v3 =	vsel vm6, $0x2395, v3;
	v2 =	vsel vm6, $0x1BC6, v2  }
0xb0: {  	s1 =	rddreg [dreg:$0x1];
	s4 =	ssub.s32 $0x2, s4;
	s6 =	smul.u32 $0x600, s5;
	v4 =	vsel vm5, $0x1BDB, v4;
	v3 =	vsel vm5, $0x23AE, v3;
	v2 =	vsel vm5, $0x1BDA, v2  }
0xb1: {  	s7 =	smul.u32 $0x500, s5;
	s5 =	sshll.u32 s5, $0x4;
	s31 =	sshrl.u32 s4, $0x1;
	v4 =	vsel vm4, $0x1BEF, v4;
	v3 =	vsel vm4, $0x23C7, v3;
	v2 =	vsel vm4, $0x1BEE, v2  }
0xb2: {  	[smem:$0x7FF] =	sst s2;
	s5 =	sadd.s32 s5, s3;
	s8 =	ssub.s32 s4, s31;
	v4 =	vsel vm3, $0x1F83, v4;
	v3 =	vsel vm3, $0x23E0, v3;
	v2 =	vsel vm3, $0x1F82, v2  }
0xb3: {  	s6 =	sadd.s32 s6, s3;
	s7 =	sadd.s32 s7, s3;
	s5 =	sadd.s32 $0x16800, s5;
	v4 =	vsel vm2, $0x1F97, v4;
	v3 =	vsel vm2, $0x23F9, v3;
	v2 =	vsel vm2, $0x1F96, v2  }
0xb4: {  	s3 =	sadd.s32 $0xA800, s6;
	s4 =	sadd.s32 $0x800, s7;
	s6 =	smax.u32 s8, $0x1;
	v4 =	vsel vm1, $0x1FAB, v4;
	v3 =	vsel vm1, $0x2792, v3;
	v2 =	vsel vm1, $0x1FAA, v2  }
0xb5: {  	s7 =	simm.s32 $0x1;
	s8 =	simm.s32 $0x3000;
	_ =	strace $0x80000047;
	v56 =	vsel vm0, $0x1FBF, v4;
	v55 =	vsel vm0, $0x27AB, v3;
	v54 =	vsel vm0, $0x1FBE, v2  }
.LBB2_1:
0xb6: {  	[tilespmem:s2], [sflag:$0x1] =	stream.linear.gather [hbm4b:s3+s2], $0x3000, $0x38;
	[tilespmem:$0x5880] =	vst v63  }
0xb7: {  	_ =	swait.ge [sflag:s7], $0x3000  }
0xb8: {  	[sflag:s7] =	ssyncset.done $0x0  }
0xb9: {  	[sflag:s7] =	ssyncadd.s32 $0xFFFFD000  }
0xba: {  	[tilespmem:s8], [sflag:$0x1] =	stream.linear.gather [hbm4b:s4+s2], $0x2800, $0x38;
	[tilespmem:$0x5880] =	vst v63  }
0xbb: {  	_ =	swait.ge [sflag:s7], $0x2800  }
0xbc: {  	[sflag:s7] =	ssyncset.done $0x0  }
0xbd: {  	v57 =	vimm.f32 $0.0e+00;
	s11 =	simm.s32 $0xFFFFFFFE;
	s12 =	simm.s32 $0x10;
	[sflag:s7] =	ssyncadd.s32 $0xFFFFD800  }
.LBB2_2:
0xbe: {  	s13 =	sadd.s32 $0xFFFFFFF0, s12  }
0xbf: {  	v58 =	vor.u32 s13, v0  }
0xc0: {  	vm0 =	vlt.s32 v58, $0x187  }
0xc1: {  	v2 =	vnsel vm0, $0x187, v58  }
0xc2: {  	v3 =	vmulhi.u32 $0x5397829D, v2;
	_ =	sdelay $0x1  }
0xc3: {  	v3 =	vshrl.u32 v3, $0x4  }
0xc4: {  	v4 =	vmul.u32 $0xFFFFFFCF, v3  }
0xc5: {  	v5 =	vmov s13;
	v6 =	vsub.s32 $0x0, v2  }
0xc6: {  	vm8 =	veq.s32 v5, v0;
	vm1 =	vne.s32 v4, v6  }
0xc7: {  	vm0 =	vmand vm8, vm1  }
0xc8: {  	v62 =	vsel vm0, $0xFFFFFFFF, v1  }
0xc9: {  	v3 =	vadd.s32 v62, v3  }
0xca: {  	v4 =	vmul.u32 $0xFFFFFFCF, v3;
	_ =	sdelay $0x1  }
0xcb: {  	v63 =	vshrl.u32 v3, $0x3;
	v3 =	vshll.u32 v3, $0x7;
	v14 =	vadd.s32 v2, v4  }
0xcc: {  	v6 =	vmul.u32 $0x2800, v63;
	v59 =	vmul.u32 $0x3000, v63;
	v9 =	vshll.u32 v14, $0x3  }
0xcd: {  	v7 =	vmul.u32 $0x19, v14;
	v12 =	vadd.s32 $0x436, v9;
	v25 =	vadd.s32 $0x437, v9  }
0xce: {  	v26 =	vadd.s32 $0x438, v9;
	v17 =	vadd.s32 $0x439, v9;
	v32 =	vadd.s32 $0x43C, v9  }
0xcf: {  	v33 =	vadd.s32 $0x43B, v9;
	v2 =	vadd.s32 $0x15, v7;
	v10 =	vadd.s32 $0x17, v7  }
0xd0: {  	v21 =	vadd.s32 $0x18, v7;
	v23 =	vshll.u32 v12, $0x3;
	v24 =	vand.u32 $0x7E, v12  }
0xd1: {  	v13 =	vshll.u32 v25, $0x3;
	v16 =	vshll.u32 v26, $0x3;
	v12 =	vand.u32 $0x78, v26  }
0xd2: {  	v27 =	vshll.u32 v17, $0x3;
	v17 =	vand.u32 $0x79, v17;
	v34 =	vshll.u32 v32, $0x3  }
0xd3: {  	v35 =	vshll.u32 v33, $0x3;
	v36 =	vand.u32 $0x7C, v32;
	v41 =	vand.u32 $0x7B, v33  }
0xd4: {  	v18 =	vshll.u32 v2, $0x3;
	v2 =	vand.u32 $0x7F, v2;
	v11 =	vshll.u32 v10, $0x3  }
0xd5: {  	v10 =	vand.u32 $0x7F, v10;
	v22 =	vshll.u32 v21, $0x3;
	v4 =	vand.u32 $0xFFFFFC00, v23  }
0xd6: {  	v13 =	vand.u32 $0xFFFFFC00, v13;
	v16 =	vand.u32 $0xFFFFFC00, v16;
	v5 =	vand.u32 $0xFFFFFC00, v18  }
0xd7: {  	v20 =	vand.u32 $0xFFFFFC00, v11;
	v11 =	vand.u32 $0x7F, v21;
	v4 =	vadd.s32 v59, v4  }
0xd8: {  	v16 =	vadd.s32 v59, v16;
	v13 =	vadd.s32 v59, v13;
	v18 =	vadd.s32 $0x43A, v9  }
0xd9: {  	v8 =	vadd.s32 v6, v5;
	v5 =	vand.u32 $0x380, v3;
	v3 =	vadd.s32 $0x16, v7  }
0xda: {  	v4 =	vor.u32 v24, v4;
	v12 =	vor.u32 v12, v16;
	v19 =	vshll.u32 v3, $0x3  }
0xdb: {  	v16 =	vand.u32 $0xFFFFFC00, v27;
	v2 =	vor.u32 v2, v8;
	v8 =	vand.u32 $0xFFFFFC00, v19  }
0xdc: {  	v3 =	vand.u32 $0x7F, v3;
	v4 =	vor.u32 v5, v4;
	v8 =	vadd.s32 v6, v8  }
0xdd: {  	v30 =	vand.u32 $0x7A, v18;
	v2 =	vor.u32 v5, v2;
	v3 =	vor.u32 v3, v8  }
0xde: {  	v12 =	vor.u32 v5, v12;
	v8 =	vadd.s32 v6, v20;
	v3 =	vor.u32 v5, v3  }
0xdf: {  	v16 =	vadd.s32 v59, v16;
	v8 =	vor.u32 v10, v8;
	v10 =	vand.u32 $0xFFFFFC00, v22  }
0xe0: {  	v19 =	vshll.u32 v18, $0x3;
	v10 =	vadd.s32 v6, v10;
	v8 =	vor.u32 v5, v8  }
0xe1: {  	v28 =	vor.u32 v17, v16;
	v29 =	vand.u32 $0xFFFFFC00, v19;
	v63 =	vld.idx.msk [tilespmem:v4+s2+$0x0], $0xffff;
	v10 =	vor.u32 v11, v10  }
0xe2: {  	v16 =	vadd.s32 v59, v29;
	v2 =	vld.idx.msk [tilespmem:v2+s8+$0x0], $0xffff;
	v11 =	vor.u32 v5, v10;
	v10 =	vand.u32 $0x7F, v25  }
0xe3: {  	v16 =	vor.u32 v30, v16;
	v10 =	vor.u32 v10, v13;
	v13 =	vor.u32 v5, v28;
	v62 =	vld.idx.msk [tilespmem:v3+s8+$0x0], $0xffff  }
0xe4: {  	v40 =	vand.u32 $0xFFFFFC00, v35;
	v9 =	vadd.s32 $0x43D, v9;
	v16 =	vor.u32 v5, v16;
	v3 =	vld.idx.msk [tilespmem:v12+s2+$0x0], $0xffff  }
0xe5: {  	v20 =	vshll.u32 v9, $0x3;
	v31 =	vor.u32 v5, v10;
	v10 =	vld.idx.msk [tilespmem:v8+s8+$0x0], $0xffff;
	v8 =	vand.u32 $0xFFFFFC00, v34  }
0xe6: {  	v42 =	vadd.s32 v59, v40;
	v20 =	vand.u32 $0xFFFFFC00, v20;
	v37 =	vadd.s32 v59, v8  }
0xe7: {  	v38 =	vand.u32 $0x7D, v9;
	v39 =	vadd.s32 v59, v20;
	v4 =	vor.u32 v36, v37;
	v12 =	vld.idx.msk [tilespmem:v11+s8+$0x0], $0xffff  }
0xe8: {  	v17 =	vmul.f32 $1.428571490e-01, v63;
	v11 =	vor.u32 v41, v42;
	v8 =	vld.idx.msk [tilespmem:v13+s2+$0x0], $0xffff;
	v4 =	vor.u32 v5, v4  }
0xe9: {  	v15 =	vmul.f32 $1.428571490e-01, v2;
	v44 =	vor.u32 v5, v11;
	v11 =	vld.idx.msk [tilespmem:v16+s2+$0x0], $0xffff;
	v18 =	vmul.f32 v3, v3  }
0xea: {  	v13 =	vor.u32 v38, v39;
	v38 =	vand.u32 $0x7F, v7;
	v9 =	vld.idx.msk [tilespmem:v31+s2+$0x0], $0xffff;
	v43 =	vmul.f32 $5.000000000e-01, v10  }
0xeb: {  	v13 =	vor.u32 v5, v13;
	v22 =	vmul.f32 $1.428571490e-01, v62;
	v45 =	vmul.f32 $5.000000000e-01, v18  }
0xec: {  	v24 =	vsub.f32 v15, v43;
	v26 =	vmul.f32 $5.000000000e-01, v12;
	v46 =	vadd.f32 v43, v15  }
0xed: {  	v29 =	vmul.f32 v12, v10;
	v21 =	vmul.f32 v8, v8;
	v61 =	vld.idx.msk [tilespmem:v4+s2+$0x0], $0xffff;
	v25 =	vsub.f32 v17, v45  }
0xee: {  	v47 =	vadd.f32 v45, v17;
	v4 =	vld.idx.msk [tilespmem:v44+s2+$0x0], $0xffff;
	v44 =	vmul.f32 $1.428571490e-01, v11;
	v17 =	vsub.f32 v15, v17  }
0xef: {  	v23 =	vmul.f32 $1.428571490e-01, v9;
	v48 =	vsub.f32 v22, v26;
	v40 =	vadd.f32 v26, v22  }
0xf0: {  	v9 =	vsub.f32 v62, v9;
	v27 =	vmul.f32 $5.000000000e-01, v21;
	v39 =	vmax.f32 v24, v25  }
0xf1: {  	v19 =	vmin.f32 v46, v47;
	v33 =	vmul.f32 v21, v18;
	v18 =	vsub.f32 v10, v18  }
0xf2: {  	v60 =	vld.idx.msk [tilespmem:v13+s2+$0x0], $0xffff;
	v17 =	vmul.f32 v17, v17;
	v21 =	vsub.f32 v12, v21;
	v15 =	vsub.f32 v15, v44  }
0xf3: {  	v19 =	vsub.f32 v19, v39;
	v9 =	vmul.f32 v9, v9;
	v28 =	vsub.f32 v23, v27  }
0xf4: {  	v41 =	vadd.f32 v27, v23;
	v33 =	vadd.f32 v33, v29;
	v18 =	vmul.f32 v18, v18  }
0xf5: {  	v23 =	vsub.f32 v22, v23;
	v15 =	vmul.f32 v15, v15;
	v43 =	vmul.f32 v61, v61  }
0xf6: {  	v45 =	vmul.f32 $1.428571490e-01, v4;
	vm9 =	vlt.f32 v19, $0.0e+00;
	v42 =	vmax.f32 v48, v28  }
0xf7: {  	v26 =	vmin.f32 v40, v41;
	v30 =	vmul.f32 v60, v60;
	v23 =	vmul.f32 v23, v23  }
0xf8: {  	v31 =	vmul.f32 $5.000000000e-01, v43;
	v26 =	vsub.f32 v26, v42;
	v39 =	vsub.f32 v22, v45  }
0xf9: {  	v28 =	vadd.s32 $0x1, v7;
	v42 =	vsub.f32 v10, v43;
	v17 =	vadd.f32 v23, v17  }
0xfa: {  	v32 =	vmul.f32 $5.000000000e-01, v30;
	v34 =	vsub.f32 v44, v31;
	v31 =	vadd.f32 v31, v44  }
0xfb: {  	v36 =	vmul.f32 v26, v19;
	vm10 =	vlt.f32 v26, $0.0e+00;
	v44 =	vsub.f32 v12, v30  }
0xfc: {  	v19 =	vmul.f32 v39, v39;
	v35 =	vsub.f32 v45, v32;
	v32 =	vadd.f32 v32, v45  }
0xfd: {  	v17 =	vadd.f32 v18, v17;
	vm0 =	vmor vm9, vm10;
	v45 =	vmul.f32 v42, v42  }
0xfe: {  	v24 =	vmax.f32 v24, v34;
	v13 =	vmin.f32 v46, v31;
	v46 =	vmul.f32 v30, v43  }
0xff: {  	v47 =	vsub.f32 v33, v36;
	v15 =	vadd.f32 v19, v15;
	v30 =	vshll.u32 v28, $0x3  }
0x100: {  	v34 =	vadd.s32 $0x2, v7;
	v16 =	vmax.f32 v48, v35;
	v25 =	vmin.f32 v40, v32  }
0x101: {  	v24 =	vsub.f32 v13, v24;
	v35 =	vmul.u32 $0xC8, v14;
	v32 =	vshll.u32 v14, $0x1  }
0x102: {  	v40 =	vmul.f32 v21, v21;
	v23 =	vand.u32 $0xFFFFFC00, v30;
	v21 =	vand.u32 $0x7F, v28  }
0x103: {  	v30 =	vadd.s32 $0x5, v7;
	v16 =	vsub.f32 v25, v16;
	v13 =	vadd.f32 v46, v29  }
0x104: {  	(erf) = vrcp.f32 v47;
	v15 =	vadd.f32 v45, v15;
	v47 =	vmul.f32 v44, v44  }
0x105: {  	v27 =	vadd.s32 $0x3D4, v32;
	v23 =	vadd.s32 v6, v23;
	v45 =	vadd.s32 $0x3, v7  }
0x106: {  	v37 =	vand.u32 $0xFFFFFC00, v35;
	v17 =	vadd.f32 v40, v17;
	vm11 =	vlt.f32 v24, $0.0e+00  }
0x107: {  	v29 =	vshll.u32 v27, $0x3;
	v18 =	vand.u32 $0x7E, v27;
	v21 =	vor.u32 v21, v23  }
0x108: {  	v35 =	vshll.u32 v34, $0x3;
	v48 =	vmul.f32 v16, v24;
	v25 =	vadd.s32 v6, v37  }
0x109: {  	vm2 =	vlt.f32 v16, $0.0e+00;
	v15 =	vadd.f32 v47, v15;
	v22 =	vand.u32 $0xFFFFFC00, v29  }
0x10a: {  	v21 =	vor.u32 v5, v21;
	v24 =	vand.u32 $0x7F, v34;
	v13 =	vsub.f32 v13, v48  }
0x10b: {  	v34 =	vadd.s32 $0x6, v7;
	v25 =	vor.u32 v38, v25;
	v22 =	vadd.s32 v59, v22  }
0x10c: {  	(erf) = vrcp.f32 v13;
	v13 =	vmul.u32 $0x14, v14;
	v14 =	vmul.u32 $0xA0, v14  }
0x10d: {  	vm1 =	vmor vm11, vm2;
	vm12 =	vlt.f32 v17, $4.000000000e+02;
	v18 =	vor.u32 v18, v22  }
0x10e: {  	v18 =	vor.u32 v5, v18;
	v33 =	vand.u32 $0x7C, v13;
	v14 =	vand.u32 $0xFFFFFC00, v14;
	v41 =	vpop (erf)  }
0x10f: {  	v14 =	vadd.s32 v59, v14;
	v23 =	vor.u32 v5, v33;
	v20 =	vmul.f32 v41, v36  }
0x110: {  	v23 =	vor.u32 v14, v23;
	v36 =	vand.u32 $0xFFFFFC00, v35;
	v41 =	vadd.s32 $0x3D5, v32  }
0x111: {  	v32 =	vadd.s32 $0x4, v13;
	v14 =	vadd.s32 v6, v36;
	v39 =	vor.u32 $0x1, v23  }
0x112: {  	v42 =	vshll.u32 v41, $0x3;
	v33 =	vshll.u32 v32, $0x3;
	v26 =	vand.u32 $0x7C, v32  }
0x113: {  	v36 =	vshll.u32 v34, $0x3;
	v20 =	vsel vm0, $0x0, v20;
	v14 =	vor.u32 v24, v14  }
0x114: {  	v22 =	vand.u32 $0xFFFFFC00, v42;
	v24 =	vor.u32 $0x2, v23;
	v27 =	vand.u32 $0xFFFFFC00, v33  }
0x115: {  	v42 =	vadd.s32 $0x6, v13;
	vm0 =	vgt.f32 v20, $0.0e+00;
	v37 =	vor.u32 v5, v14  }
0x116: {  	v44 =	vadd.s32 v59, v22;
	v22 =	vand.u32 $0x7F, v45;
	v27 =	vadd.s32 v59, v27;
	v43 =	vpop (erf)  }
0x117: {  	v35 =	vor.u32 v26, v27;
	v26 =	vand.u32 $0xFFFFFC00, v36;
	v46 =	vmul.f32 v43, v48  }
0x118: {  	v31 =	vnsel vm0, $0x0, v20;
	v40 =	vld.idx.msk [tilespmem:v23+s2+$0x0], $0xffff;
	v23 =	vor.u32 $0x3, v23;
	v26 =	vadd.s32 v6, v26  }
0x119: {  	v48 =	vor.u32 v5, v25;
	v16 =	vsel vm1, $0x0, v46;
	vm1 =	vmneg vm12  }
0x11a: {  	v43 =	vld.idx.msk [tilespmem:v37+s8+$0x0], $0xffff;
	v46 =	vshll.u32 v45, $0x3;
	v37 =	vand.u32 $0x7F, v34;
	v45 =	vand.u32 $0x7E, v42  }
0x11b: {  	vm1 =	vmor vm1, vm0;
	vm13 =	vgt.f32 v16, $0.0e+00;
	vm14 =	vgt.f32 v16, v31  }
0x11c: {  	v38 =	vld.idx.msk [tilespmem:v21+s8+$0x0], $0xffff;
	v47 =	vand.u32 $0xFFFFFC00, v46;
	v31 =	vshll.u32 v30, $0x3;
	v26 =	vor.u32 v37, v26  }
0x11d: {  	v21 =	vld.idx.msk [tilespmem:v39+s2+$0x0], $0xffff;
	v46 =	vadd.s32 $0x8, v7;
	v37 =	vadd.s32 $0x9, v7;
	v17 =	vsel vm1, $0x43C80000, v17  }
0x11e: {  	v18 =	vld.idx.msk [tilespmem:v18+s2+$0x0], $0xffff;
	vm0 =	vmor vm0, vm13;
	v25 =	vand.u32 $0xFFFFFC00, v31;
	v26 =	vor.u32 v5, v26  }
0x11f: {  	v31 =	vand.u32 $0x7F, v46;
	v19 =	vld.idx.msk [tilespmem:v48+s8+$0x0], $0xffff;
	vm15 =	vlt.f32 v15, v17;
	vm3 =	vmneg vm0  }
0x120: {  	vm0 =	vmand vm0, vm14;
	v48 =	vadd.s32 $0x4, v7;
	vm6 =	vmand vm3, vm15  }
0x121: {  	v25 =	vadd.s32 v6, v25;
	v28 =	vshll.u32 v48, $0x3;
	vm1 =	vmor vm0, vm6  }
0x122: {  	v21 =	vsub.f32 v43, v21;
	v29 =	vand.u32 $0xFFFFFC00, v28;
	v14 =	vsel vm1, v16, v20  }
0x123: {  	vm0 =	vmneg vm1;
	v16 =	vand.u32 $0x7F, v41;
	v20 =	vsub.f32 v14, v18  }
0x124: {  	v21 =	vmul.f32 v21, v21;
	vm7 =	vlt.f32 v19, $0.0e+00;
	vm8 =	vgt.f32 v19, $0.0e+00  }
0x125: {  	v19 =	vsub.f32 v38, v40;
	v38 =	vadd.s32 $0x5, v13;
	v40 =	vadd.s32 $0x7, v7  }
0x126: {  	vm2 =	vmor vm8, vm7;
	v15 =	vmul.f32 v20, v20;
	v20 =	vor.u32 v16, v44  }
0x127: {  	v16 =	vmul.f32 v18, v18;
	v39 =	vshll.u32 v38, $0x3;
	v41 =	vshll.u32 v40, $0x3  }
0x128: {  	v28 =	vand.u32 $0x7D, v38;
	v44 =	vshll.u32 v42, $0x3;
	vm0 =	vmand vm2, vm0  }
0x129: {  	v17 =	vor.u32 v5, v20;
	v18 =	vmul.f32 v19, v19;
	v19 =	vadd.s32 v6, v47  }
0x12a: {  	v20 =	vand.u32 $0x7F, v48;
	v27 =	vand.u32 $0xFFFFFC00, v39;
	v47 =	vshll.u32 v46, $0x3  }
0x12b: {  	v48 =	vadd.s32 $0x7, v13;
	v39 =	vshll.u32 v37, $0x3;
	vm1 =	vmand vm2, vm1  }
0x12c: {  	v19 =	vor.u32 v22, v19;
	v22 =	vadd.s32 v6, v29;
	v27 =	vadd.s32 v59, v27  }
0x12d: {  	v29 =	vand.u32 $0x7F, v40;
	v36 =	vshll.u32 v48, $0x3;
	v32 =	vand.u32 $0x7F, v48  }
0x12e: {  	v40 =	vand.u32 $0x7F, v37;
	v37 =	vadd.s32 $0x9, v13;
	v48 =	vadd.s32 $0xB, v7  }
0x12f: {  	v15 =	vsel vm0, v15, v16;
	v19 =	vor.u32 v5, v19;
	v20 =	vor.u32 v20, v22  }
0x130: {  	v22 =	vand.u32 $0x7F, v30;
	v30 =	vand.u32 $0xFFFFFC00, v41;
	v27 =	vor.u32 v28, v27  }
0x131: {  	v33 =	vand.u32 $0xFFFFFC00, v36;
	v41 =	vadd.s32 $0x8, v13;
	v46 =	vshll.u32 v37, $0x3  }
0x132: {  	v20 =	vor.u32 v5, v20;
	v22 =	vor.u32 v22, v25;
	v25 =	vor.u32 v5, v35  }
0x133: {  	v30 =	vadd.s32 v6, v30;
	v27 =	vor.u32 v5, v27;
	v33 =	vadd.s32 v59, v33  }
0x134: {  	v42 =	vshll.u32 v41, $0x3;
	v34 =	vand.u32 $0x7C, v41;
	v22 =	vor.u32 v5, v22  }
0x135: {  	v43 =	vor.u32 v29, v30;
	v29 =	vand.u32 $0xFFFFFC00, v44;
	v30 =	vand.u32 $0xFFFFFC00, v47  }
0x136: {  	v24 =	vld.idx.msk [tilespmem:v24+s2+$0x0], $0xffff;
	v38 =	vor.u32 v32, v33;
	v32 =	vand.u32 $0xFFFFFC00, v39;
	v33 =	vand.u32 $0xFFFFFC00, v42  }
0x137: {  	v23 =	vld.idx.msk [tilespmem:v23+s2+$0x0], $0xffff;
	v47 =	vand.u32 $0x7D, v37;
	v42 =	vshll.u32 v48, $0x3;
	v37 =	vand.u32 $0x7F, v48  }
0x138: {  	v26 =	vld.idx.msk [tilespmem:v26+s8+$0x0], $0xffff;
	v28 =	vor.u32 v5, v43;
	v29 =	vadd.s32 v59, v29;
	v30 =	vadd.s32 v6, v30  }
0x139: {  	v32 =	vadd.s32 v6, v32;
	v43 =	vadd.s32 $0xA, v7;
	v33 =	vadd.s32 v59, v33;
	v17 =	vld.idx.msk [tilespmem:v17+s2+$0x0], $0xffff  }
0x13a: {  	v29 =	vor.u32 v45, v29;
	v30 =	vor.u32 v31, v30;
	v31 =	vor.u32 v5, v38;
	v19 =	vld.idx.msk [tilespmem:v19+s8+$0x0], $0xffff  }
0x13b: {  	v32 =	vor.u32 v40, v32;
	v44 =	vshll.u32 v43, $0x3;
	v35 =	vand.u32 $0x7F, v43;
	v20 =	vld.idx.msk [tilespmem:v20+s8+$0x0], $0xffff  }
0x13c: {  	v33 =	vor.u32 v34, v33;
	v38 =	vadd.s32 $0xA, v13;
	v29 =	vor.u32 v5, v29;
	v25 =	vld.idx.msk [tilespmem:v25+s2+$0x0], $0xffff  }
0x13d: {  	v30 =	vor.u32 v5, v30;
	v32 =	vor.u32 v5, v32;
	v36 =	vand.u32 $0xFFFFFC00, v44;
	v27 =	vld.idx.msk [tilespmem:v27+s2+$0x0], $0xffff  }
0x13e: {  	v33 =	vor.u32 v5, v33;
	v39 =	vshll.u32 v38, $0x3;
	v36 =	vadd.s32 v6, v36;
	v22 =	vld.idx.msk [tilespmem:v22+s8+$0x0], $0xffff  }
0x13f: {  	v43 =	vand.u32 $0x7E, v38;
	v39 =	vand.u32 $0xFFFFFC00, v39;
	v45 =	vor.u32 v35, v36;
	v28 =	vld.idx.msk [tilespmem:v28+s8+$0x0], $0xffff  }
0x140: {  	v35 =	vand.u32 $0xFFFFFC00, v46;
	v36 =	vand.u32 $0xFFFFFC00, v42;
	v44 =	vadd.s32 v59, v39;
	v31 =	vld.idx.msk [tilespmem:v31+s2+$0x0], $0xffff  }
0x141: {  	v34 =	vor.u32 v5, v45;
	v35 =	vadd.s32 v59, v35;
	v36 =	vadd.s32 v6, v36;
	v29 =	vld.idx.msk [tilespmem:v29+s2+$0x0], $0xffff  }
0x142: {  	v45 =	vor.u32 v43, v44;
	v14 =	vsub.f32 v14, v17;
	v17 =	vmul.f32 v17, v17;
	v30 =	vld.idx.msk [tilespmem:v30+s8+$0x0], $0xffff  }
0x143: {  	v35 =	vor.u32 v47, v35;
	v36 =	vor.u32 v37, v36;
	v46 =	vor.u32 v5, v45;
	v32 =	vld.idx.msk [tilespmem:v32+s8+$0x0], $0xffff  }
0x144: {  	v35 =	vor.u32 v5, v35;
	v33 =	vld.idx.msk [tilespmem:v33+s2+$0x0], $0xffff;
	v19 =	vsub.f32 v19, v24;
	v47 =	vsub.f32 v20, v23  }
0x145: {  	v14 =	vmul.f32 v14, v14;
	v48 =	vsub.f32 v26, v27;
	v22 =	vsub.f32 v22, v25  }
0x146: {  	v24 =	vor.u32 v5, v36;
	v36 =	vmul.f32 v19, v19;
	v40 =	vmul.f32 v47, v47  }
0x147: {  	v14 =	vsel vm1, v14, v17;
	v41 =	vmul.f32 v48, v48;
	v22 =	vmul.f32 v22, v22  }
0x148: {  	v25 =	vld.idx.msk [tilespmem:v46+s2+$0x0], $0xffff;
	v46 =	vadd.s32 $0xC, v7;
	v37 =	vsub.f32 v28, v29;
	v38 =	vsub.f32 v30, v31  }
0x149: {  	v42 =	vsub.f32 v32, v33;
	v19 =	vadd.f32 v41, v21;
	v47 =	vshll.u32 v46, $0x3  }
0x14a: {  	v48 =	vand.u32 $0x7F, v46;
	v33 =	vadd.s32 $0xB, v13;
	v41 =	vadd.s32 $0xE, v7  }
0x14b: {  	v18 =	vadd.f32 v22, v18;
	v22 =	vand.u32 $0xFFFFFC00, v47;
	v47 =	vadd.s32 $0xF, v7  }
0x14c: {  	v34 =	vld.idx.msk [tilespmem:v34+s8+$0x0], $0xffff;
	v43 =	vmul.f32 v37, v37;
	v44 =	vmul.f32 v38, v38;
	v32 =	vadd.s32 v6, v22  }
0x14d: {  	v39 =	vld.idx.msk [tilespmem:v35+s2+$0x0], $0xffff;
	v45 =	vmul.f32 v42, v42;
	v37 =	vadd.s32 $0xD, v7;
	v26 =	vor.u32 v48, v32  }
0x14e: {  	v38 =	vshll.u32 v37, $0x3;
	v27 =	vand.u32 $0x7F, v37;
	v48 =	vshll.u32 v47, $0x3  }
0x14f: {  	v37 =	vadd.s32 $0xE, v13;
	v21 =	vadd.f32 v43, v36;
	v20 =	vadd.f32 v44, v40  }
0x150: {  	v18 =	vadd.f32 v45, v18;
	v36 =	vand.u32 $0x7F, v33;
	v43 =	vshll.u32 v41, $0x3  }
0x151: {  	v44 =	vand.u32 $0x7F, v41;
	v45 =	vadd.s32 $0xD, v13;
	v32 =	vand.u32 $0xFFFFFC00, v48  }
0x152: {  	v24 =	vld.idx.msk [tilespmem:v24+s8+$0x0], $0xffff;
	v31 =	vshll.u32 v37, $0x3;
	v48 =	vadd.s32 $0x10, v13;
	v23 =	vsub.f32 v34, v39  }
0x153: {  	v34 =	vshll.u32 v33, $0x3;
	v39 =	vadd.s32 $0xC, v13;
	v46 =	vshll.u32 v45, $0x3  }
0x154: {  	v30 =	vand.u32 $0x7D, v45;
	v31 =	vand.u32 $0xFFFFFC00, v31;
	v45 =	vadd.s32 $0x11, v7  }
0x155: {  	v35 =	vand.u32 $0xFFFFFC00, v34;
	v40 =	vshll.u32 v39, $0x3;
	v28 =	vand.u32 $0x7C, v39  }
0x156: {  	v39 =	vadd.s32 $0x10, v7;
	v31 =	vadd.s32 v59, v31;
	v22 =	vmul.f32 v23, v23  }
0x157: {  	v23 =	vsub.f32 v24, v25;
	v24 =	vor.u32 v5, v26;
	v25 =	vadd.s32 v59, v35  }
0x158: {  	v26 =	vand.u32 $0xFFFFFC00, v38;
	v29 =	vand.u32 $0xFFFFFC00, v40;
	v35 =	vand.u32 $0x7F, v47  }
0x159: {  	v38 =	vand.u32 $0x7E, v37;
	v40 =	vshra.s32 v10, $0x1;
	v41 =	vshll.u32 v39, $0x3  }
0x15a: {  	v33 =	vand.u32 $0x7F, v39;
	v37 =	vand.u32 $0x7C, v48;
	v25 =	vor.u32 v36, v25  }
0x15b: {  	v26 =	vadd.s32 v6, v26;
	v29 =	vadd.s32 v59, v29;
	v36 =	vadd.s32 v6, v32  }
0x15c: {  	v34 =	vadd.s32 $0x1FBD1DF5, v40;
	v31 =	vor.u32 v38, v31;
	v40 =	vshll.u32 v48, $0x3  }
0x15d: {  	v25 =	vor.u32 v5, v25;
	v26 =	vor.u32 v27, v26;
	v42 =	vor.u32 v28, v29  }
0x15e: {  	v28 =	vand.u32 $0xFFFFFC00, v43;
	v29 =	vand.u32 $0xFFFFFC00, v46;
	(erf) = vrcp.f32 v34  }
0x15f: {  	v43 =	vadd.s32 $0xF, v13;
	v31 =	vor.u32 v5, v31;
	v46 =	vshll.u32 v45, $0x3  }
0x160: {  	v26 =	vor.u32 v5, v26;
	v27 =	vor.u32 v5, v42;
	v28 =	vadd.s32 v6, v28  }
0x161: {  	v29 =	vadd.s32 v59, v29;
	v42 =	vand.u32 $0xFFFFFC00, v41;
	v47 =	vand.u32 $0xFFFFFC00, v46  }
0x162: {  	v41 =	vand.u32 $0xFFFFFC00, v40;
	v40 =	vadd.s32 $0x11, v13;
	v28 =	vor.u32 v44, v28  }
0x163: {  	v29 =	vor.u32 v30, v29;
	v30 =	vor.u32 v35, v36;
	v32 =	vadd.s32 v6, v42  }
0x164: {  	v44 =	vshll.u32 v43, $0x3;
	v35 =	vand.u32 $0x7F, v43;
	v36 =	vand.u32 $0x7F, v45  }
0x165: {  	v42 =	vadd.s32 $0x12, v7;
	v45 =	vshll.u32 v40, $0x3;
	v46 =	vand.u32 $0x7D, v40  }
0x166: {  	v28 =	vor.u32 v5, v28;
	v29 =	vor.u32 v5, v29;
	v30 =	vor.u32 v5, v30  }
0x167: {  	v32 =	vor.u32 v33, v32;
	v33 =	vand.u32 $0xFFFFFC00, v44;
	v43 =	vshll.u32 v42, $0x3  }
0x168: {  	v38 =	vand.u32 $0x7F, v42;
	v42 =	vshra.s32 v12, $0x1;
	v33 =	vadd.s32 v59, v33  }
0x169: {  	v32 =	vor.u32 v5, v32;
	v42 =	vadd.s32 $0x1FBD1DF5, v42;
	v33 =	vor.u32 v35, v33  }
0x16a: {  	v35 =	vadd.s32 v6, v47;
	v47 =	vadd.s32 $0x13, v7;
	v7 =	vadd.s32 $0x14, v7  }
0x16b: {  	v35 =	vor.u32 v36, v35;
	v36 =	vadd.s32 v59, v41;
	v41 =	vand.u32 $0x7F, v47  }
0x16c: {  	v40 =	vshll.u32 v47, $0x3;
	v35 =	vor.u32 v5, v35;
	v36 =	vor.u32 v37, v36  }
0x16d: {  	v37 =	vand.u32 $0xFFFFFC00, v43;
	v40 =	vand.u32 $0xFFFFFC00, v40;
	v43 =	vadd.s32 $0x12, v13  }
0x16e: {  	v13 =	vadd.s32 $0x13, v13;
	v36 =	vor.u32 v5, v36;
	v37 =	vadd.s32 v6, v37  }
0x16f: {  	v24 =	vld.idx.msk [tilespmem:v24+s8+$0x0], $0xffff;
	v40 =	vadd.s32 v6, v40;
	v47 =	vshll.u32 v13, $0x3;
	v37 =	vor.u32 v38, v37  }
0x170: {  	v25 =	vld.idx.msk [tilespmem:v25+s2+$0x0], $0xffff;
	v44 =	vpop (erf);
	v38 =	vand.u32 $0xFFFFFC00, v45;
	v48 =	vor.u32 v41, v40;
	v45 =	vand.u32 $0x7E, v43  }
0x171: {  	v31 =	vld.idx.msk [tilespmem:v31+s2+$0x0], $0xffff;
	v39 =	vmul.f32 v44, v10;
	v37 =	vor.u32 v5, v37;
	v38 =	vadd.s32 v59, v38  }
0x172: {  	v26 =	vld.idx.msk [tilespmem:v26+s8+$0x0], $0xffff;
	v44 =	vshll.u32 v43, $0x3;
	v43 =	vand.u32 $0x7F, v13;
	v38 =	vor.u32 v46, v38  }
0x173: {  	v27 =	vld.idx.msk [tilespmem:v27+s2+$0x0], $0xffff;
	v40 =	vand.u32 $0xFFFFFC00, v44;
	v46 =	vshll.u32 v7, $0x3;
	v7 =	vand.u32 $0x7F, v7  }
0x174: {  	v28 =	vld.idx.msk [tilespmem:v28+s8+$0x0], $0xffff;
	v34 =	vadd.f32 v34, v39;
	v38 =	vor.u32 v5, v38;
	v39 =	vor.u32 v5, v48  }
0x175: {  	v29 =	vld.idx.msk [tilespmem:v29+s2+$0x0], $0xffff;
	v40 =	vadd.s32 v59, v40;
	v41 =	vand.u32 $0xFFFFFC00, v46;
	v48 =	vand.u32 $0xFFFFFC00, v47  }
0x176: {  	v30 =	vld.idx.msk [tilespmem:v30+s8+$0x0], $0xffff;
	v40 =	vor.u32 v45, v40;
	v6 =	vadd.s32 v6, v41;
	v44 =	vadd.s32 v59, v48  }
0x177: {  	v35 =	vld.idx.msk [tilespmem:v35+s8+$0x0], $0xffff;
	v34 =	vmul.f32 $5.000000000e-01, v34;
	v40 =	vor.u32 v5, v40;
	v6 =	vor.u32 v7, v6  }
0x178: {  	v26 =	vsub.f32 v26, v27;
	v45 =	vld.idx.msk [tilespmem:v36+s2+$0x0], $0xffff;
	v7 =	vor.u32 v43, v44;
	v6 =	vor.u32 v5, v6  }
0x179: {  	v33 =	vor.u32 v5, v33;
	v46 =	vld.idx.msk [tilespmem:v37+s8+$0x0], $0xffff;
	v5 =	vor.u32 v5, v7;
	(erf) = vrcp.f32 v34  }
0x17a: {  	v14 =	vadd.f32 v14, v15;
	v59 =	vmul.f32 v26, v26;
	(erf) = vrcp.f32 v42;
	v48 =	vld.idx.msk [tilespmem:v38+s2+$0x0], $0xffff  }
0x17b: {  	v23 =	vmul.f32 v23, v23;
	v19 =	vadd.f32 v22, v19;
	v24 =	vsub.f32 v24, v25;
	v36 =	vld.idx.msk [tilespmem:v39+s8+$0x0], $0xffff  }
0x17c: {  	v28 =	vsub.f32 v28, v29;
	v18 =	vadd.f32 v59, v18;
	v59 =	vor.u32 s12, v0;
	v38 =	vld.idx.msk [tilespmem:v40+s2+$0x0], $0xffff  }
0x17d: {  	v21 =	vadd.f32 v23, v21;
	v24 =	vmul.f32 v24, v24;
	vm9 =	vlt.s32 v59, $0x187;
	v6 =	vld.idx.msk [tilespmem:v6+s8+$0x0], $0xffff  }
0x17e: {  	v37 =	vmul.f32 v28, v28;
	v43 =	vnsel vm9, $0x187, v59;
	v25 =	vsub.f32 v35, v45;
	v5 =	vld.idx.msk [tilespmem:v5+s2+$0x0], $0xffff  }
0x17f: {  	v20 =	vadd.f32 v24, v20;
	v39 =	vsub.f32 v30, v31;
	v44 =	vmulhi.u32 $0x5397829D, v43  }
0x180: {  	v32 =	vld.idx.msk [tilespmem:v32+s8+$0x0], $0xffff;
	v19 =	vadd.f32 v37, v19;
	v25 =	vmul.f32 v25, v25;
	v46 =	vsub.f32 v46, v48  }
0x181: {  	v33 =	vld.idx.msk [tilespmem:v33+s2+$0x0], $0xffff;
	v35 =	vsub.f32 v2, v63;
	v41 =	vmul.f32 v39, v39;
	v26 =	vshrl.u32 v44, $0x7  }
0x182: {  	v18 =	vadd.f32 v25, v18;
	v23 =	vsub.f32 v36, v38;
	v22 =	vmul.f32 v46, v46;
	v13 =	vpop (erf)  }
0x183: {  	v5 =	vsub.f32 v6, v5;
	v6 =	vmul.u32 $0x2800, v26;
	v47 =	vpop (erf);
	v10 =	vmul.f32 v13, v10  }
0x184: {  	v23 =	vmul.f32 v23, v23;
	v19 =	vadd.f32 v22, v19;
	v7 =	vmul.f32 v47, v12  }
0x185: {  	v13 =	vmul.u32 $0x3000, v26;
	v47 =	vshrl.u32 v44, $0x4;
	v10 =	vadd.f32 v10, v34  }
0x186: {  	v5 =	vmul.f32 v5, v5;
	v7 =	vadd.f32 v42, v7;
	v42 =	vsub.f32 v32, v33  }
0x187: {  	v48 =	vmul.u32 $0xFFFFFFCF, v47;
	v25 =	vadd.f32 v19, v18;
	v19 =	vmul.f32 $5.000000000e-01, v10  }
0x188: {  	v33 =	vshll.u32 v44, $0x3;
	v10 =	vmul.f32 v35, v35;
	v45 =	vmul.f32 v42, v42  }
0x189: {  	v40 =	vmul.f32 $5.000000000e-01, v7;
	v7 =	vadd.f32 v41, v21;
	v3 =	vsub.f32 v19, v3  }
0x18a: {  	v19 =	vsub.f32 v19, v61;
	v21 =	vadd.f32 v45, v20;
	v20 =	vadd.s32 v43, v48  }
0x18b: {  	(erf) = vrcp.f32 v40;
	v23 =	vadd.f32 v23, v7;
	v7 =	vmul.u32 $0x19, v20  }
0x18c: {  	v37 =	vmul.f32 v3, v3;
	v39 =	vshll.u32 v20, $0x3;
	v19 =	vmul.f32 v19, v19  }
0x18d: {  	v5 =	vadd.f32 v5, v21;
	v21 =	vadd.f32 v9, v10;
	v45 =	vadd.s32 $0x436, v39  }
0x18e: {  	v24 =	vadd.s32 $0x437, v39;
	v30 =	vadd.s32 $0x43A, v39;
	v27 =	vadd.s32 $0x15, v7  }
0x18f: {  	v38 =	vadd.s32 $0x16, v7;
	v43 =	vadd.s32 $0x18, v7;
	v46 =	vshll.u32 v45, $0x3  }
0x190: {  	v26 =	vshll.u32 v24, $0x3;
	v28 =	vadd.f32 v5, v23;
	v31 =	vshll.u32 v27, $0x3  }
0x191: {  	v18 =	vand.u32 $0x7F, v27;
	v23 =	vsub.f32 v2, v11;
	v2 =	vshll.u32 v38, $0x3  }
0x192: {  	v9 =	vand.u32 $0x7F, v38;
	v44 =	vshll.u32 v43, $0x3;
	v11 =	vand.u32 $0x7F, v43  }
0x193: {  	v47 =	vand.u32 $0xFFFFFC00, v46;
	v15 =	vand.u32 $0xFFFFFC00, v26;
	v32 =	vand.u32 $0xFFFFFC00, v31  }
0x194: {  	v2 =	vand.u32 $0xFFFFFC00, v2;
	v15 =	vadd.s32 v13, v15;
	v31 =	vshll.u32 v30, $0x3  }
0x195: {  	v16 =	vadd.f32 v28, v25;
	v2 =	vadd.s32 v6, v2;
	v25 =	vadd.s32 $0x438, v39  }
0x196: {  	v28 =	vadd.s32 $0x439, v39;
	v23 =	vmul.f32 v23, v23;
	v2 =	vor.u32 v9, v2  }
0x197: {  	v27 =	vshll.u32 v25, $0x3;
	v36 =	vnsel vm2, $0x0, v16;
	v16 =	vand.u32 $0x7E, v45;
	v29 =	vpop (erf)  }
0x198: {  	v63 =	vadd.f32 v36, v14;
	v36 =	vadd.s32 $0x43C, v39;
	v5 =	vmul.f32 v29, v12  }
0x199: {  	v12 =	vadd.s32 v6, v32;
	v29 =	vshll.u32 v28, $0x3;
	v38 =	vshll.u32 v36, $0x3  }
0x19a: {  	v12 =	vor.u32 v18, v12;
	v34 =	vadd.f32 v5, v40;
	v40 =	vadd.s32 $0x17, v7  }
0x19b: {  	v5 =	vand.u32 $0x380, v33;
	v33 =	vand.u32 $0xFFFFFC00, v31;
	v41 =	vshll.u32 v40, $0x3  }
0x19c: {  	v12 =	vor.u32 v5, v12;
	v18 =	vmul.f32 $5.000000000e-01, v34;
	v42 =	vand.u32 $0xFFFFFC00, v41  }
0x19d: {  	v10 =	vand.u32 $0x7F, v40;
	v2 =	vor.u32 v5, v2;
	v9 =	vadd.s32 v6, v42  }
0x19e: {  	v8 =	vsub.f32 v18, v8;
	v9 =	vor.u32 v10, v9;
	v10 =	vand.u32 $0xFFFFFC00, v44  }
0x19f: {  	v34 =	vand.u32 $0x7A, v30;
	v18 =	vsub.f32 v18, v60;
	v10 =	vadd.s32 v6, v10  }
0x1a0: {  	v9 =	vor.u32 v5, v9;
	v8 =	vmul.f32 v8, v8;
	v10 =	vor.u32 v11, v10  }
0x1a1: {  	v3 =	vld.idx.msk [tilespmem:v12+s8+$0x0], $0xffff;
	v11 =	vadd.s32 v13, v47;
	v12 =	vand.u32 $0x78, v25;
	v18 =	vmul.f32 v18, v18  }
0x1a2: {  	v48 =	vor.u32 v5, v10;
	v10 =	vor.u32 v16, v11;
	v11 =	vand.u32 $0x7F, v24  }
0x1a3: {  	v16 =	vand.u32 $0xFFFFFC00, v27;
	v24 =	vand.u32 $0x79, v28;
	v22 =	vadd.f32 v8, v37  }
0x1a4: {  	v10 =	vor.u32 v5, v10;
	v16 =	vadd.s32 v13, v16;
	v11 =	vor.u32 v11, v15  }
0x1a5: {  	v37 =	vadd.s32 $0x43B, v39;
	v12 =	vor.u32 v12, v16;
	v16 =	vand.u32 $0xFFFFFC00, v29  }
0x1a6: {  	v39 =	vadd.s32 $0x43D, v39;
	v35 =	vor.u32 v5, v11;
	v16 =	vadd.s32 v13, v16  }
0x1a7: {  	v40 =	vshll.u32 v37, $0x3;
	v12 =	vor.u32 v5, v12;
	v32 =	vor.u32 v24, v16  }
0x1a8: {  	v2 =	vld.idx.msk [tilespmem:v2+s8+$0x0], $0xffff;
	v41 =	vshll.u32 v39, $0x3;
	v44 =	vand.u32 $0x7D, v39;
	v15 =	vor.u32 v5, v32  }
0x1a9: {  	v26 =	vand.u32 $0x7B, v37;
	v29 =	vsub.f32 v62, v4;
	v11 =	vld.idx.msk [tilespmem:v9+s8+$0x0], $0xffff;
	v9 =	vand.u32 $0xFFFFFC00, v38  }
0x1aa: {  	v46 =	vand.u32 $0xFFFFFC00, v40;
	v60 =	vadd.f32 v22, v21;
	v17 =	vmul.f32 $1.428571490e-01, v3;
	v14 =	vld.idx.msk [tilespmem:v48+s8+$0x0], $0xffff  }
0x1ab: {  	v16 =	vadd.s32 v13, v33;
	v24 =	vand.u32 $0x7C, v36;
	v42 =	vadd.s32 v13, v9;
	v10 =	vld.idx.msk [tilespmem:v10+s2+$0x0], $0xffff  }
0x1ac: {  	v25 =	vadd.s32 v13, v46;
	v29 =	vmul.f32 v29, v29;
	v43 =	vor.u32 v24, v42;
	v8 =	vld.idx.msk [tilespmem:v12+s2+$0x0], $0xffff  }
0x1ad: {  	v16 =	vor.u32 v34, v16;
	v12 =	vand.u32 $0xFFFFFC00, v41;
	v9 =	vld.idx.msk [tilespmem:v15+s2+$0x0], $0xffff;
	v15 =	vor.u32 v5, v43  }
0x1ae: {  	v25 =	vor.u32 v26, v25;
	v16 =	vor.u32 v5, v16;
	v45 =	vadd.s32 v13, v12;
	v12 =	vld.idx.msk [tilespmem:v35+s2+$0x0], $0xffff  }
0x1af: {  	v25 =	vor.u32 v5, v25;
	v47 =	vmul.f32 $5.000000000e-01, v11;
	v24 =	vor.u32 v44, v45  }
0x1b0: {  	v32 =	vmul.f32 $1.428571490e-01, v2;
	v41 =	vmul.f32 $5.000000000e-01, v14;
	v24 =	vor.u32 v5, v24  }
0x1b1: {  	v23 =	vadd.f32 v29, v23;
	v34 =	vsub.f32 v17, v47;
	v26 =	vmul.f32 $1.428571490e-01, v10  }
0x1b2: {  	v10 =	vsub.f32 v3, v10;
	v31 =	vsub.f32 v32, v41;
	v27 =	vmul.f32 v8, v8;
	v4 =	vld.idx.msk [tilespmem:v15+s2+$0x0], $0xffff  }
0x1b3: {  	v33 =	vmul.f32 $1.428571490e-01, v12;
	v12 =	vsub.f32 v2, v12;
	v30 =	vmul.f32 v9, v9;
	v15 =	vld.idx.msk [tilespmem:v16+s2+$0x0], $0xffff  }
0x1b4: {  	v35 =	vadd.f32 v41, v32;
	v10 =	vmul.f32 v10, v10;
	v48 =	vmul.f32 $5.000000000e-01, v27;
	v16 =	vld.idx.msk [tilespmem:v25+s2+$0x0], $0xffff  }
0x1b5: {  	v62 =	vld.idx.msk [tilespmem:v24+s2+$0x0], $0xffff;
	v24 =	vadd.f32 v47, v17;
	v12 =	vmul.f32 v12, v12;
	v42 =	vmul.f32 $5.000000000e-01, v30  }
0x1b6: {  	v39 =	vmul.f32 v14, v11;
	v40 =	vsub.f32 v26, v48;
	v43 =	vadd.f32 v48, v26  }
0x1b7: {  	v48 =	vmul.f32 v30, v27;
	v10 =	vadd.f32 v12, v10;
	v44 =	vsub.f32 v33, v42  }
0x1b8: {  	v45 =	vmax.f32 v34, v40;
	v46 =	vadd.f32 v42, v33;
	v28 =	vmin.f32 v24, v43  }
0x1b9: {  	v43 =	vadd.f32 v48, v39;
	v38 =	vmul.f32 v4, v4;
	v25 =	vsub.f32 v28, v45  }
0x1ba: {  	v28 =	vmul.f32 $1.428571490e-01, v15;
	v37 =	vmul.f32 $1.428571490e-01, v16;
	v3 =	vsub.f32 v3, v15  }
0x1bb: {  	v2 =	vsub.f32 v2, v16;
	v47 =	vmax.f32 v31, v44;
	v36 =	vmin.f32 v35, v46  }
0x1bc: {  	v40 =	vmul.f32 v62, v62;
	v41 =	vmul.f32 $5.000000000e-01, v38;
	v36 =	vsub.f32 v36, v47  }
0x1bd: {  	v47 =	vand.u32 $0x7F, v7;
	v3 =	vmul.f32 v3, v3;
	v2 =	vmul.f32 v2, v2  }
0x1be: {  	vm10 =	vlt.f32 v25, $0.0e+00;
	v42 =	vmul.f32 $5.000000000e-01, v40;
	v48 =	vmul.f32 v40, v38  }
0x1bf: {  	v44 =	vsub.f32 v28, v41;
	v41 =	vadd.f32 v41, v28;
	v46 =	vmul.f32 v36, v25  }
0x1c0: {  	vm11 =	vlt.f32 v36, $0.0e+00;
	v36 =	vadd.s32 $0x2, v7;
	v2 =	vadd.f32 v2, v3  }
0x1c1: {  	v45 =	vsub.f32 v37, v42;
	v42 =	vadd.f32 v42, v37;
	vm2 =	vmor vm10, vm11  }
0x1c2: {  	v34 =	vmax.f32 v34, v44;
	v24 =	vmin.f32 v24, v41;
	v61 =	vsub.f32 v43, v46  }
0x1c3: {  	v44 =	vmul.u32 $0xC8, v20;
	v31 =	vmax.f32 v31, v45;
	v24 =	vsub.f32 v24, v34  }
0x1c4: {  	v35 =	vmin.f32 v35, v42;
	v34 =	vadd.f32 v48, v39;
	v48 =	vsub.f32 v17, v26  }
0x1c5: {  	v42 =	vsub.f32 v11, v27;
	v27 =	vshll.u32 v20, $0x1;
	v17 =	vsub.f32 v17, v28  }
0x1c6: {  	v31 =	vsub.f32 v35, v31;
	(erf) = vrcp.f32 v61;
	v21 =	vand.u32 $0xFFFFFC00, v44  }
0x1c7: {  	v61 =	vsub.f32 v32, v33;
	v33 =	vadd.f32 v18, v19;
	v19 =	vmul.u32 $0x14, v20  }
0x1c8: {  	v20 =	vmul.u32 $0xA0, v20;
	v21 =	vadd.s32 v6, v21;
	v22 =	vmul.f32 v48, v48  }
0x1c9: {  	v17 =	vmul.f32 v17, v17;
	vm12 =	vlt.f32 v24, $0.0e+00;
	v41 =	vmul.f32 v31, v24  }
0x1ca: {  	v39 =	vor.u32 v47, v21;
	v26 =	vmul.f32 v61, v61;
	v21 =	vmul.f32 v42, v42  }
0x1cb: {  	v47 =	vsub.f32 v11, v38;
	vm4 =	vlt.f32 v31, $0.0e+00;
	v61 =	vsub.f32 v14, v40  }
0x1cc: {  	v31 =	vadd.s32 $0x1, v7;
	v20 =	vand.u32 $0xFFFFFC00, v20;
	v38 =	vand.u32 $0x7C, v19  }
0x1cd: {  	v29 =	vor.u32 v5, v39;
	v45 =	vsub.f32 v34, v41;
	v43 =	vadd.f32 v26, v22  }
0x1ce: {  	v42 =	vadd.s32 $0x3D4, v27;
	vm3 =	vmor vm12, vm4;
	v20 =	vadd.s32 v13, v20  }
0x1cf: {  	(erf) = vrcp.f32 v45;
	v45 =	vsub.f32 v32, v37;
	v18 =	vadd.f32 v21, v43  }
0x1d0: {  	v21 =	vmul.f32 v47, v47;
	v32 =	vshll.u32 v31, $0x3;
	v37 =	vshll.u32 v36, $0x3  }
0x1d1: {  	v43 =	vshll.u32 v42, $0x3;
	v47 =	vadd.s32 $0x3D5, v27;
	v28 =	vand.u32 $0xFFFFFC00, v37  }
0x1d2: {  	v34 =	vand.u32 $0xFFFFFC00, v32;
	v25 =	vmul.f32 v45, v45;
	v28 =	vadd.s32 v6, v28;
	v29 =	vld.idx.msk [tilespmem:v29+s8+$0x0], $0xffff;
	v44 =	vpop (erf)  }
0x1d3: {  	v45 =	vand.u32 $0xFFFFFC00, v43;
	v22 =	vmul.f32 v44, v46;
	v46 =	vsub.f32 v14, v30  }
0x1d4: {  	v43 =	vadd.s32 $0x4, v19;
	v25 =	vadd.f32 v25, v17;
	v30 =	vmul.f32 v61, v61  }
0x1d5: {  	v61 =	vadd.f32 v33, v23;
	v33 =	vshll.u32 v47, $0x3;
	v26 =	vmul.f32 v46, v46  }
0x1d6: {  	v17 =	vsel vm2, $0x0, v22;
	v21 =	vadd.f32 v21, v25;
	v22 =	vadd.s32 v6, v34  }
0x1d7: {  	vm14 =	vgt.f32 v17, $0.0e+00;
	vm11 =	vlt.f32 v29, $0.0e+00;
	vm12 =	vgt.f32 v29, $0.0e+00  }
0x1d8: {  	v26 =	vadd.f32 v26, v18;
	v21 =	vadd.f32 v30, v21;
	v30 =	vor.u32 v5, v38;
	v48 =	vpop (erf)  }
0x1d9: {  	v35 =	vnsel vm14, $0x0, v17;
	v30 =	vor.u32 v20, v30;
	v24 =	vmul.f32 v48, v41  }
0x1da: {  	v38 =	vadd.s32 $0x4, v7;
	vm13 =	vlt.f32 v26, $4.000000000e+02;
	v41 =	vor.u32 $0x1, v30  }
0x1db: {  	vm2 =	vmneg vm13;
	v18 =	vsel vm3, $0x0, v24;
	v24 =	vand.u32 $0x7F, v31  }
0x1dc: {  	vm2 =	vmor vm2, vm14;
	v31 =	vand.u32 $0x7C, v43;
	v22 =	vor.u32 v24, v22  }
0x1dd: {  	v24 =	vand.u32 $0x7F, v36;
	vm15 =	vgt.f32 v18, $0.0e+00;
	v40 =	vsel vm2, $0x43C80000, v26  }
0x1de: {  	vm9 =	vgt.f32 v18, v35;
	v35 =	vadd.s32 $0x3, v7;
	v26 =	vand.u32 $0x7F, v38  }
0x1df: {  	v22 =	vor.u32 v5, v22;
	v39 =	vor.u32 v24, v28;
	vm8 =	vmor vm14, vm15  }
0x1e0: {  	vm10 =	vlt.f32 v21, v40;
	v24 =	vand.u32 $0x7E, v42;
	v21 =	vand.u32 $0x7F, v47  }
0x1e1: {  	v36 =	vshll.u32 v35, $0x3;
	v28 =	vand.u32 $0x7F, v35;
	v20 =	vor.u32 v5, v39  }
0x1e2: {  	vm5 =	vmand vm8, vm9;
	vm2 =	vmneg vm8;
	v37 =	vand.u32 $0xFFFFFC00, v36  }
0x1e3: {  	v34 =	vld.idx.msk [tilespmem:v41+s2+$0x0], $0xffff;
	v39 =	vshll.u32 v38, $0x3;
	v41 =	vadd.s32 $0x5, v7;
	v36 =	vadd.s32 $0x5, v19  }
0x1e4: {  	v38 =	vadd.s32 $0x7, v7;
	v25 =	vadd.s32 v6, v37;
	v40 =	vand.u32 $0xFFFFFC00, v39  }
0x1e5: {  	v42 =	vshll.u32 v41, $0x3;
	v37 =	vshll.u32 v36, $0x3;
	v39 =	vshll.u32 v38, $0x3  }
0x1e6: {  	v25 =	vor.u32 v28, v25;
	v27 =	vadd.s32 v6, v40;
	v28 =	vor.u32 $0x2, v30  }
0x1e7: {  	v46 =	vld.idx.msk [tilespmem:v30+s2+$0x0], $0xffff;
	v30 =	vor.u32 $0x3, v30;
	v29 =	vand.u32 $0xFFFFFC00, v42;
	v35 =	vand.u32 $0xFFFFFC00, v39  }
0x1e8: {  	v40 =	vadd.s32 $0x6, v19;
	v25 =	vor.u32 v5, v25;
	v26 =	vor.u32 v26, v27  }
0x1e9: {  	v27 =	vand.u32 $0x7F, v41;
	v29 =	vadd.s32 v6, v29;
	v35 =	vadd.s32 v6, v35;
	v44 =	vld.idx.msk [tilespmem:v22+s8+$0x0], $0xffff  }
0x1ea: {  	v42 =	vshll.u32 v40, $0x3;
	v22 =	vadd.s32 v13, v45;
	v26 =	vor.u32 v5, v26;
	v48 =	vld.idx.msk [tilespmem:v20+s8+$0x0], $0xffff  }
0x1eb: {  	v45 =	vadd.s32 $0x6, v7;
	v27 =	vor.u32 v27, v29;
	v32 =	vor.u32 v24, v22  }
0x1ec: {  	v22 =	vand.u32 $0xFFFFFC00, v33;
	v47 =	vshll.u32 v45, $0x3;
	v27 =	vor.u32 v5, v27  }
0x1ed: {  	v33 =	vand.u32 $0x7D, v36;
	v20 =	vor.u32 v5, v32;
	v22 =	vadd.s32 v13, v22  }
0x1ee: {  	v23 =	vsub.f32 v44, v46;
	v44 =	vshll.u32 v43, $0x3;
	v43 =	vand.u32 $0x7E, v40  }
0x1ef: {  	v24 =	vsub.f32 v48, v34;
	v32 =	vand.u32 $0xFFFFFC00, v44;
	v48 =	vand.u32 $0x7F, v45  }
0x1f0: {  	v34 =	vand.u32 $0x7F, v38;
	v44 =	vadd.s32 $0x8, v7;
	v32 =	vadd.s32 v13, v32  }
0x1f1: {  	v28 =	vld.idx.msk [tilespmem:v28+s2+$0x0], $0xffff;
	v41 =	vor.u32 v34, v35;
	v34 =	vand.u32 $0xFFFFFC00, v42;
	v45 =	vshll.u32 v44, $0x3  }
0x1f2: {  	v25 =	vld.idx.msk [tilespmem:v25+s8+$0x0], $0xffff;
	v36 =	vand.u32 $0x7F, v44;
	v44 =	vadd.s32 $0x8, v19;
	v46 =	vor.u32 v31, v32  }
0x1f3: {  	v31 =	vand.u32 $0xFFFFFC00, v47;
	v32 =	vand.u32 $0xFFFFFC00, v37;
	v34 =	vadd.s32 v13, v34  }
0x1f4: {  	v35 =	vand.u32 $0xFFFFFC00, v45;
	v45 =	vshll.u32 v44, $0x3;
	v39 =	vand.u32 $0x7C, v44  }
0x1f5: {  	v29 =	vor.u32 v5, v46;
	v31 =	vadd.s32 v6, v31;
	v32 =	vadd.s32 v13, v32  }
0x1f6: {  	v34 =	vor.u32 v43, v34;
	v46 =	vadd.s32 $0x7, v19;
	v35 =	vadd.s32 v6, v35  }
0x1f7: {  	v25 =	vsub.f32 v25, v28;
	v31 =	vor.u32 v48, v31;
	v32 =	vor.u32 v33, v32  }
0x1f8: {  	v33 =	vor.u32 v5, v41;
	v34 =	vor.u32 v5, v34;
	v47 =	vshll.u32 v46, $0x3  }
0x1f9: {  	v37 =	vand.u32 $0x7F, v46;
	v48 =	vadd.s32 $0x9, v7;
	v35 =	vor.u32 v36, v35  }
0x1fa: {  	v46 =	vadd.s32 $0xA, v7;
	v31 =	vor.u32 v5, v31;
	v32 =	vor.u32 v5, v32  }
0x1fb: {  	v38 =	vand.u32 $0xFFFFFC00, v47;
	v42 =	vshll.u32 v48, $0x3;
	v35 =	vor.u32 v5, v35  }
0x1fc: {  	v43 =	vand.u32 $0x7F, v48;
	v47 =	vshll.u32 v46, $0x3;
	v48 =	vadd.s32 $0x9, v19  }
0x1fd: {  	v40 =	vand.u32 $0x7F, v46;
	v38 =	vadd.s32 v13, v38;
	v46 =	vand.u32 $0x7D, v48  }
0x1fe: {  	v30 =	vld.idx.msk [tilespmem:v30+s2+$0x0], $0xffff;
	v41 =	vor.u32 v37, v38;
	v37 =	vand.u32 $0xFFFFFC00, v42;
	v38 =	vand.u32 $0xFFFFFC00, v45  }
0x1ff: {  	v26 =	vld.idx.msk [tilespmem:v26+s8+$0x0], $0xffff;
	v45 =	vshll.u32 v48, $0x3;
	v42 =	vadd.s32 $0xB, v7;
	v36 =	vor.u32 v5, v41  }
0x200: {  	v27 =	vld.idx.msk [tilespmem:v27+s8+$0x0], $0xffff;
	v37 =	vadd.s32 v6, v37;
	v38 =	vadd.s32 v13, v38;
	v41 =	vand.u32 $0xFFFFFC00, v47  }
0x201: {  	v29 =	vld.idx.msk [tilespmem:v29+s2+$0x0], $0xffff;
	v47 =	vshll.u32 v42, $0x3;
	v42 =	vand.u32 $0x7F, v42;
	v37 =	vor.u32 v43, v37  }
0x202: {  	v41 =	vadd.s32 v6, v41;
	v38 =	vor.u32 v39, v38;
	v33 =	vld.idx.msk [tilespmem:v33+s8+$0x0], $0xffff;
	v43 =	vadd.s32 $0xA, v19  }
0x203: {  	v37 =	vor.u32 v5, v37;
	v31 =	vld.idx.msk [tilespmem:v31+s8+$0x0], $0xffff;
	v44 =	vor.u32 v40, v41;
	v38 =	vor.u32 v5, v38  }
0x204: {  	v32 =	vld.idx.msk [tilespmem:v32+s2+$0x0], $0xffff;
	v40 =	vand.u32 $0xFFFFFC00, v45;
	v41 =	vand.u32 $0xFFFFFC00, v47;
	v48 =	vshll.u32 v43, $0x3  }
0x205: {  	v34 =	vld.idx.msk [tilespmem:v34+s2+$0x0], $0xffff;
	v45 =	vsub.f32 v26, v30;
	v30 =	vmul.f32 v25, v25;
	v39 =	vor.u32 v5, v44  }
0x206: {  	v35 =	vld.idx.msk [tilespmem:v35+s8+$0x0], $0xffff;
	v40 =	vadd.s32 v13, v40;
	v41 =	vadd.s32 v6, v41;
	v44 =	vand.u32 $0xFFFFFC00, v48  }
0x207: {  	v40 =	vor.u32 v46, v40;
	v46 =	vand.u32 $0x7E, v43;
	v47 =	vadd.s32 v13, v44;
	v36 =	vld.idx.msk [tilespmem:v36+s2+$0x0], $0xffff  }
0x208: {  	v41 =	vor.u32 v42, v41;
	v48 =	vor.u32 v46, v47;
	v46 =	vsub.f32 v27, v29;
	v37 =	vld.idx.msk [tilespmem:v37+s8+$0x0], $0xffff  }
0x209: {  	v42 =	vmul.f32 v23, v23;
	v40 =	vor.u32 v5, v40;
	v38 =	vld.idx.msk [tilespmem:v38+s2+$0x0], $0xffff;
	v47 =	vsub.f32 v31, v32  }
0x20a: {  	v26 =	vor.u32 v5, v48;
	v48 =	vsub.f32 v33, v34;
	v25 =	vmul.f32 v46, v46  }
0x20b: {  	v24 =	vmul.f32 v24, v24;
	v28 =	vor.u32 v5, v41;
	v43 =	vmul.f32 v47, v47  }
0x20c: {  	v27 =	vmul.f32 v45, v45;
	v44 =	vmul.f32 v48, v48;
	v45 =	vadd.f32 v25, v42  }
0x20d: {  	v23 =	vor.u32 v21, v22;
	v36 =	vsub.f32 v35, v36;
	v25 =	vadd.f32 v43, v24  }
0x20e: {  	v32 =	vld.idx.msk [tilespmem:v39+s8+$0x0], $0xffff;
	v24 =	vadd.f32 v44, v30;
	v43 =	vadd.s32 $0xD, v7;
	v39 =	vsub.f32 v37, v38  }
0x20f: {  	v41 =	vld.idx.msk [tilespmem:v40+s2+$0x0], $0xffff;
	v46 =	vmul.f32 v36, v36;
	v36 =	vadd.s32 $0xC, v7;
	v38 =	vadd.s32 $0xB, v19  }
0x210: {  	v28 =	vld.idx.msk [tilespmem:v28+s8+$0x0], $0xffff;
	v44 =	vshll.u32 v43, $0x3;
	v31 =	vand.u32 $0x7F, v43;
	v43 =	vadd.s32 $0xE, v19  }
0x211: {  	v48 =	vld.idx.msk [tilespmem:v26+s2+$0x0], $0xffff;
	v37 =	vshll.u32 v36, $0x3;
	v30 =	vand.u32 $0x7F, v36;
	v40 =	vshll.u32 v38, $0x3  }
0x212: {  	v29 =	vand.u32 $0x7F, v38;
	v38 =	vadd.s32 $0xD, v19;
	v47 =	vmul.f32 v39, v39  }
0x213: {  	v22 =	vadd.f32 v46, v27;
	v27 =	vand.u32 $0xFFFFFC00, v37;
	v42 =	vand.u32 $0xFFFFFC00, v40  }
0x214: {  	v34 =	vand.u32 $0x7D, v38;
	v40 =	vadd.s32 $0xF, v7;
	v26 =	vsub.f32 v32, v41  }
0x215: {  	v39 =	vadd.s32 v6, v27;
	v35 =	vand.u32 $0x7F, v40;
	v21 =	vadd.f32 v47, v45  }
0x216: {  	v27 =	vsub.f32 v28, v48;
	v41 =	vor.u32 v30, v39;
	v30 =	vadd.s32 v13, v42  }
0x217: {  	v45 =	vadd.s32 $0xC, v19;
	v48 =	vadd.s32 $0xE, v7;
	v39 =	vshll.u32 v38, $0x3  }
0x218: {  	v42 =	vshll.u32 v40, $0x3;
	v28 =	vor.u32 v5, v41;
	v29 =	vor.u32 v29, v30  }
0x219: {  	v30 =	vand.u32 $0xFFFFFC00, v44;
	v46 =	vshll.u32 v45, $0x3;
	v32 =	vand.u32 $0x7C, v45  }
0x21a: {  	v36 =	vshll.u32 v48, $0x3;
	v33 =	vand.u32 $0x7F, v48;
	v41 =	vshra.s32 v11, $0x1  }
0x21b: {  	v44 =	vshll.u32 v43, $0x3;
	v29 =	vor.u32 v5, v29;
	v30 =	vadd.s32 v6, v30  }
0x21c: {  	v47 =	vand.u32 $0xFFFFFC00, v46;
	v37 =	vand.u32 $0xFFFFFC00, v36;
	v36 =	vadd.s32 $0x1FBD1DF5, v41  }
0x21d: {  	v45 =	vand.u32 $0xFFFFFC00, v44;
	v46 =	vadd.s32 $0x10, v7;
	v30 =	vor.u32 v31, v30  }
0x21e: {  	v31 =	vadd.s32 v13, v47;
	(erf) = vrcp.f32 v36;
	v47 =	vadd.s32 $0xF, v19  }
0x21f: {  	v48 =	vshll.u32 v46, $0x3;
	v30 =	vor.u32 v5, v30;
	v31 =	vor.u32 v32, v31  }
0x220: {  	v32 =	vadd.s32 v6, v37;
	v37 =	vand.u32 $0x7E, v43;
	v44 =	vshll.u32 v47, $0x3  }
0x221: {  	v38 =	vand.u32 $0x7F, v47;
	v31 =	vor.u32 v5, v31;
	v32 =	vor.u32 v33, v32  }
0x222: {  	v33 =	vand.u32 $0xFFFFFC00, v39;
	v39 =	vand.u32 $0xFFFFFC00, v48;
	v40 =	vand.u32 $0xFFFFFC00, v44  }
0x223: {  	v48 =	vadd.s32 $0x10, v19;
	v44 =	vadd.s32 $0x11, v19;
	v33 =	vadd.s32 v13, v33  }
0x224: {  	v32 =	vor.u32 v5, v32;
	v33 =	vor.u32 v34, v33;
	v34 =	vand.u32 $0xFFFFFC00, v42  }
0x225: {  	v39 =	vadd.s32 v6, v39;
	v40 =	vadd.s32 v13, v40;
	v34 =	vadd.s32 v6, v34  }
0x226: {  	v38 =	vor.u32 v38, v40;
	v34 =	vor.u32 v35, v34;
	v35 =	vadd.s32 v13, v45  }
0x227: {  	v45 =	vadd.s32 $0x11, v7;
	v35 =	vor.u32 v37, v35;
	v37 =	vand.u32 $0x7F, v46;
	v47 =	vpop (erf)  }
0x228: {  	v46 =	vshll.u32 v45, $0x3;
	v37 =	vor.u32 v37, v39;
	v41 =	vmul.f32 v47, v11  }
0x229: {  	v40 =	vand.u32 $0xFFFFFC00, v46;
	v39 =	vand.u32 $0x7F, v45;
	v45 =	vshll.u32 v48, $0x3  }
0x22a: {  	v40 =	vadd.s32 v6, v40;
	v46 =	vand.u32 $0xFFFFFC00, v45;
	v36 =	vadd.f32 v36, v41  }
0x22b: {  	v39 =	vor.u32 v39, v40;
	v47 =	vand.u32 $0x7C, v48;
	v40 =	vadd.s32 v13, v46  }
0x22c: {  	v48 =	vshra.s32 v14, $0x1;
	v46 =	vadd.s32 $0x13, v7;
	v36 =	vmul.f32 $5.000000000e-01, v36  }
0x22d: {  	v40 =	vor.u32 v47, v40;
	v43 =	vadd.s32 $0x1FBD1DF5, v48;
	v48 =	vshll.u32 v44, $0x3  }
0x22e: {  	v44 =	vand.u32 $0x7D, v44;
	v41 =	vadd.s32 $0x12, v7;
	(erf) = vrcp.f32 v36  }
0x22f: {  	v45 =	vand.u32 $0xFFFFFC00, v48;
	v42 =	vshll.u32 v41, $0x3;
	(erf) = vrcp.f32 v43  }
0x230: {  	v48 =	vshll.u32 v46, $0x3;
	v7 =	vadd.s32 $0x14, v7;
	v42 =	vand.u32 $0xFFFFFC00, v42  }
0x231: {  	v41 =	vand.u32 $0x7F, v41;
	v45 =	vadd.s32 v13, v45;
	v42 =	vadd.s32 v6, v42  }
0x232: {  	v41 =	vor.u32 v41, v42;
	v42 =	vor.u32 v44, v45;
	v44 =	vand.u32 $0xFFFFFC00, v48  }
0x233: {  	v48 =	vand.u32 $0x7F, v46;
	v46 =	vadd.s32 $0x12, v19;
	v44 =	vadd.s32 v6, v44  }
0x234: {  	v47 =	vshll.u32 v7, $0x3;
	v44 =	vor.u32 v48, v44;
	v48 =	vshll.u32 v46, $0x3  }
0x235: {  	v20 =	vld.idx.msk [tilespmem:v20+s2+$0x0], $0xffff;
	v33 =	vor.u32 v5, v33;
	v38 =	vor.u32 v5, v38;
	v47 =	vand.u32 $0xFFFFFC00, v47  }
0x236: {  	v28 =	vld.idx.msk [tilespmem:v28+s8+$0x0], $0xffff;
	v34 =	vor.u32 v5, v34;
	v37 =	vor.u32 v5, v37;
	v40 =	vor.u32 v5, v40  }
0x237: {  	v29 =	vld.idx.msk [tilespmem:v29+s2+$0x0], $0xffff;
	v19 =	vadd.s32 $0x13, v19;
	v41 =	vor.u32 v5, v41;
	v45 =	vand.u32 $0xFFFFFC00, v48;
	v48 =	vpop (erf)  }
0x238: {  	v30 =	vld.idx.msk [tilespmem:v30+s8+$0x0], $0xffff;
	v6 =	vadd.s32 v6, v47;
	v46 =	vand.u32 $0x7E, v46;
	v45 =	vadd.s32 v13, v45;
	v47 =	vpop (erf)  }
0x239: {  	v31 =	vld.idx.msk [tilespmem:v31+s2+$0x0], $0xffff;
	v45 =	vor.u32 v46, v45;
	v46 =	vshll.u32 v19, $0x3;
	v47 =	vmul.f32 v47, v14  }
0x23a: {  	v32 =	vld.idx.msk [tilespmem:v32+s8+$0x0], $0xffff;
	v39 =	vor.u32 v5, v39;
	v7 =	vand.u32 $0x7F, v7;
	v46 =	vand.u32 $0xFFFFFC00, v46  }
0x23b: {  	v6 =	vor.u32 v7, v6;
	v7 =	vadd.s32 v13, v46;
	v13 =	vld.idx.msk [tilespmem:v38+s2+$0x0], $0xffff;
	v43 =	vadd.f32 v43, v47  }
0x23c: {  	v38 =	vor.u32 v5, v44;
	v44 =	vor.u32 v5, v45;
	v45 =	vmul.f32 v26, v26;
	v26 =	vld.idx.msk [tilespmem:v40+s2+$0x0], $0xffff  }
0x23d: {  	vm2 =	vmand vm2, vm10;
	v35 =	vor.u32 v5, v35;
	v40 =	vld.idx.msk [tilespmem:v41+s8+$0x0], $0xffff;
	v41 =	vmul.f32 $5.000000000e-01, v43  }
0x23e: {  	vm3 =	vmor vm12, vm11;
	vm2 =	vmor vm5, vm2;
	v33 =	vld.idx.msk [tilespmem:v33+s2+$0x0], $0xffff;
	v42 =	vor.u32 v5, v42  }
0x23f: {  	v17 =	vsel vm2, v18, v17;
	vm13 =	vmneg vm2;
	v37 =	vld.idx.msk [tilespmem:v37+s8+$0x0], $0xffff;
	(erf) = vrcp.f32 v41  }
0x240: {  	vm2 =	vmand vm3, vm2;
	v27 =	vmul.f32 v27, v27;
	v34 =	vld.idx.msk [tilespmem:v34+s8+$0x0], $0xffff;
	v19 =	vand.u32 $0x7F, v19  }
0x241: {  	v39 =	vld.idx.msk [tilespmem:v39+s8+$0x0], $0xffff;
	v6 =	vor.u32 v5, v6;
	v46 =	vsub.f32 v28, v29;
	v7 =	vor.u32 v19, v7  }
0x242: {  	v35 =	vld.idx.msk [tilespmem:v35+s2+$0x0], $0xffff;
	v7 =	vor.u32 v5, v7;
	v5 =	vor.u32 v5, v23;
	v19 =	vadd.f32 v45, v25  }
0x243: {  	v25 =	vld.idx.msk [tilespmem:v42+s2+$0x0], $0xffff;
	v42 =	vsub.f32 v32, v33;
	v23 =	vmul.f32 v46, v46;
	v11 =	vmul.f32 v48, v11  }
0x244: {  	vm4 =	vmand vm3, vm13;
	v24 =	vadd.f32 v27, v24;
	v38 =	vld.idx.msk [tilespmem:v38+s8+$0x0], $0xffff;
	v13 =	vsub.f32 v37, v13  }
0x245: {  	v22 =	vadd.f32 v23, v22;
	v46 =	vmul.f32 v42, v42;
	v45 =	vld.idx.msk [tilespmem:v44+s2+$0x0], $0xffff;
	v11 =	vadd.f32 v11, v36  }
0x246: {  	v6 =	vld.idx.msk [tilespmem:v6+s8+$0x0], $0xffff;
	v26 =	vsub.f32 v39, v26;
	v47 =	vsub.f32 v30, v31;
	v13 =	vmul.f32 v13, v13  }
0x247: {  	v32 =	vadd.f32 v46, v19;
	v7 =	vld.idx.msk [tilespmem:v7+s2+$0x0], $0xffff;
	v11 =	vmul.f32 $5.000000000e-01, v11;
	v43 =	vsub.f32 v34, v35  }
0x248: {  	v27 =	vmul.f32 v47, v47;
	v34 =	vsub.f32 v40, v25;
	v13 =	vadd.f32 v13, v22;
	v39 =	vpop (erf)  }
0x249: {  	v8 =	vsub.f32 v11, v8;
	v4 =	vsub.f32 v11, v4;
	v14 =	vmul.f32 v39, v14  }
0x24a: {  	v26 =	vmul.f32 v26, v26;
	v21 =	vadd.f32 v27, v21;
	v37 =	vsub.f32 v38, v45  }
0x24b: {  	v47 =	vmul.f32 v43, v43;
	v38 =	vsub.f32 v17, v20;
	v14 =	vadd.f32 v14, v41  }
0x24c: {  	v5 =	vld.idx.msk [tilespmem:v5+s2+$0x0], $0xffff;
	v22 =	vmul.f32 v34, v34;
	v20 =	vmul.f32 v20, v20;
	v6 =	vsub.f32 v6, v7  }
0x24d: {  	v8 =	vmul.f32 v8, v8;
	v33 =	vadd.f32 v47, v24;
	v42 =	vmul.f32 $5.000000000e-01, v14  }
0x24e: {  	v21 =	vadd.f32 v26, v21;
	v40 =	vmul.f32 v37, v37;
	v6 =	vmul.f32 v6, v6  }
0x24f: {  	v4 =	vmul.f32 v4, v4;
	v18 =	vadd.f32 v22, v32;
	v9 =	vsub.f32 v42, v9  }
0x250: {  	v7 =	vmul.f32 v38, v38;
	v19 =	vadd.f32 v40, v33;
	v6 =	vadd.f32 v6, v13  }
0x251: {  	v17 =	vsub.f32 v17, v5;
	v45 =	vsub.f32 v42, v62;
	v9 =	vmul.f32 v9, v9  }
0x252: {  	v5 =	vmul.f32 v5, v5;
	v44 =	vadd.f32 v18, v21;
	v6 =	vadd.f32 v6, v19  }
0x253: {  	v43 =	vmul.f32 v17, v17;
	v46 =	vmul.f32 v45, v45;
	v8 =	vadd.f32 v9, v8  }
0x254: {  	v35 =	vmul.f32 $5.000000000e+00, v60;
	v7 =	vsel vm4, v7, v20;
	v6 =	vadd.f32 v6, v44  }
0x255: {  	v5 =	vsel vm2, v43, v5;
	v3 =	vadd.f32 v46, v4;
	v8 =	vadd.f32 v8, v10  }
0x256: {  	v48 =	vmul.f32 $5.000000000e+00, v61;
	v47 =	vnsel vm0, $0x0, v35;
	v5 =	vadd.f32 v5, v7  }
0x257: {  	v6 =	vnsel vm3, $0x0, v6;
	v2 =	vadd.f32 v3, v2;
	v60 =	vmul.f32 $5.000000000e+00, v8  }
0x258: {  	v61 =	vadd.f32 v6, v5;
	v3 =	vadd.f32 v63, v47  }
0x259: {  	s11 =	sadd.s32 $0x2, s11;
	v62 =	vnsel vm1, $0x0, v48;
	v2 =	vmul.f32 $5.000000000e+00, v2;
	v63 =	vnsel vm4, $0x0, v60  }
0x25a: {  	p0 =	slt.u32 s11, $0x16;
	v3 =	vadd.f32 v3, v62;
	v4 =	vadd.f32 v61, v63  }
.Ltmp0:
0x25b: {  	vm14 =	vlt.u32 v58, $0x188;
	v2 =	vnsel vm2, $0x0, v2;
	(pc) =	sbr.rel @p0 .LBB2_2-.Ltmp0, $4  }
0x25c: {  	v3 =	vnsel vm14, $0x0, v3;
	v2 =	vadd.f32 v4, v2  }
0x25d: {  	vm15 =	vlt.u32 v59, $0x188;
	v3 =	vadd.f32 v3, v57  }
0x25e: {  	v2 =	vnsel vm15, $0x0, v2  }
0x25f: {  	s12 =	sadd.s32 $0x20, s12;
	v57 =	vadd.f32 v2, v3  }
0x260: {  	v2 =	vld [tilespmem:$0x1FD20]  }
0x261: {  	v3 =	vld [tilespmem:$0x1FD30]  }
0x262: {  	v4 =	vld [tilespmem:$0x1FD40]  }
0x263: {  	v42 =	vld [tilespmem:$0x1FD80]  }
0x264: {  	v43 =	vld [tilespmem:$0x1FD60]  }
0x265: {  	v44 =	vld [tilespmem:$0x1FD90]  }
0x266: {  	v45 =	vld [tilespmem:$0x1FD70]  }
0x267: {  	v46 =	vld [tilespmem:$0x1FD50]  }
0x268: {  	v47 =	vld [tilespmem:$0x1FDC0]  }
0x269: {  	v5 =	vld [tilespmem:$0x1FDD0]  }
0x26a: {  	v48 =	vld [tilespmem:$0x1FDA0]  }
0x26b: {  	v58 =	vld [tilespmem:$0x1FDB0]  }
0x26c: {  	v36 =	vld [tilespmem:$0x1FE50]  }
0x26d: {  	v38 =	vld [tilespmem:$0x1FE60]  }
0x26e: {  	v40 =	vld [tilespmem:$0x1FE70]  }
0x26f: {  	v41 =	vld [tilespmem:$0x1FE80]  }
0x270: {  	v2 =	vld.idx.msk [tilespmem:v2+s8+$0x0], $0xffff  }
0x271: {  	v3 =	vld.idx.msk [tilespmem:v3+s8+$0x0], $0xffff  }
0x272: {  	v12 =	vld.idx.msk [tilespmem:v4+s8+$0x0], $0xffff  }
0x273: {  	v6 =	vld.idx.msk [tilespmem:v42+s2+$0x0], $0xffff  }
0x274: {  	v9 =	vld.idx.msk [tilespmem:v43+s2+$0x0], $0xffff  }
0x275: {  	v7 =	vld.idx.msk [tilespmem:v44+s2+$0x0], $0xffff  }
0x276: {  	v10 =	vld.idx.msk [tilespmem:v45+s2+$0x0], $0xffff  }
0x277: {  	v13 =	vld.idx.msk [tilespmem:v46+s8+$0x0], $0xffff  }
0x278: {  	v4 =	vld.idx.msk [tilespmem:v47+s2+$0x0], $0xffff  }
0x279: {  	v5 =	vld.idx.msk [tilespmem:v5+s2+$0x0], $0xffff  }
0x27a: {  	v42 =	vld [tilespmem:$0x1FE00]  }
0x27b: {  	v43 =	vld [tilespmem:$0x1FE10]  }
0x27c: {  	v44 =	vld [tilespmem:$0x1FE20]  }
0x27d: {  	v45 =	vld [tilespmem:$0x1FE30];
	v14 =	vmul.f32 $1.428571490e-01, v2;
	v15 =	vmul.f32 v6, v6  }
0x27e: {  	v46 =	vld [tilespmem:$0x1FE40];
	v16 =	vmul.f32 $1.428571490e-01, v9;
	v8 =	vmul.f32 $5.000000000e-01, v12  }
0x27f: {  	v36 =	vld.idx.msk [tilespmem:v36+s2+$0x0], $0xffff;
	v17 =	vmul.f32 v7, v7;
	v18 =	vmul.f32 $1.428571490e-01, v3  }
0x280: {  	v38 =	vld.idx.msk [tilespmem:v38+s8+$0x0], $0xffff;
	v19 =	vmul.f32 $1.428571490e-01, v10;
	v22 =	vmul.f32 $5.000000000e-01, v13  }
0x281: {  	v40 =	vld.idx.msk [tilespmem:v40+s2+$0x0], $0xffff;
	v28 =	vmul.f32 v4, v4;
	v29 =	vmul.f32 v5, v5  }
0x282: {  	v47 =	vld [tilespmem:$0x1FEA0];
	v34 =	vmul.f32 v13, v12;
	v11 =	vmul.f32 $5.000000000e-01, v15  }
0x283: {  	v41 =	vld.idx.msk [tilespmem:v41+s8+$0x0], $0xffff;
	v20 =	vsub.f32 v14, v8;
	v23 =	vmul.f32 $5.000000000e-01, v17;
	v24 =	vadd.f32 v8, v14  }
0x284: {  	v62 =	vshra.s32 v12, $0x1;
	v8 =	vld.idx.msk [tilespmem:v48+s2+$0x0], $0xffff;
	v21 =	vsub.f32 v16, v11;
	v25 =	vadd.f32 v11, v16  }
0x285: {  	v63 =	vadd.s32 $0x1FBD1DF5, v62;
	v62 =	vld [tilespmem:$0x1FEE0];
	v27 =	vsub.f32 v19, v23;
	v23 =	vadd.f32 v23, v19  }
0x286: {  	v35 =	vmul.f32 v17, v15;
	v48 =	vld [tilespmem:$0x1FEB0];
	v16 =	vsub.f32 v14, v16;
	v19 =	vsub.f32 v18, v19  }
0x287: {  	v26 =	vsub.f32 v18, v22;
	v22 =	vadd.f32 v22, v18;
	v30 =	vmul.f32 $5.000000000e-01, v28;
	v11 =	vld.idx.msk [tilespmem:v58+s2+$0x0], $0xffff  }
0x288: {  	v61 =	vadd.f32 v35, v34;
	v35 =	vld.idx.msk [tilespmem:v46+s8+$0x0], $0xffff;
	v16 =	vmul.f32 v16, v16;
	v19 =	vmul.f32 v19, v19  }
0x289: {  	v31 =	vmul.f32 $5.000000000e-01, v29;
	v46 =	vld [tilespmem:$0x1FF00];
	v59 =	vmul.f32 $1.428571490e-01, v8  }
0x28a: {  	v27 =	vmax.f32 v26, v27;
	v23 =	vmin.f32 v22, v23;
	v16 =	vadd.f32 v19, v16;
	v19 =	vld.idx.msk [tilespmem:v47+s8+$0x0], $0xffff  }
0x28b: {  	v60 =	vmul.f32 v29, v28;
	v23 =	vsub.f32 v23, v27;
	v47 =	vld [tilespmem:$0x1FF10];
	v32 =	vsub.f32 v59, v30  }
0x28c: {  	v27 =	vmul.f32 $1.428571490e-01, v11;
	v30 =	vadd.f32 v30, v59;
	v14 =	vsub.f32 v14, v59;
	v59 =	vld [tilespmem:$0x1FEC0]  }
0x28d: {  	v15 =	vsub.f32 v12, v15;
	v21 =	vmax.f32 v20, v21;
	v20 =	vmax.f32 v20, v32;
	v32 =	vld.idx.msk [tilespmem:v43+s2+$0x0], $0xffff  }
0x28e: {  	v17 =	vsub.f32 v13, v17;
	v25 =	vmin.f32 v24, v25;
	v33 =	vsub.f32 v27, v31;
	v43 =	vld [tilespmem:$0x1FE90]  }
0x28f: {  	v31 =	vadd.f32 v31, v27;
	v24 =	vmin.f32 v24, v30;
	v18 =	vsub.f32 v18, v27;
	v27 =	vld.idx.msk [tilespmem:v62+s8+$0x0], $0xffff  }
0x290: {  	v15 =	vmul.f32 v15, v15;
	v21 =	vsub.f32 v25, v21;
	v62 =	vld [tilespmem:$0x1FF60];
	v20 =	vsub.f32 v24, v20  }
0x291: {  	v24 =	vadd.f32 v60, v34;
	v34 =	vld.idx.msk [tilespmem:v45+s2+$0x0], $0xffff;
	v26 =	vmax.f32 v26, v33;
	v22 =	vmin.f32 v22, v31  }
0x292: {  	v17 =	vmul.f32 v17, v17;
	v15 =	vadd.f32 v15, v16;
	v60 =	vld [tilespmem:$0x1FED0];
	v22 =	vsub.f32 v22, v26  }
0x293: {  	v45 =	vld [tilespmem:$0x1FEF0];
	v26 =	vmul.f32 v23, v21  }
0x294: {  	v15 =	vadd.f32 v17, v15;
	v17 =	vld.idx.msk [tilespmem:v46+s8+$0x0], $0xffff;
	v31 =	vmul.f32 v22, v20  }
0x295: {  	v46 =	vld [tilespmem:$0x1FF70];
	v30 =	vsub.f32 v61, v26  }
0x296: {  	v33 =	vld.idx.msk [tilespmem:v44+s8+$0x0], $0xffff;
	v24 =	vsub.f32 v24, v31  }
0x297: {  	v44 =	vld [tilespmem:$0x1FF40];
	(erf) = vrcp.f32 v30  }
0x298: {  	vm0 =	vlt.f32 v21, $0.0e+00;
	v21 =	vld.idx.msk [tilespmem:v48+s2+$0x0], $0xffff;
	(erf) = vrcp.f32 v24  }
0x299: {  	v48 =	vld [tilespmem:$0x1FF20];
	(erf) = vrcp.f32 v63  }
0x29a: {  	v16 =	vld.idx.msk [tilespmem:v59+s8+$0x0], $0xffff  }
0x29b: {  	v59 =	vld [tilespmem:$0x1FF30]  }
0x29c: {  	v30 =	vld.idx.msk [tilespmem:v42+s8+$0x0], $0xffff  }
0x29d: {  	v24 =	vld.idx.msk [tilespmem:v60+s2+$0x0], $0xffff  }
0x29e: {  	v61 =	vsub.f32 v12, v28;
	v60 =	vld [tilespmem:$0x1FF50]  }
0x29f: {  	v43 =	vld.idx.msk [tilespmem:v43+s2+$0x0], $0xffff  }
0x2a0: {  	v25 =	vmul.f32 v61, v61;
	v61 =	vsub.f32 v33, v34;
	v33 =	vld.idx.msk [tilespmem:v62+s8+$0x0], $0xffff;
	v37 =	vpop (erf)  }
0x2a1: {  	v62 =	vld [tilespmem:$0x1FFB0];
	v39 =	vpop (erf)  }
0x2a2: {  	v14 =	vmul.f32 v14, v14;
	v18 =	vmul.f32 v18, v18;
	v34 =	vld.idx.msk [tilespmem:v46+s2+$0x0], $0xffff;
	v42 =	vpop (erf)  }
0x2a3: {  	v44 =	vld.idx.msk [tilespmem:v44+s8+$0x0], $0xffff;
	v42 =	vmul.f32 v42, v12  }
0x2a4: {  	v18 =	vadd.f32 v18, v14;
	v30 =	vsub.f32 v30, v32;
	v32 =	vmul.f32 v61, v61;
	v61 =	vld [tilespmem:$0x1FFA0]  }
0x2a5: {  	v26 =	vmul.f32 v37, v26;
	v37 =	vld.idx.msk [tilespmem:v47+s2+$0x0], $0xffff;
	v58 =	vadd.f32 v63, v42  }
0x2a6: {  	v18 =	vadd.f32 v25, v18;
	v25 =	vld.idx.msk [tilespmem:v60+s2+$0x0], $0xffff  }
0x2a7: {  	vm1 =	vlt.f32 v23, $0.0e+00;
	v47 =	vsub.f32 v41, v43;
	v41 =	vld [tilespmem:$0x1FFE0];
	v23 =	vmul.f32 $5.000000000e-01, v58  }
0x2a8: {  	v9 =	vsub.f32 v2, v9;
	vm0 =	vmor vm0, vm1;
	v43 =	vld [tilespmem:$0x1FFF0];
	v63 =	vshra.s32 v13, $0x1  }
0x2a9: {  	v14 =	vsel vm0, $0x0, v26;
	v26 =	vld.idx.msk [tilespmem:v48+s8+$0x0], $0xffff;
	v28 =	vadd.s32 $0x1FBD1DF5, v63;
	(erf) = vrcp.f32 v23  }
0x2aa: {  	v10 =	vsub.f32 v3, v10;
	v2 =	vsub.f32 v2, v8;
	v48 =	vld [tilespmem:$0x1FF80];
	(erf) = vrcp.f32 v28  }
0x2ab: {  	v29 =	vsub.f32 v13, v29;
	v9 =	vmul.f32 v9, v9;
	v3 =	vsub.f32 v3, v11;
	v42 =	vld.idx.msk [tilespmem:v45+s2+$0x0], $0xffff  }
0x2ac: {  	v10 =	vmul.f32 v10, v10;
	v2 =	vmul.f32 v2, v2;
	v17 =	vsub.f32 v17, v37;
	v37 =	vld.idx.msk [tilespmem:v61+s8+$0x0], $0xffff  }
0x2ad: {  	v3 =	vmul.f32 v3, v3;
	v19 =	vsub.f32 v19, v21;
	v45 =	vsub.f32 v38, v40;
	v40 =	vld [tilespmem:$0x1FFD0]  }
0x2ae: {  	vm9 =	vlt.f32 v15, $4.000000000e+02;
	v46 =	vsub.f32 v44, v25;
	v44 =	vld [tilespmem:$0x1FD10];
	v58 =	vmul.f32 v29, v29  }
0x2af: {  	v19 =	vmul.f32 v19, v19;
	vm0 =	vmneg vm9;
	vm10 =	vgt.f32 v14, $0.0e+00;
	v29 =	vld.idx.msk [tilespmem:v59+s2+$0x0], $0xffff  }
0x2b0: {  	vm0 =	vmor vm0, vm10;
	v63 =	vsub.f32 v35, v36;
	v59 =	vld [tilespmem:$0x1FF90];
	v18 =	vadd.f32 v58, v18  }
0x2b1: {  	vm2 =	vlt.f32 v20, $0.0e+00;
	v19 =	vadd.f32 v19, v32;
	v15 =	vsel vm0, $0x43C80000, v15;
	v32 =	vld.idx.msk [tilespmem:v41+s8+$0x0], $0xffff  }
0x2b2: {  	vm3 =	vlt.f32 v22, $0.0e+00;
	vm0 =	vlt.f32 v18, v15;
	v15 =	vmul.f32 v63, v63;
	v63 =	vld [tilespmem:$0x1FFC0];
	v36 =	vpop (erf)  }
0x2b3: {  	v9 =	vadd.f32 v10, v9;
	v2 =	vadd.f32 v3, v2;
	vm2 =	vmor vm2, vm3;
	v21 =	vld.idx.msk [tilespmem:v48+s8+$0x0], $0xffff;
	v60 =	vpop (erf)  }
0x2b4: {  	v30 =	vmul.f32 v30, v30;
	v58 =	vsub.f32 v27, v42;
	v48 =	vld.idx.msk [tilespmem:v50+s2+$0x0], $0xffff;
	v38 =	vmul.f32 v60, v13  }
0x2b5: {  	v16 =	vsub.f32 v16, v24;
	v35 =	vmul.f32 v47, v47;
	v18 =	vmul.f32 v45, v45;
	v45 =	vld.idx.msk [tilespmem:v49+s8+$0x0], $0xffff  }
0x2b6: {  	v26 =	vsub.f32 v26, v29;
	v29 =	vld.idx.msk [tilespmem:v62+s2+$0x0], $0xffff;
	v24 =	vmul.f32 v58, v58;
	v28 =	vadd.f32 v28, v38  }
0x2b7: {  	v16 =	vmul.f32 v16, v16;
	v47 =	vsub.f32 v33, v34;
	v30 =	vadd.f32 v35, v30;
	v35 =	vld.idx.msk [tilespmem:v40+s2+$0x0], $0xffff  }
0x2b8: {  	v17 =	vmul.f32 v17, v17;
	v42 =	vadd.f32 v24, v18;
	v18 =	vld.idx.msk [tilespmem:v43+s2+$0x0], $0xffff;
	v28 =	vmul.f32 $5.000000000e-01, v28  }
0x2b9: {  	v22 =	vmul.f32 v46, v46;
	v15 =	vadd.f32 v16, v15;
	v26 =	vmul.f32 v26, v26;
	v27 =	vld.idx.msk [tilespmem:v59+s2+$0x0], $0xffff  }
0x2ba: {  	v17 =	vadd.f32 v17, v30;
	v24 =	vmul.f32 v47, v47;
	v38 =	vld.idx.msk [tilespmem:v63+s8+$0x0], $0xffff;
	(erf) = vrcp.f32 v28  }
0x2bb: {  	v34 =	vld.idx.msk [tilespmem:v54+s2+$0x0], $0xffff;
	v58 =	vmul.f32 v39, v31;
	v15 =	vadd.f32 v22, v15;
	v20 =	vsub.f32 v45, v48  }
0x2bc: {  	v62 =	vld.idx.msk [tilespmem:v52+s2+$0x0], $0xffff;
	v40 =	vnsel vm10, $0x0, v14;
	v19 =	vadd.f32 v26, v19;
	v16 =	vadd.f32 v24, v42  }
0x2bd: {  	v59 =	vsub.f32 v37, v29;
	v37 =	vsel vm2, $0x0, v58;
	v20 =	vmul.f32 v20, v20;
	v60 =	vld.idx.msk [tilespmem:v51+s8+$0x0], $0xffff  }
0x2be: {  	v39 =	vld.idx.msk [tilespmem:v56+s2+$0x0], $0xffff;
	vm11 =	vgt.f32 v37, $0.0e+00;
	v18 =	vsub.f32 v32, v18;
	v12 =	vmul.f32 v36, v12  }
0x2bf: {  	vm1 =	vmor vm10, vm11;
	v21 =	vsub.f32 v21, v27;
	v61 =	vsub.f32 v38, v35;
	v35 =	vld.idx.msk [tilespmem:v55+s8+$0x0], $0xffff  }
0x2c0: {  	v45 =	vld [tilespmem:$0x1FDE0];
	vm2 =	vgt.f32 v37, v40;
	v27 =	vmul.f32 v59, v59;
	vm3 =	vmneg vm1  }
0x2c1: {  	v46 =	vld [tilespmem:$0x1FDF0];
	v18 =	vmul.f32 v18, v18;
	v12 =	vadd.f32 v12, v23;
	v21 =	vmul.f32 v21, v21  }
0x2c2: {  	vm1 =	vmand vm1, vm2;
	v63 =	vld.idx.msk [tilespmem:v53+s8+$0x0], $0xffff;
	v19 =	vadd.f32 v27, v19;
	v38 =	vsub.f32 v60, v62  }
0x2c3: {  	vm0 =	vmand vm3, vm0;
	v16 =	vadd.f32 v18, v16;
	v17 =	vadd.f32 v21, v17;
	v41 =	vpop (erf)  }
0x2c4: {  	v18 =	vmul.f32 v38, v38;
	v43 =	vsub.f32 v35, v39;
	v13 =	vmul.f32 v41, v13  }
0x2c5: {  	vm0 =	vmor vm1, vm0;
	v12 =	vmul.f32 $5.000000000e-01, v12;
	v17 =	vadd.f32 v20, v17  }
0x2c6: {  	v20 =	vld.idx.msk [tilespmem:v44+s8+$0x0], $0xffff;
	v18 =	vadd.f32 v18, v19;
	v19 =	vmul.f32 v43, v43;
	v13 =	vadd.f32 v13, v28  }
0x2c7: {  	v47 =	vsel vm0, v37, v14;
	v6 =	vsub.f32 v12, v6;
	v24 =	vsub.f32 v63, v34  }
0x2c8: {  	v33 =	vmul.f32 v61, v61;
	v16 =	vadd.f32 v19, v16;
	v19 =	vld.idx.msk [tilespmem:v45+s2+$0x0], $0xffff;
	v13 =	vmul.f32 $5.000000000e-01, v13  }
0x2c9: {  	vm14 =	vmneg vm0;
	v4 =	vsub.f32 v12, v4;
	v17 =	vadd.f32 v18, v17;
	v18 =	vld.idx.msk [tilespmem:v46+s2+$0x0], $0xffff  }
0x2ca: {  	v42 =	vmul.f32 v24, v24;
	v15 =	vadd.f32 v33, v15;
	v7 =	vsub.f32 v13, v7  }
0x2cb: {  	v6 =	vmul.f32 v6, v6;
	v4 =	vmul.f32 v4, v4;
	vm12 =	vlt.f32 v20, $0.0e+00  }
0x2cc: {  	vm13 =	vgt.f32 v20, $0.0e+00;
	v15 =	vadd.f32 v42, v15;
	v7 =	vmul.f32 v7, v7  }
0x2cd: {  	vm1 =	vmor vm13, vm12;
	v48 =	vsub.f32 v47, v19;
	v5 =	vsub.f32 v13, v5  }
0x2ce: {  	v59 =	vmul.f32 v18, v18;
	v6 =	vadd.f32 v7, v6;
	v7 =	vsub.f32 v47, v18  }
0x2cf: {  	v15 =	vadd.f32 v16, v15;
	v58 =	vmul.f32 v19, v19;
	v8 =	vmul.f32 v48, v48  }
0x2d0: {  	vm2 =	vmand vm1, vm14;
	v5 =	vmul.f32 v5, v5;
	v7 =	vmul.f32 v7, v7  }
0x2d1: {  	vm0 =	vmand vm1, vm0;
	v60 =	vadd.f32 v15, v17;
	v8 =	vsel vm2, v8, v58  }
0x2d2: {  	v3 =	vadd.f32 v5, v4;
	v6 =	vadd.f32 v6, v9;
	v7 =	vsel vm0, v7, v59  }
0x2d3: {  	v61 =	vadd.f32 v7, v8  }
0x2d4: {  	v2 =	vadd.f32 v3, v2;
	v3 =	vnsel vm1, $0x0, v60;
	v62 =	vmul.f32 $5.000000000e+00, v6  }
0x2d5: {  	v3 =	vadd.f32 v3, v61  }
0x2d6: {  	v2 =	vmul.f32 $5.000000000e+00, v2;
	v63 =	vnsel vm2, $0x0, v62  }
0x2d7: {  	v3 =	vadd.f32 v3, v63  }
0x2d8: {  	v2 =	vnsel vm0, $0x0, v2  }
0x2d9: {  	v2 =	vadd.f32 v3, v2  }
0x2da: {  	vm15 =	vmmov $0xff  }
0x2db: {  	v2 =	vnsel vm15, $0x0, v2  }
0x2dc: {  	s10 =	sadd.s32 $0x1, s10;
	v2 =	vadd.f32 v2, v57  }
0x2dd: {  	p0 =	sne.s32 s10, s6  }
.Ltmp1:
0x2de: {  	[tilespmem:$0x5800] =	vst v2;
	(pc) =	sbr.rel @p0 .LBB2_1-.Ltmp1, $4  }
0x2df: {  	[hbm4b:s5+s2] =	stream.linear.scatter [tilespmem:s9], [sflag:$0x1], $0x80, $0x38;
	[tilespmem:$0x5880] =	vst v63  }
0x2e0: {  	_ =	swait.ge [sflag:s7], $0x80  }
0x2e1: {  	[sflag:s7] =	ssyncset.done $0x0  }
0x2e2: {  	[sflag:s7] =	ssyncadd.s32 $0xFFFFFF80  }
0x2e3: {  	_ =	sfence.sel $0x180000  }
0x2e4: {  	[bflag:$0x0] =	sbarrier.arrive $0xFFFF  }
0x2e5: {  	p0 =	sne.s32 s0, $0x0;
	_ =	strace $0x90000047  }
0x2e6: {  	s0 =	sadd.s32 @!p0 $0x100000, s1;
	[bflag:$0x2] =	sbarrier.arrive $0xFFFF  }
0x2e7: {  	[sflag:s0] =	ssyncadd.tile.s32 @!p0 $0x1;
	_ =	shalt  }
.Lfunc_end2:
_tile_overlayer_lowered:
.L_overlay_start_2:
0x2e8: {  	(tag) =	ssettag $0x2  }
0x2e9: {  	s0 =	rddreg [dreg:$0x0];
	s2 =	stileid.u32  }
0x2ea: {  	s1 =	rddreg [dreg:$0x1];
	p0 =	sne.s32 s2, $0x0  }
0x2eb: {  	s3 =	rddreg [dreg:$0x2];
	[bflag:$0x3] =	sbarrier.arrive $0xFFFF;
	s2 =	simm.s32 @!p0 $0x1C01  }
0x2ec: {  	[timem:s3], [sflag:s2] =	dma.local @!p0 [hbm:s0], s1  }
0x2ed: {  	s0 =	simm.s32 @!p0 $0x1  }
0x2ee: {  	_ =	swait.ge @!p0 [sflag:s0], s1  }
0x2ef: {  	s1 =	ssub.s32 @!p0 $0x0, s1;
	[sflag:s0] =	ssyncset.done @!p0 $0x0  }
0x2f0: {  	[sflag:s0] =	ssyncadd.s32 @!p0 s1  }
0x2f1: {  	[bflag:$0x3] =	sbarrier.arrive $0xFFFF  }
0x2f2: {  	_ =	shalt  }

</sc_bundles>
